<compile_context>
chip_gen: v7x
topology: tpu7x:2x2x1
jax: 0.10.2.dev20260603
libtpu: 0.0.44.dev20260713+nightly
codegen_flags: <defaults>
</compile_context>

<pallas_src>
import functools

import jax
import jax.numpy as jnp
from jax.experimental import pallas as pl
from jax.experimental.pallas import tpu as pltpu
from jax.experimental.pallas import tpu_sc as plsc

CUTOFFS = [2000, 10000, 50000]
SHORTLIST = 2000
NEG_INF = float("-inf")
TB = 256


def _cluster_of(t):
    return ((t >= CUTOFFS[0]).astype(jnp.int32)
            + (t >= CUTOFFS[1]).astype(jnp.int32)
            + (t >= CUTOFFS[2]).astype(jnp.int32))


def _prep1_body(t_ref, pos_ref, cnt_ref, aoff_ref, *, n_tokens):
    tb = pl.program_id(0)
    t_all = t_ref[...]
    cl_all = _cluster_of(t_all)
    cl_row = jnp.transpose(cl_all)
    row0 = tb * TB
    cl_blk = _cluster_of(t_ref[pl.ds(row0, TB), :])
    cols = jax.lax.broadcasted_iota(jnp.int32, (TB, n_tokens), 1)
    rows = row0 + jax.lax.broadcasted_iota(jnp.int32, (TB, n_tokens), 0)
    rank = jnp.sum(jnp.where((cl_row == cl_blk) & (cols < rows), 1, 0),
                   axis=1, keepdims=True)
    cidx = jax.lax.broadcasted_iota(jnp.int32, (8, n_tokens), 0)
    cnt = jnp.sum((cl_row == cidx).astype(jnp.int32), axis=1, keepdims=True)
    rup = cnt
    c_r = jax.lax.broadcasted_iota(jnp.int32, (8, 8), 0)
    c_c = jax.lax.broadcasted_iota(jnp.int32, (8, 8), 1)
    aoff = jnp.sum(jnp.where(c_c < c_r, jnp.transpose(rup), 0), axis=1,
                   keepdims=True)
    cl8 = jax.lax.broadcasted_iota(jnp.int32, (TB, 8), 1)
    my_off = jnp.sum(jnp.where(cl_blk == cl8, jnp.transpose(aoff), 0),
                     axis=1, keepdims=True)
    pos_ref[...] = my_off + rank

    @pl.when(tb == 0)
    def _counts():
        cnt_ref[...] = cnt
        aoff_ref[...] = aoff


def _prep2_body(x_ref, w11_ref, w12_ref, w13_ref, t_ref, pos_ref,
                h1_ref, h2_ref, h3_ref, rel1_ref, rel2_ref, rel3_ref,
                q2_ref, q3_ref, hid1_ref, hid2_ref, hid3_ref, *, n_tokens):
    tb = pl.program_id(0)

    @pl.when(tb == 0)
    def _hidden():
        xb = x_ref[...].astype(jnp.bfloat16)
        for w_ref, hid_ref in ((w11_ref, hid1_ref), (w12_ref, hid2_ref),
                               (w13_ref, hid3_ref)):
            hid_ref[...] = jax.lax.dot_general(
                xb, w_ref[...].astype(jnp.bfloat16), (((1,), (1,)), ((), ())),
                preferred_element_type=jnp.float32).astype(jnp.bfloat16)

    row0 = tb * TB
    p_rows = row0 + jax.lax.broadcasted_iota(jnp.int32, (TB, n_tokens), 0)
    pos_row = jnp.transpose(pos_ref[...])
    s_blk = (pos_row == p_rows)
    s_bf = s_blk.astype(jnp.bfloat16)
    h1_ref[...] = jax.lax.dot_general(
        s_bf, hid1_ref[...], (((1,), (0,)), ((), ())),
        preferred_element_type=jnp.float32).astype(jnp.bfloat16)
    h2_ref[...] = jax.lax.dot_general(
        s_bf, hid2_ref[...], (((1,), (0,)), ((), ())),
        preferred_element_type=jnp.float32).astype(jnp.bfloat16)
    h3_ref[...] = jax.lax.dot_general(
        s_bf, hid3_ref[...], (((1,), (0,)), ((), ())),
        preferred_element_type=jnp.float32).astype(jnp.bfloat16)
    t_row = jnp.transpose(t_ref[...])
    tsv = jnp.sum(jnp.where(s_blk, t_row, 0), axis=1, keepdims=True)
    rel1 = jnp.clip(tsv - CUTOFFS[0], 0, CUTOFFS[1] - CUTOFFS[0] - 1)
    rel2 = jnp.clip(tsv - CUTOFFS[1], 0, CUTOFFS[2] - CUTOFFS[1] - 1)
    rel3 = jnp.clip(tsv - CUTOFFS[2], 0, 100000 - CUTOFFS[2] - 1)
    rel1_ref[...] = rel1
    rel2_ref[...] = rel2 // 2
    rel3_ref[...] = rel3 // 8
    q2_ref[...] = rel2 % 2
    q3_ref[...] = rel3 % 8


def _sc_gather(w21, w22, w23, r1, r2, r3):
    T = r1.shape[0]
    info = plsc.get_sparse_core_info()
    nc = info.num_cores
    nw = nc * info.num_subcores
    bpw = T // nw
    d1, d2, d3 = w21.shape[1], w22.shape[1], w23.shape[1]
    mesh = plsc.VectorSubcoreMesh(core_axis_name="c", subcore_axis_name="s")

    @functools.partial(
        pl.kernel, mesh=mesh,
        out_type=[
            jax.ShapeDtypeStruct((T, d1), jnp.float32),
            jax.ShapeDtypeStruct((T, d2), jnp.float32),
            jax.ShapeDtypeStruct((T, d3), jnp.float32),
        ],
        scratch_types=[
            pltpu.VMEM((bpw,), jnp.int32),
            pltpu.VMEM((bpw,), jnp.int32),
            pltpu.VMEM((bpw,), jnp.int32),
            pltpu.VMEM((bpw, d1), jnp.float32),
            pltpu.VMEM((bpw, d2), jnp.float32),
            pltpu.VMEM((bpw, d3), jnp.float32),
            pltpu.SemaphoreType.DMA,
            pltpu.SemaphoreType.DMA,
            pltpu.SemaphoreType.DMA,
        ],
    )
    def gather_k(t1, t2, t3, i1, i2, i3, g1, g2, g3,
                 iv1, iv2, iv3, rv1, rv2, rv3, sem1, sem2, sem3):
        wid = jax.lax.axis_index("s") * nc + jax.lax.axis_index("c")
        base = wid * bpw
        pltpu.sync_copy(i1.at[pl.ds(base, bpw)], iv1)
        pltpu.sync_copy(i2.at[pl.ds(base, bpw)], iv2)
        pltpu.sync_copy(i3.at[pl.ds(base, bpw)], iv3)
        c1 = pltpu.async_copy(t1.at[iv1], rv1, sem1)
        c2 = pltpu.async_copy(t2.at[iv2], rv2, sem2)
        c3 = pltpu.async_copy(t3.at[iv3], rv3, sem3)
        c1.wait()
        pltpu.sync_copy(rv1, g1.at[pl.ds(base, bpw)])
        c2.wait()
        pltpu.sync_copy(rv2, g2.at[pl.ds(base, bpw)])
        c3.wait()
        pltpu.sync_copy(rv3, g3.at[pl.ds(base, bpw)])

    return gather_k(w21, w22, w23, r1, r2, r3)


def _tail_body(oc_ref, h_ref, w2_ref, out_ref, m_ref, s_ref,
               *, n_cols, blk, n_blk, n_tb):
    cb = pl.program_id(0)
    off = oc_ref[0]
    cnt = oc_ref[1]

    @pl.when(cb == 0)
    def _init():
        m_ref[...] = jnp.full(m_ref.shape, NEG_INF, jnp.float32)
        s_ref[...] = jnp.zeros(s_ref.shape, jnp.float32)

    def _update(masked):
        w2b = w2_ref[...].astype(jnp.bfloat16)
        for j in range(n_tb):
            row0 = j * TB
            active = (row0 < off + cnt) & (row0 + TB > off)

            @pl.when(active)
            def _step(row0=row0):
                hid = h_ref[row0:row0 + TB, :]
                logits = jax.lax.dot_general(
                    hid, w2b, (((1,), (1,)), ((), ())),
                    preferred_element_type=jnp.float32)
                if masked:
                    cols = cb * blk + jax.lax.broadcasted_iota(
                        jnp.int32, logits.shape, 1)
                    lm = jnp.where(cols < n_cols, logits, NEG_INF)
                else:
                    lm = logits
                bm = jnp.max(lm, axis=1, keepdims=True)
                m_old = m_ref[row0:row0 + TB, :]
                m_new = jnp.maximum(m_old, bm)
                s_ref[row0:row0 + TB, :] = (
                    s_ref[row0:row0 + TB, :] * jnp.exp(m_old - m_new)
                    + jnp.sum(jnp.exp(lm - m_new), axis=1, keepdims=True))
                m_ref[row0:row0 + TB, :] = m_new

    @pl.when(cb < n_blk - 1)
    def _full_blocks():
        _update(masked=False)

    @pl.when(cb == n_blk - 1)
    def _last_block():
        _update(masked=True)
        rows = jax.lax.broadcasted_iota(jnp.int32, (m_ref.shape[0], 1), 0)
        valid = (rows >= off) & (rows < off + cnt)
        out_ref[...] = jnp.where(valid, m_ref[...] + jnp.log(s_ref[...]), 0.0)


def _tail_logsumexp(offcnt, h_sorted, w2, blk):
    T = h_sorted.shape[0]
    n_cols, h = w2.shape
    n_blk = pl.cdiv(n_cols, blk)
    n_tb = T // TB
    body = functools.partial(_tail_body, n_cols=n_cols, blk=blk,
                             n_blk=n_blk, n_tb=n_tb)
    grid_spec = pltpu.PrefetchScalarGridSpec(
        num_scalar_prefetch=1,
        grid=(n_blk,),
        in_specs=[
            pl.BlockSpec((T, h), lambda cb, oc: (0, 0)),
            pl.BlockSpec((blk, h), lambda cb, oc: (cb, 0)),
        ],
        out_specs=pl.BlockSpec((T, 1), lambda cb, oc: (0, 0)),
        scratch_shapes=[
            pltpu.VMEM((T, 1), jnp.float32),
            pltpu.VMEM((T, 1), jnp.float32),
        ],
    )
    return pl.pallas_call(
        body,
        grid_spec=grid_spec,
        out_shape=jax.ShapeDtypeStruct((T, 1), jnp.float32),
    )(offcnt, h_sorted, w2)


def _tgt_body(oc_ref, h1_ref, h2_ref, h3_ref, g1_ref, g2_ref, g3_ref,
              q2_ref, q3_ref, out_ref):
    rows = jax.lax.broadcasted_iota(jnp.int32, out_ref.shape, 0)

    def dot(h_ref, g_ref, q_ref, gf):
        hf = h_ref[...].astype(jnp.float32)
        if gf == 1:
            return jnp.sum(g_ref[...] * hf, axis=1, keepdims=True)
        w = hf.shape[1]
        ht = jnp.concatenate([hf] * gf, axis=1)
        seg = jax.lax.broadcasted_iota(jnp.int32, ht.shape, 1) // w
        prod = jnp.where(seg == q_ref[...], g_ref[...] * ht, 0.0)
        return jnp.sum(prod, axis=1, keepdims=True)

    out = jnp.zeros(out_ref.shape, jnp.float32)
    for i, tgt in enumerate((dot(h1_ref, g1_ref, None, 1),
                             dot(h2_ref, g2_ref, q2_ref, 2),
                             dot(h3_ref, g3_ref, q3_ref, 8))):
        off = oc_ref[2 * i]
        cnt = oc_ref[2 * i + 1]
        out += jnp.where((rows >= off) & (rows < off + cnt), tgt, 0.0)
    out_ref[...] = out


def _tgt_logits(oc6, hs_list, gs_list, q2, q3):
    T = hs_list[0].shape[0]
    full = lambda a: pl.BlockSpec(a.shape, lambda i, oc: (0,) * a.ndim)
    grid_spec = pltpu.PrefetchScalarGridSpec(
        num_scalar_prefetch=1,
        grid=(1,),
        in_specs=[full(a) for a in (*hs_list, *gs_list, q2, q3)],
        out_specs=pl.BlockSpec((T, 1), lambda i, oc: (0, 0)),
    )
    return pl.pallas_call(
        _tgt_body,
        grid_spec=grid_spec,
        out_shape=jax.ShapeDtypeStruct((T, 1), jnp.float32),
    )(oc6, *hs_list, *gs_list, q2, q3)


def _head_body(x_ref, hw_ref, t_ref, pos_ref, l1_ref, l2_ref, l3_ref, tg_ref,
               out_ref, loss_ref, acc_ref, *, n_tb, n_tokens):
    tb = pl.program_id(0)
    logits = jax.lax.dot_general(
        x_ref[...].astype(jnp.bfloat16), hw_ref[...].astype(jnp.bfloat16),
        (((1,), (1,)), ((), ())),
        preferred_element_type=jnp.float32)
    cols = jax.lax.broadcasted_iota(jnp.int32, logits.shape, 1)
    m = jnp.max(logits, axis=1, keepdims=True)
    s = jnp.sum(jnp.exp(logits - m), axis=1, keepdims=True)
    t = t_ref[...]
    cl = _cluster_of(t)
    gidx = jnp.where(cl == 0, t, SHORTLIST + cl - 1)
    ht = (jnp.sum(jnp.where(cols == gidx, logits, 0.0), axis=1, keepdims=True)
          - m - jnp.log(s))
    lsum = tg_ref[...] - (l1_ref[...] + l2_ref[...] + l3_ref[...])
    p_rows = jax.lax.broadcasted_iota(jnp.int32, (lsum.shape[0], TB), 0)
    s_blk = (jnp.transpose(pos_ref[...]) == p_rows).astype(jnp.float32)
    local = jax.lax.dot_general(
        s_blk, lsum, (((0,), (0,)), ((), ())),
        preferred_element_type=jnp.float32)
    out = local + ht
    out_ref[...] = out

    @pl.when(tb == 0)
    def _z():
        acc_ref[0] = 0.0

    acc_ref[0] += jnp.sum(-out) / n_tokens

    @pl.when(tb == n_tb - 1)
    def _w():
        loss_ref[...] = jnp.full((1, 1), acc_ref[0], jnp.float32)


def kernel(myinput, target, head_W, W1_1, W2_1, W1_2, W2_2, W1_3, W2_3):
    x = myinput
    T, F = x.shape
    t2 = target.astype(jnp.int32).reshape(T, 1)
    n_tb = T // TB

    pos, cnt8, aoff8 = pl.pallas_call(
        functools.partial(_prep1_body, n_tokens=T),
        grid=(n_tb,),
        in_specs=[pl.BlockSpec((T, 1), lambda tb: (0, 0))],
        out_specs=[
            pl.BlockSpec((TB, 1), lambda tb: (tb, 0)),
            pl.BlockSpec((8, 1), lambda tb: (0, 0)),
            pl.BlockSpec((8, 1), lambda tb: (0, 0)),
        ],
        out_shape=[
            jax.ShapeDtypeStruct((T, 1), jnp.int32),
            jax.ShapeDtypeStruct((8, 1), jnp.int32),
            jax.ShapeDtypeStruct((8, 1), jnp.int32),
        ],
    )(t2)

    hs = [W1_1.shape[0], W1_2.shape[0], W1_3.shape[0]]
    h1s, h2s, h3s, rel1, rel2g, rel3g, q2, q3 = pl.pallas_call(
        functools.partial(_prep2_body, n_tokens=T),
        grid=(n_tb,),
        in_specs=[
            pl.BlockSpec((T, F), lambda tb: (0, 0)),
            pl.BlockSpec(W1_1.shape, lambda tb: (0, 0)),
            pl.BlockSpec(W1_2.shape, lambda tb: (0, 0)),
            pl.BlockSpec(W1_3.shape, lambda tb: (0, 0)),
            pl.BlockSpec((T, 1), lambda tb: (0, 0)),
            pl.BlockSpec((T, 1), lambda tb: (0, 0)),
        ],
        out_specs=[
            pl.BlockSpec((TB, hs[0]), lambda tb: (tb, 0)),
            pl.BlockSpec((TB, hs[1]), lambda tb: (tb, 0)),
            pl.BlockSpec((TB, hs[2]), lambda tb: (tb, 0)),
            pl.BlockSpec((TB, 1), lambda tb: (tb, 0)),
            pl.BlockSpec((TB, 1), lambda tb: (tb, 0)),
            pl.BlockSpec((TB, 1), lambda tb: (tb, 0)),
            pl.BlockSpec((TB, 1), lambda tb: (tb, 0)),
            pl.BlockSpec((TB, 1), lambda tb: (tb, 0)),
        ],
        out_shape=[
            jax.ShapeDtypeStruct((T, hs[0]), jnp.bfloat16),
            jax.ShapeDtypeStruct((T, hs[1]), jnp.bfloat16),
            jax.ShapeDtypeStruct((T, hs[2]), jnp.bfloat16),
            jax.ShapeDtypeStruct((T, 1), jnp.int32),
            jax.ShapeDtypeStruct((T, 1), jnp.int32),
            jax.ShapeDtypeStruct((T, 1), jnp.int32),
            jax.ShapeDtypeStruct((T, 1), jnp.int32),
            jax.ShapeDtypeStruct((T, 1), jnp.int32),
        ],
        scratch_shapes=[
            pltpu.VMEM((T, hs[0]), jnp.bfloat16),
            pltpu.VMEM((T, hs[1]), jnp.bfloat16),
            pltpu.VMEM((T, hs[2]), jnp.bfloat16),
        ],
    )(x, W1_1, W1_2, W1_3, t2, pos)

    oc1 = jnp.stack([aoff8[1, 0], cnt8[1, 0]])
    oc2 = jnp.stack([aoff8[2, 0], cnt8[2, 0]])
    oc3 = jnp.stack([aoff8[3, 0], cnt8[3, 0]])
    oc6 = jnp.concatenate([oc1, oc2, oc3])

    w22g = W2_2.reshape(-1, 128)
    w23g = W2_3.reshape(-1, 128)
    g1, g2, g3 = _sc_gather(W2_1, w22g, w23g, rel1.reshape(T),
                            rel2g.reshape(T), rel3g.reshape(T))

    l1 = _tail_logsumexp(oc1, h1s, W2_1, 2048)
    l2 = _tail_logsumexp(oc2, h2s, W2_2, 2048)
    l3 = _tail_logsumexp(oc3, h3s, W2_3, 2048)
    tg = _tgt_logits(oc6, [h1s, h2s, h3s], [g1, g2, g3], q2, q3)

    body = functools.partial(_head_body, n_tb=n_tb, n_tokens=T)
    out, loss = pl.pallas_call(
        body,
        grid=(n_tb,),
        in_specs=[
            pl.BlockSpec((TB, F), lambda tb: (tb, 0)),
            pl.BlockSpec(head_W.shape, lambda tb: (0, 0)),
            pl.BlockSpec((TB, 1), lambda tb: (tb, 0)),
            pl.BlockSpec((TB, 1), lambda tb: (tb, 0)),
            pl.BlockSpec((T, 1), lambda tb: (0, 0)),
            pl.BlockSpec((T, 1), lambda tb: (0, 0)),
            pl.BlockSpec((T, 1), lambda tb: (0, 0)),
            pl.BlockSpec((T, 1), lambda tb: (0, 0)),
        ],
        out_specs=[
            pl.BlockSpec((TB, 1), lambda tb: (tb, 0)),
            pl.BlockSpec((1, 1), lambda tb: (0, 0)),
        ],
        out_shape=[
            jax.ShapeDtypeStruct((T, 1), jnp.float32),
            jax.ShapeDtypeStruct((1, 1), jnp.float32),
        ],
        scratch_shapes=[pltpu.SMEM((1,), jnp.float32)],
    )(x, head_W, t2, pos, l1, l2, l3, tg)
    return (out.reshape(T), loss[0, 0])

# --- scband reference (transcript-rebuilt; emitter-appended) ---
"""Pipeline reference for scband-adaptive-log-softmax-with-loss-18786186953332 (READ-ONLY COPY).

The authoritative reference and input builder live on the scoring server;
editing this copy changes nothing except your own understanding.
"""

import jax, jax.numpy as jnp
import numpy as np

IN_FEATURES = 1024
N_CLASSES = 100000
CUTOFFS = [2000, 10000, 50000]
DIV_VALUE = 4.0
N_TOKENS = 2048
SHORTLIST = CUTOFFS[0]
N_CLUSTERS = 3
HEAD_SIZE = SHORTLIST + N_CLUSTERS
CUT_ALL = [0] + CUTOFFS + [N_CLASSES]


def setup_inputs(seed: int = 0) -> dict:
    key = jax.random.key(seed)
    ks = jax.random.split(key, 12)
    x = jax.random.normal(ks[0], (N_TOKENS, IN_FEATURES), dtype=jnp.float32)
    target = jax.random.randint(ks[1], (N_TOKENS,), 0, N_CLASSES, dtype=jnp.int32)
    head_W = jax.random.normal(ks[2], (HEAD_SIZE, IN_FEATURES), dtype=jnp.float32) * (1.0 / np.sqrt(IN_FEATURES))
    inp = {"myinput": x, "target": target, "head_W": head_W}
    for i in range(N_CLUSTERS):
        hsz = int(IN_FEATURES // (DIV_VALUE ** (i + 1)))
        osz = CUT_ALL[i + 2] - CUT_ALL[i + 1]
        inp[f"W1_{i+1}"] = jax.random.normal(ks[3 + 2 * i], (hsz, IN_FEATURES), dtype=jnp.float32) * (1.0 / np.sqrt(IN_FEATURES))
        inp[f"W2_{i+1}"] = jax.random.normal(ks[4 + 2 * i], (osz, hsz), dtype=jnp.float32) * (1.0 / np.sqrt(hsz))
    return inp


def reference(myinput, target, head_W, W1_1, W2_1, W1_2, W2_2, W1_3, W2_3):
    # cluster id per token: 0 = shortlist, 1..3 = tail clusters
    t = target.astype(jnp.int32)
    cluster = ((t >= CUTOFFS[0]).astype(jnp.int32)
               + (t >= CUTOFFS[1]).astype(jnp.int32)
               + (t >= CUTOFFS[2]).astype(jnp.int32))
    # gather index into the head: target itself for shortlist, else cluster slot
    gather_inds = jnp.where(cluster == 0, t, SHORTLIST + cluster - 1)

    output = jnp.zeros((myinput.shape[0],), dtype=myinput.dtype)
    tails = [(W1_1, W2_1), (W1_2, W2_2), (W1_3, W2_3)]
    for i in range(1, N_CLUSTERS + 1):
        low = CUT_ALL[i]
        high = CUT_ALL[i + 1]
        W1, W2 = tails[i - 1]
        rel = jnp.clip(t - low, 0, high - low - 1)
        # tail projection (Dropout is identity in eval mode)
        hidden = myinput @ W1.T
        logits = hidden @ W2.T
        lp = jax.nn.log_softmax(logits, axis=1)
        local = jnp.take_along_axis(lp, rel[:, None], axis=1)[:, 0]
        output = output + jnp.where(cluster == i, local, 0.0)

    head_output = myinput @ head_W.T
    head_logprob = jax.nn.log_softmax(head_output, axis=1)
    head_term = jnp.take_along_axis(head_logprob, gather_inds[:, None], axis=1)[:, 0]
    output = output + head_term
    loss = (-output).mean()
    return (output, loss)

if __name__ == "__main__":
    import jax
    _d = setup_inputs()
    print(jax.jit(kernel)(*tuple(_d.values())))

</pallas_src>

<mosaic_0001>
#map = affine_map<(d0, d1) -> (0, 0)>
#map1 = affine_map<(d0, d1) -> (0)>
module attributes {stable_mosaic.version = 14 : i64} {
  func.func @gather_k(%arg0: i32, %arg1: i32, %arg2: memref<8000x256xf32, #tpu.memory_space<hbm>>, %arg3: memref<20000x128xf32, #tpu.memory_space<hbm>>, %arg4: memref<6250x128xf32, #tpu.memory_space<hbm>>, %arg5: memref<2048xi32, #tpu.memory_space<hbm>>, %arg6: memref<2048xi32, #tpu.memory_space<hbm>>, %arg7: memref<2048xi32, #tpu.memory_space<hbm>>, %arg8: memref<2048x256xf32, #tpu.memory_space<hbm>>, %arg9: memref<2048x128xf32, #tpu.memory_space<hbm>>, %arg10: memref<2048x128xf32, #tpu.memory_space<hbm>>, %arg11: memref<64xi32, #tpu.memory_space<vmem>>, %arg12: memref<64xi32, #tpu.memory_space<vmem>>, %arg13: memref<64xi32, #tpu.memory_space<vmem>>, %arg14: memref<64x256xf32, #tpu.memory_space<vmem>>, %arg15: memref<64x128xf32, #tpu.memory_space<vmem>>, %arg16: memref<64x128xf32, #tpu.memory_space<vmem>>, %arg17: memref<!tpu.dma_semaphore, #tpu.memory_space<semaphore_mem>>, %arg18: memref<!tpu.dma_semaphore, #tpu.memory_space<semaphore_mem>>, %arg19: memref<!tpu.dma_semaphore, #tpu.memory_space<semaphore_mem>>) attributes {dimension_semantics = [#tpu.dimension_semantics<core_parallel>, #tpu.dimension_semantics<subcore_parallel>], iteration_bounds = array<i64: 2, 16>, scalar_prefetch = 0 : i64, scratch_operands = 9 : i64, tpu.core_type = #tpu.core_type<sc_vector_subcore>, window_params = [{transform_indices = #map}, {transform_indices = #map}, {transform_indices = #map}, {transform_indices = #map1}, {transform_indices = #map1}, {transform_indices = #map1}, {transform_indices = #map}, {transform_indices = #map}, {transform_indices = #map}]} {
    %mul3A = arith.constant 2 : i32
    %mul3A_0 = arith.muli %arg1, %mul3A : i32
    %add3A = arith.addi %mul3A_0, %arg0 : i32
    %mul3A_1 = arith.constant 64 : i32
    %mul3A_2 = arith.muli %add3A, %mul3A_1 : i32
    "tpu.region"() ({
      %run_scoped3A = tpu.sem_alloc : memref<!tpu.dma_semaphore, #tpu.memory_space<semaphore_mem>>
      %dma_start3A_19 = tpu.memref_slice %arg5[%mul3A_2] : memref<2048xi32, #tpu.memory_space<hbm>> -> memref<64xi32, #tpu.memory_space<hbm>>
      %dma_start3A_20 = tpu.memref_slice %arg5[%mul3A_2] : memref<2048xi32, #tpu.memory_space<hbm>> -> memref<64xi32, #tpu.memory_space<hbm>>
      tpu.enqueue_dma source(%dma_start3A_20 : memref<64xi32, #tpu.memory_space<hbm>>) target(%arg11 : memref<64xi32, #tpu.memory_space<vmem>>) target_semaphore(%run_scoped3A : memref<!tpu.dma_semaphore, #tpu.memory_space<semaphore_mem>>)
      %dma_wait3A_21 = tpu.memref_slice %arg5[%mul3A_2] : memref<2048xi32, #tpu.memory_space<hbm>> -> memref<64xi32, #tpu.memory_space<hbm>>
      %dma_wait3A_22 = tpu.memref_slice %arg5[%mul3A_2] : memref<2048xi32, #tpu.memory_space<hbm>> -> memref<64xi32, #tpu.memory_space<hbm>>
      tpu.wait_dma2 semaphore(%run_scoped3A : memref<!tpu.dma_semaphore, #tpu.memory_space<semaphore_mem>>) src(%dma_wait3A_22 : memref<64xi32, #tpu.memory_space<hbm>>) dst(%arg11 : memref<64xi32, #tpu.memory_space<vmem>>)
      tpu.yield
    }) : () -> ()
    "tpu.region"() ({
      %run_scoped3A = tpu.sem_alloc : memref<!tpu.dma_semaphore, #tpu.memory_space<semaphore_mem>>
      %dma_start3A_19 = tpu.memref_slice %arg6[%mul3A_2] : memref<2048xi32, #tpu.memory_space<hbm>> -> memref<64xi32, #tpu.memory_space<hbm>>
      %dma_start3A_20 = tpu.memref_slice %arg6[%mul3A_2] : memref<2048xi32, #tpu.memory_space<hbm>> -> memref<64xi32, #tpu.memory_space<hbm>>
      tpu.enqueue_dma source(%dma_start3A_20 : memref<64xi32, #tpu.memory_space<hbm>>) target(%arg12 : memref<64xi32, #tpu.memory_space<vmem>>) target_semaphore(%run_scoped3A : memref<!tpu.dma_semaphore, #tpu.memory_space<semaphore_mem>>)
      %dma_wait3A_21 = tpu.memref_slice %arg6[%mul3A_2] : memref<2048xi32, #tpu.memory_space<hbm>> -> memref<64xi32, #tpu.memory_space<hbm>>
      %dma_wait3A_22 = tpu.memref_slice %arg6[%mul3A_2] : memref<2048xi32, #tpu.memory_space<hbm>> -> memref<64xi32, #tpu.memory_space<hbm>>
      tpu.wait_dma2 semaphore(%run_scoped3A : memref<!tpu.dma_semaphore, #tpu.memory_space<semaphore_mem>>) src(%dma_wait3A_22 : memref<64xi32, #tpu.memory_space<hbm>>) dst(%arg12 : memref<64xi32, #tpu.memory_space<vmem>>)
      tpu.yield
    }) : () -> ()
    "tpu.region"() ({
      %run_scoped3A = tpu.sem_alloc : memref<!tpu.dma_semaphore, #tpu.memory_space<semaphore_mem>>
      %dma_start3A_19 = tpu.memref_slice %arg7[%mul3A_2] : memref<2048xi32, #tpu.memory_space<hbm>> -> memref<64xi32, #tpu.memory_space<hbm>>
      %dma_start3A_20 = tpu.memref_slice %arg7[%mul3A_2] : memref<2048xi32, #tpu.memory_space<hbm>> -> memref<64xi32, #tpu.memory_space<hbm>>
      tpu.enqueue_dma source(%dma_start3A_20 : memref<64xi32, #tpu.memory_space<hbm>>) target(%arg13 : memref<64xi32, #tpu.memory_space<vmem>>) target_semaphore(%run_scoped3A : memref<!tpu.dma_semaphore, #tpu.memory_space<semaphore_mem>>)
      %dma_wait3A_21 = tpu.memref_slice %arg7[%mul3A_2] : memref<2048xi32, #tpu.memory_space<hbm>> -> memref<64xi32, #tpu.memory_space<hbm>>
      %dma_wait3A_22 = tpu.memref_slice %arg7[%mul3A_2] : memref<2048xi32, #tpu.memory_space<hbm>> -> memref<64xi32, #tpu.memory_space<hbm>>
      tpu.wait_dma2 semaphore(%run_scoped3A : memref<!tpu.dma_semaphore, #tpu.memory_space<semaphore_mem>>) src(%dma_wait3A_22 : memref<64xi32, #tpu.memory_space<hbm>>) dst(%arg13 : memref<64xi32, #tpu.memory_space<vmem>>)
      tpu.yield
    }) : () -> ()
    %dma_start3A = arith.constant 0 : i32
    %dma_start3A_3 = arith.constant 0 : i32
    %dma_start3A_4 = tpu.memref_slice %arg2[%dma_start3A, %dma_start3A_3] : memref<8000x256xf32, #tpu.memory_space<hbm>> -> memref<8000x256xf32, #tpu.memory_space<hbm>>
    tpu.enqueue_indirect_dma source(%dma_start3A_4 : memref<8000x256xf32, #tpu.memory_space<hbm>>) target(%arg14 : memref<64x256xf32, #tpu.memory_space<vmem>>) offsets(%arg11 : memref<64xi32, #tpu.memory_space<vmem>>) semaphore(%arg17 : memref<!tpu.dma_semaphore, #tpu.memory_space<semaphore_mem>>)
    %dma_start3A_5 = arith.constant 0 : i32
    %dma_start3A_6 = arith.constant 0 : i32
    %dma_start3A_7 = tpu.memref_slice %arg3[%dma_start3A_5, %dma_start3A_6] : memref<20000x128xf32, #tpu.memory_space<hbm>> -> memref<20000x128xf32, #tpu.memory_space<hbm>>
    tpu.enqueue_indirect_dma source(%dma_start3A_7 : memref<20000x128xf32, #tpu.memory_space<hbm>>) target(%arg15 : memref<64x128xf32, #tpu.memory_space<vmem>>) offsets(%arg12 : memref<64xi32, #tpu.memory_space<vmem>>) semaphore(%arg18 : memref<!tpu.dma_semaphore, #tpu.memory_space<semaphore_mem>>)
    %dma_start3A_8 = arith.constant 0 : i32
    %dma_start3A_9 = arith.constant 0 : i32
    %dma_start3A_10 = tpu.memref_slice %arg4[%dma_start3A_8, %dma_start3A_9] : memref<6250x128xf32, #tpu.memory_space<hbm>> -> memref<6250x128xf32, #tpu.memory_space<hbm>>
    tpu.enqueue_indirect_dma source(%dma_start3A_10 : memref<6250x128xf32, #tpu.memory_space<hbm>>) target(%arg16 : memref<64x128xf32, #tpu.memory_space<vmem>>) offsets(%arg13 : memref<64xi32, #tpu.memory_space<vmem>>) semaphore(%arg19 : memref<!tpu.dma_semaphore, #tpu.memory_space<semaphore_mem>>)
    %dma_wait3A = arith.constant 0 : i32
    %dma_wait3A_11 = arith.constant 0 : i32
    %dma_wait3A_12 = tpu.memref_slice %arg2[%dma_wait3A, %dma_wait3A_11] : memref<8000x256xf32, #tpu.memory_space<hbm>> -> memref<8000x256xf32, #tpu.memory_space<hbm>>
    tpu.wait_indirect_dma semaphore(%arg17 : memref<!tpu.dma_semaphore, #tpu.memory_space<semaphore_mem>>) src(%dma_wait3A_12 : memref<8000x256xf32, #tpu.memory_space<hbm>>) dst(%arg14 : memref<64x256xf32, #tpu.memory_space<vmem>>)
    "tpu.region"() ({
      %run_scoped3A = tpu.sem_alloc : memref<!tpu.dma_semaphore, #tpu.memory_space<semaphore_mem>>
      %dma_start3A_19 = arith.constant 0 : i32
      %dma_start3A_20 = tpu.memref_slice %arg8[%mul3A_2, %dma_start3A_19] : memref<2048x256xf32, #tpu.memory_space<hbm>> -> memref<64x256xf32, #tpu.memory_space<hbm>>
      %dma_start3A_21 = arith.constant 0 : i32
      %dma_start3A_22 = tpu.memref_slice %arg8[%mul3A_2, %dma_start3A_21] : memref<2048x256xf32, #tpu.memory_space<hbm>> -> memref<64x256xf32, #tpu.memory_space<hbm>>
      tpu.enqueue_dma source(%arg14 : memref<64x256xf32, #tpu.memory_space<vmem>>) target(%dma_start3A_22 : memref<64x256xf32, #tpu.memory_space<hbm>>) target_semaphore(%run_scoped3A : memref<!tpu.dma_semaphore, #tpu.memory_space<semaphore_mem>>)
      %dma_wait3A_23 = arith.constant 0 : i32
      %dma_wait3A_24 = tpu.memref_slice %arg8[%mul3A_2, %dma_wait3A_23] : memref<2048x256xf32, #tpu.memory_space<hbm>> -> memref<64x256xf32, #tpu.memory_space<hbm>>
      %dma_wait3A_25 = arith.constant 0 : i32
      %dma_wait3A_26 = tpu.memref_slice %arg8[%mul3A_2, %dma_wait3A_25] : memref<2048x256xf32, #tpu.memory_space<hbm>> -> memref<64x256xf32, #tpu.memory_space<hbm>>
      tpu.wait_dma2 semaphore(%run_scoped3A : memref<!tpu.dma_semaphore, #tpu.memory_space<semaphore_mem>>) src(%arg14 : memref<64x256xf32, #tpu.memory_space<vmem>>) dst(%dma_wait3A_26 : memref<64x256xf32, #tpu.memory_space<hbm>>)
      tpu.yield
    }) : () -> ()
    %dma_wait3A_13 = arith.constant 0 : i32
    %dma_wait3A_14 = arith.constant 0 : i32
    %dma_wait3A_15 = tpu.memref_slice %arg3[%dma_wait3A_13, %dma_wait3A_14] : memref<20000x128xf32, #tpu.memory_space<hbm>> -> memref<20000x128xf32, #tpu.memory_space<hbm>>
    tpu.wait_indirect_dma semaphore(%arg18 : memref<!tpu.dma_semaphore, #tpu.memory_space<semaphore_mem>>) src(%dma_wait3A_15 : memref<20000x128xf32, #tpu.memory_space<hbm>>) dst(%arg15 : memref<64x128xf32, #tpu.memory_space<vmem>>)
    "tpu.region"() ({
      %run_scoped3A = tpu.sem_alloc : memref<!tpu.dma_semaphore, #tpu.memory_space<semaphore_mem>>
      %dma_start3A_19 = arith.constant 0 : i32
      %dma_start3A_20 = tpu.memref_slice %arg9[%mul3A_2, %dma_start3A_19] : memref<2048x128xf32, #tpu.memory_space<hbm>> -> memref<64x128xf32, #tpu.memory_space<hbm>>
      %dma_start3A_21 = arith.constant 0 : i32
      %dma_start3A_22 = tpu.memref_slice %arg9[%mul3A_2, %dma_start3A_21] : memref<2048x128xf32, #tpu.memory_space<hbm>> -> memref<64x128xf32, #tpu.memory_space<hbm>>
      tpu.enqueue_dma source(%arg15 : memref<64x128xf32, #tpu.memory_space<vmem>>) target(%dma_start3A_22 : memref<64x128xf32, #tpu.memory_space<hbm>>) target_semaphore(%run_scoped3A : memref<!tpu.dma_semaphore, #tpu.memory_space<semaphore_mem>>)
      %dma_wait3A_23 = arith.constant 0 : i32
      %dma_wait3A_24 = tpu.memref_slice %arg9[%mul3A_2, %dma_wait3A_23] : memref<2048x128xf32, #tpu.memory_space<hbm>> -> memref<64x128xf32, #tpu.memory_space<hbm>>
      %dma_wait3A_25 = arith.constant 0 : i32
      %dma_wait3A_26 = tpu.memref_slice %arg9[%mul3A_2, %dma_wait3A_25] : memref<2048x128xf32, #tpu.memory_space<hbm>> -> memref<64x128xf32, #tpu.memory_space<hbm>>
      tpu.wait_dma2 semaphore(%run_scoped3A : memref<!tpu.dma_semaphore, #tpu.memory_space<semaphore_mem>>) src(%arg15 : memref<64x128xf32, #tpu.memory_space<vmem>>) dst(%dma_wait3A_26 : memref<64x128xf32, #tpu.memory_space<hbm>>)
      tpu.yield
    }) : () -> ()
    %dma_wait3A_16 = arith.constant 0 : i32
    %dma_wait3A_17 = arith.constant 0 : i32
    %dma_wait3A_18 = tpu.memref_slice %arg4[%dma_wait3A_16, %dma_wait3A_17] : memref<6250x128xf32, #tpu.memory_space<hbm>> -> memref<6250x128xf32, #tpu.memory_space<hbm>>
    tpu.wait_indirect_dma semaphore(%arg19 : memref<!tpu.dma_semaphore, #tpu.memory_space<semaphore_mem>>) src(%dma_wait3A_18 : memref<6250x128xf32, #tpu.memory_space<hbm>>) dst(%arg16 : memref<64x128xf32, #tpu.memory_space<vmem>>)
    "tpu.region"() ({
      %run_scoped3A = tpu.sem_alloc : memref<!tpu.dma_semaphore, #tpu.memory_space<semaphore_mem>>
      %dma_start3A_19 = arith.constant 0 : i32
      %dma_start3A_20 = tpu.memref_slice %arg10[%mul3A_2, %dma_start3A_19] : memref<2048x128xf32, #tpu.memory_space<hbm>> -> memref<64x128xf32, #tpu.memory_space<hbm>>
      %dma_start3A_21 = arith.constant 0 : i32
      %dma_start3A_22 = tpu.memref_slice %arg10[%mul3A_2, %dma_start3A_21] : memref<2048x128xf32, #tpu.memory_space<hbm>> -> memref<64x128xf32, #tpu.memory_space<hbm>>
      tpu.enqueue_dma source(%arg16 : memref<64x128xf32, #tpu.memory_space<vmem>>) target(%dma_start3A_22 : memref<64x128xf32, #tpu.memory_space<hbm>>) target_semaphore(%run_scoped3A : memref<!tpu.dma_semaphore, #tpu.memory_space<semaphore_mem>>)
      %dma_wait3A_23 = arith.constant 0 : i32
      %dma_wait3A_24 = tpu.memref_slice %arg10[%mul3A_2, %dma_wait3A_23] : memref<2048x128xf32, #tpu.memory_space<hbm>> -> memref<64x128xf32, #tpu.memory_space<hbm>>
      %dma_wait3A_25 = arith.constant 0 : i32
      %dma_wait3A_26 = tpu.memref_slice %arg10[%mul3A_2, %dma_wait3A_25] : memref<2048x128xf32, #tpu.memory_space<hbm>> -> memref<64x128xf32, #tpu.memory_space<hbm>>
      tpu.wait_dma2 semaphore(%run_scoped3A : memref<!tpu.dma_semaphore, #tpu.memory_space<semaphore_mem>>) src(%arg16 : memref<64x128xf32, #tpu.memory_space<vmem>>) dst(%dma_wait3A_26 : memref<64x128xf32, #tpu.memory_space<hbm>>)
      tpu.yield
    }) : () -> ()
    return
  }
}

module attributes {stable_mosaic.version = 14 : i64} {
  func.func @_prep1_body(%arg0: i32, %arg1: memref<2048x1xi32, #tpu.memory_space<vmem>>, %arg2: memref<256x1xi32, #tpu.memory_space<vmem>>, %arg3: memref<8x1xi32, #tpu.memory_space<vmem>>, %arg4: memref<8x1xi32, #tpu.memory_space<vmem>>) attributes {dimension_semantics = [#tpu.dimension_semantics<arbitrary>], iteration_bounds = array<i64: 8>, scalar_prefetch = 0 : i64, scratch_operands = 0 : i64, tpu.core_type = #tpu.core_type<tc>, window_params = [{pipeline_mode = #tpu.pipeline_mode<synchronous>, transform_indices = @transform_0, window_bounds = array<i64: 2048, 1>}, {transform_indices = @transform_1, window_bounds = array<i64: 256, 1>}, {pipeline_mode = #tpu.pipeline_mode<synchronous>, transform_indices = @transform_2, window_bounds = array<i64: 8, 1>}, {pipeline_mode = #tpu.pipeline_mode<synchronous>, transform_indices = @transform_3, window_bounds = array<i64: 8, 1>}]} {
    %get3A = arith.constant 0 : index
    %get3A_0 = arith.constant 0 : index
    %get3A_1 = vector.load %arg1[%get3A, %get3A_0] : memref<2048x1xi32, #tpu.memory_space<vmem>>, vector<2048x1xi32>
    %ge3A = arith.constant 2000 : i32
    %ge3A_2 = vector.broadcast %ge3A : i32 to vector<2048x1xi32>
    %ge3A_3 = arith.cmpi sge, %get3A_1, %ge3A_2 : vector<2048x1xi32>
    %convert_element_type3A = arith.extui %ge3A_3 : vector<2048x1xi1> to vector<2048x1xi32>
    %ge3A_4 = arith.constant 10000 : i32
    %ge3A_5 = vector.broadcast %ge3A_4 : i32 to vector<2048x1xi32>
    %ge3A_6 = arith.cmpi sge, %get3A_1, %ge3A_5 : vector<2048x1xi32>
    %convert_element_type3A_7 = arith.extui %ge3A_6 : vector<2048x1xi1> to vector<2048x1xi32>
    %add3A = arith.addi %convert_element_type3A, %convert_element_type3A_7 : vector<2048x1xi32>
    %ge3A_8 = arith.constant 50000 : i32
    %ge3A_9 = vector.broadcast %ge3A_8 : i32 to vector<2048x1xi32>
    %ge3A_10 = arith.cmpi sge, %get3A_1, %ge3A_9 : vector<2048x1xi32>
    %convert_element_type3A_11 = arith.extui %ge3A_10 : vector<2048x1xi1> to vector<2048x1xi32>
    %add3A_12 = arith.addi %add3A, %convert_element_type3A_11 : vector<2048x1xi32>
    %transpose3A = tpu.transpose %add3A_12, [1, 0] : vector<2048x1xi32> -> vector<1x2048xi32>
    %mul3A = arith.constant 256 : i32
    %mul3A_13 = arith.muli %arg0, %mul3A : i32
    %get3A_14 = arith.index_cast %mul3A_13 : i32 to index
    %get3A_15 = arith.constant 0 : index
    %get3A_16 = vector.load %arg1[%get3A_14, %get3A_15] : memref<2048x1xi32, #tpu.memory_space<vmem>>, vector<256x1xi32>
    %ge3A_17 = arith.constant 2000 : i32
    %ge3A_18 = vector.broadcast %ge3A_17 : i32 to vector<256x1xi32>
    %ge3A_19 = arith.cmpi sge, %get3A_16, %ge3A_18 : vector<256x1xi32>
    %convert_element_type3A_20 = arith.extui %ge3A_19 : vector<256x1xi1> to vector<256x1xi32>
    %ge3A_21 = arith.constant 10000 : i32
    %ge3A_22 = vector.broadcast %ge3A_21 : i32 to vector<256x1xi32>
    %ge3A_23 = arith.cmpi sge, %get3A_16, %ge3A_22 : vector<256x1xi32>
    %convert_element_type3A_24 = arith.extui %ge3A_23 : vector<256x1xi1> to vector<256x1xi32>
    %add3A_25 = arith.addi %convert_element_type3A_20, %convert_element_type3A_24 : vector<256x1xi32>
    %ge3A_26 = arith.constant 50000 : i32
    %ge3A_27 = vector.broadcast %ge3A_26 : i32 to vector<256x1xi32>
    %ge3A_28 = arith.cmpi sge, %get3A_16, %ge3A_27 : vector<256x1xi32>
    %convert_element_type3A_29 = arith.extui %ge3A_28 : vector<256x1xi1> to vector<256x1xi32>
    %add3A_30 = arith.addi %add3A_25, %convert_element_type3A_29 : vector<256x1xi32>
    %iota3A = tpu.iota {dimensions = array<i32: 1>} : vector<256x2048xi32>
    %iota3A_31 = tpu.iota {dimensions = array<i32: 0>} : vector<256x2048xi32>
    %add3A_32 = vector.broadcast %mul3A_13 : i32 to vector<256x2048xi32>
    %add3A_33 = arith.addi %add3A_32, %iota3A_31 : vector<256x2048xi32>
    %eq3A = vector.broadcast %transpose3A : vector<1x2048xi32> to vector<256x2048xi32>
    %eq3A_34 = vector.broadcast %add3A_30 : vector<256x1xi32> to vector<256x2048xi32>
    %eq3A_35 = arith.cmpi eq, %eq3A, %eq3A_34 : vector<256x2048xi32>
    %lt3A = arith.cmpi slt, %iota3A, %add3A_33 : vector<256x2048xi32>
    %and3A = arith.andi %eq3A_35, %lt3A : vector<256x2048xi1>
    %jit3A = arith.constant 1 : i32
    %jit3A_36 = arith.constant 0 : i32
    %broadcast_in_dim3A = vector.broadcast %jit3A : i32 to vector<256x2048xi32>
    %broadcast_in_dim3A_37 = vector.broadcast %jit3A_36 : i32 to vector<256x2048xi32>
    %select_n3A = arith.select %and3A, %broadcast_in_dim3A, %broadcast_in_dim3A_37 : vector<256x2048xi1>, vector<256x2048xi32>
    %reduce_sum3A = arith.constant dense<0> : vector<256xi32>
    %reduce_sum3A_38 = vector.multi_reduction <add>, %select_n3A, %reduce_sum3A [1] : vector<256x2048xi32> to vector<256xi32>
    %broadcast_in_dim3A_39 = vector.shape_cast %reduce_sum3A_38 : vector<256xi32> to vector<256x1xi32>
    %iota3A_40 = tpu.iota {dimensions = array<i32: 0>} : vector<8x2048xi32>
    %eq3A_41 = vector.broadcast %transpose3A : vector<1x2048xi32> to vector<8x2048xi32>
    %eq3A_42 = arith.cmpi eq, %eq3A_41, %iota3A_40 : vector<8x2048xi32>
    %convert_element_type3A_43 = arith.extui %eq3A_42 : vector<8x2048xi1> to vector<8x2048xi32>
    %reduce_sum3A_44 = arith.constant dense<0> : vector<8xi32>
    %reduce_sum3A_45 = vector.multi_reduction <add>, %convert_element_type3A_43, %reduce_sum3A_44 [1] : vector<8x2048xi32> to vector<8xi32>
    %broadcast_in_dim3A_46 = vector.shape_cast %reduce_sum3A_45 : vector<8xi32> to vector<8x1xi32>
    %iota3A_47 = tpu.iota {dimensions = array<i32: 0>} : vector<8x8xi32>
    %iota3A_48 = tpu.iota {dimensions = array<i32: 1>} : vector<8x8xi32>
    %lt3A_49 = arith.cmpi slt, %iota3A_48, %iota3A_47 : vector<8x8xi32>
    %transpose3A_50 = tpu.transpose %broadcast_in_dim3A_46, [1, 0] : vector<8x1xi32> -> vector<1x8xi32>
    %jit3A_51 = arith.constant 0 : i32
    %broadcast_in_dim3A_52 = vector.shape_cast %transpose3A_50 : vector<1x8xi32> to vector<1x8xi32>
    %broadcast_in_dim3A_53 = vector.broadcast %broadcast_in_dim3A_52 : vector<1x8xi32> to vector<8x8xi32>
    %broadcast_in_dim3A_54 = vector.broadcast %jit3A_51 : i32 to vector<8x8xi32>
    %select_n3A_55 = arith.select %lt3A_49, %broadcast_in_dim3A_53, %broadcast_in_dim3A_54 : vector<8x8xi1>, vector<8x8xi32>
    %reduce_sum3A_56 = arith.constant dense<0> : vector<8xi32>
    %reduce_sum3A_57 = vector.multi_reduction <add>, %select_n3A_55, %reduce_sum3A_56 [1] : vector<8x8xi32> to vector<8xi32>
    %broadcast_in_dim3A_58 = vector.shape_cast %reduce_sum3A_57 : vector<8xi32> to vector<8x1xi32>
    %iota3A_59 = tpu.iota {dimensions = array<i32: 1>} : vector<256x8xi32>
    %eq3A_60 = vector.broadcast %add3A_30 : vector<256x1xi32> to vector<256x8xi32>
    %eq3A_61 = arith.cmpi eq, %eq3A_60, %iota3A_59 : vector<256x8xi32>
    %transpose3A_62 = tpu.transpose %broadcast_in_dim3A_58, [1, 0] : vector<8x1xi32> -> vector<1x8xi32>
    %jit3A_63 = arith.constant 0 : i32
    %broadcast_in_dim3A_64 = vector.shape_cast %transpose3A_62 : vector<1x8xi32> to vector<1x8xi32>
    %broadcast_in_dim3A_65 = vector.broadcast %broadcast_in_dim3A_64 : vector<1x8xi32> to vector<256x8xi32>
    %broadcast_in_dim3A_66 = vector.broadcast %jit3A_63 : i32 to vector<256x8xi32>
    %select_n3A_67 = arith.select %eq3A_61, %broadcast_in_dim3A_65, %broadcast_in_dim3A_66 : vector<256x8xi1>, vector<256x8xi32>
    %reduce_sum3A_68 = arith.constant dense<0> : vector<256xi32>
    %reduce_sum3A_69 = vector.multi_reduction <add>, %select_n3A_67, %reduce_sum3A_68 [1] : vector<256x8xi32> to vector<256xi32>
    %broadcast_in_dim3A_70 = vector.shape_cast %reduce_sum3A_69 : vector<256xi32> to vector<256x1xi32>
    %add3A_71 = arith.addi %broadcast_in_dim3A_70, %broadcast_in_dim3A_39 : vector<256x1xi32>
    %swap3A = arith.constant 0 : index
    %swap3A_72 = arith.constant 0 : index
    %swap3A_73 = vector.load %arg2[%swap3A, %swap3A_72] : memref<256x1xi32, #tpu.memory_space<vmem>>, vector<256x1xi32>
    tpu.vector_store %arg2[%swap3A, %swap3A_72], %add3A_71 {strides = array<i32>} : memref<256x1xi32, #tpu.memory_space<vmem>>, vector<256x1xi32>,
    %eq3A_74 = arith.constant 0 : i32
    %eq3A_75 = arith.cmpi eq, %arg0, %eq3A_74 : i32
    %convert_element_type3A_76 = arith.extui %eq3A_75 : i1 to i32
    %cond3A = arith.constant 0 : i32
    %cond3A_77 = arith.cmpi ne, %convert_element_type3A_76, %cond3A : i32
    scf.if %cond3A_77 {
      %swap3A_78 = arith.constant 0 : index
      %swap3A_79 = arith.constant 0 : index
      %swap3A_80 = vector.load %arg3[%swap3A_78, %swap3A_79] : memref<8x1xi32, #tpu.memory_space<vmem>>, vector<8x1xi32>
      tpu.vector_store %arg3[%swap3A_78, %swap3A_79], %broadcast_in_dim3A_46 {strides = array<i32>} : memref<8x1xi32, #tpu.memory_space<vmem>>, vector<8x1xi32>,
      %swap3A_81 = arith.constant 0 : index
      %swap3A_82 = arith.constant 0 : index
      %swap3A_83 = vector.load %arg4[%swap3A_81, %swap3A_82] : memref<8x1xi32, #tpu.memory_space<vmem>>, vector<8x1xi32>
      tpu.vector_store %arg4[%swap3A_81, %swap3A_82], %broadcast_in_dim3A_58 {strides = array<i32>} : memref<8x1xi32, #tpu.memory_space<vmem>>, vector<8x1xi32>,
    } else {
    }
    return
  }
  func.func @transform_0(%arg0: i32) -> (i32, i32) {
    %c0_i32 = arith.constant 0 : i32
    %c0_i32_0 = arith.constant 0 : i32
    %c0_i32_1 = arith.constant 0 : i32
    return %c0_i32, %c0_i32_0 : i32, i32
  }
  func.func @transform_1(%arg0: i32) -> (i32, i32) {
    %c0_i32 = arith.constant 0 : i32
    %c0_i32_0 = arith.constant 0 : i32
    return %arg0, %c0_i32 : i32, i32
  }
  func.func @transform_2(%arg0: i32) -> (i32, i32) {
    %c0_i32 = arith.constant 0 : i32
    %c0_i32_0 = arith.constant 0 : i32
    %c0_i32_1 = arith.constant 0 : i32
    return %c0_i32, %c0_i32_0 : i32, i32
  }
  func.func @transform_3(%arg0: i32) -> (i32, i32) {
    %c0_i32 = arith.constant 0 : i32
    %c0_i32_0 = arith.constant 0 : i32
    %c0_i32_1 = arith.constant 0 : i32
    return %c0_i32, %c0_i32_0 : i32, i32
  }
}

module attributes {stable_mosaic.version = 14 : i64} {
  func.func @_prep2_body(%arg0: i32, %arg1: memref<2048x1024xf32, #tpu.memory_space<vmem>>, %arg2: memref<256x1024xf32, #tpu.memory_space<vmem>>, %arg3: memref<64x1024xf32, #tpu.memory_space<vmem>>, %arg4: memref<16x1024xf32, #tpu.memory_space<vmem>>, %arg5: memref<2048x1xi32, #tpu.memory_space<vmem>>, %arg6: memref<2048x1xi32, #tpu.memory_space<vmem>>, %arg7: memref<256x256xbf16, #tpu.memory_space<vmem>>, %arg8: memref<256x64xbf16, #tpu.memory_space<vmem>>, %arg9: memref<256x16xbf16, #tpu.memory_space<vmem>>, %arg10: memref<256x1xi32, #tpu.memory_space<vmem>>, %arg11: memref<256x1xi32, #tpu.memory_space<vmem>>, %arg12: memref<256x1xi32, #tpu.memory_space<vmem>>, %arg13: memref<256x1xi32, #tpu.memory_space<vmem>>, %arg14: memref<256x1xi32, #tpu.memory_space<vmem>>, %arg15: memref<2048x256xbf16, #tpu.memory_space<vmem>>, %arg16: memref<2048x64xbf16, #tpu.memory_space<vmem>>, %arg17: memref<2048x16xbf16, #tpu.memory_space<vmem>>) attributes {dimension_semantics = [#tpu.dimension_semantics<arbitrary>], iteration_bounds = array<i64: 8>, scalar_prefetch = 0 : i64, scratch_operands = 3 : i64, tpu.core_type = #tpu.core_type<tc>, window_params = [{pipeline_mode = #tpu.pipeline_mode<synchronous>, transform_indices = @transform_0, window_bounds = array<i64: 2048, 1024>}, {pipeline_mode = #tpu.pipeline_mode<synchronous>, transform_indices = @transform_1, window_bounds = array<i64: 256, 1024>}, {pipeline_mode = #tpu.pipeline_mode<synchronous>, transform_indices = @transform_2, window_bounds = array<i64: 64, 1024>}, {pipeline_mode = #tpu.pipeline_mode<synchronous>, transform_indices = @transform_3, window_bounds = array<i64: 16, 1024>}, {pipeline_mode = #tpu.pipeline_mode<synchronous>, transform_indices = @transform_4, window_bounds = array<i64: 2048, 1>}, {pipeline_mode = #tpu.pipeline_mode<synchronous>, transform_indices = @transform_5, window_bounds = array<i64: 2048, 1>}, {transform_indices = @transform_6, window_bounds = array<i64: 256, 256>}, {transform_indices = @transform_7, window_bounds = array<i64: 256, 64>}, {transform_indices = @transform_8, window_bounds = array<i64: 256, 16>}, {transform_indices = @transform_9, window_bounds = array<i64: 256, 1>}, {transform_indices = @transform_10, window_bounds = array<i64: 256, 1>}, {transform_indices = @transform_11, window_bounds = array<i64: 256, 1>}, {transform_indices = @transform_12, window_bounds = array<i64: 256, 1>}, {transform_indices = @transform_13, window_bounds = array<i64: 256, 1>}]} {
    %eq3A = arith.constant 0 : i32
    %eq3A_0 = arith.cmpi eq, %arg0, %eq3A : i32
    %convert_element_type3A = arith.extui %eq3A_0 : i1 to i32
    %cond3A = arith.constant 0 : i32
    %cond3A_1 = arith.cmpi ne, %convert_element_type3A, %cond3A : i32
    scf.if %cond3A_1 {
      %get3A_183 = arith.constant 0 : index
      %get3A_184 = arith.constant 0 : index
      %get3A_185 = vector.load %arg1[%get3A_183, %get3A_184] : memref<2048x1024xf32, #tpu.memory_space<vmem>>, vector<2048x1024xf32>
      %convert_element_type3A_186 = arith.truncf %get3A_185 : vector<2048x1024xf32> to vector<2048x1024xbf16>
      %get3A_187 = arith.constant 0 : index
      %get3A_188 = arith.constant 0 : index
      %get3A_189 = vector.load %arg2[%get3A_187, %get3A_188] : memref<256x1024xf32, #tpu.memory_space<vmem>>, vector<256x1024xf32>
      %convert_element_type3A_190 = arith.truncf %get3A_189 : vector<256x1024xf32> to vector<256x1024xbf16>
      %dot_general3A_191 = arith.constant dense<0.000000e+00> : vector<2048x256xf32>
      %dot_general3A_192 = tpu.matmul %convert_element_type3A_186, %convert_element_type3A_190, %dot_general3A_191 {dimension_numbers = #tpu.dot_dimension_numbers<[1], [1], [0], [0], [0, 0, 1, 0], [], []>, transpose_lhs_hint = false} : vector<2048x1024xbf16>, vector<256x1024xbf16>, vector<2048x256xf32> -> vector<2048x256xf32>
      %convert_element_type3A_193 = arith.truncf %dot_general3A_192 : vector<2048x256xf32> to vector<2048x256xbf16>
      %swap3A_194 = arith.constant 0 : index
      %swap3A_195 = arith.constant 0 : index
      %swap3A_196 = vector.load %arg15[%swap3A_194, %swap3A_195] : memref<2048x256xbf16, #tpu.memory_space<vmem>>, vector<2048x256xbf16>
      tpu.vector_store %arg15[%swap3A_194, %swap3A_195], %convert_element_type3A_193 {strides = array<i32>} : memref<2048x256xbf16, #tpu.memory_space<vmem>>, vector<2048x256xbf16>,
      %get3A_197 = arith.constant 0 : index
      %get3A_198 = arith.constant 0 : index
      %get3A_199 = vector.load %arg3[%get3A_197, %get3A_198] : memref<64x1024xf32, #tpu.memory_space<vmem>>, vector<64x1024xf32>
      %convert_element_type3A_200 = arith.truncf %get3A_199 : vector<64x1024xf32> to vector<64x1024xbf16>
      %dot_general3A_201 = arith.constant dense<0.000000e+00> : vector<2048x64xf32>
      %dot_general3A_202 = tpu.matmul %convert_element_type3A_186, %convert_element_type3A_200, %dot_general3A_201 {dimension_numbers = #tpu.dot_dimension_numbers<[1], [1], [0], [0], [0, 0, 1, 0], [], []>, transpose_lhs_hint = false} : vector<2048x1024xbf16>, vector<64x1024xbf16>, vector<2048x64xf32> -> vector<2048x64xf32>
      %convert_element_type3A_203 = arith.truncf %dot_general3A_202 : vector<2048x64xf32> to vector<2048x64xbf16>
      %swap3A_204 = arith.constant 0 : index
      %swap3A_205 = arith.constant 0 : index
      %swap3A_206 = vector.load %arg16[%swap3A_204, %swap3A_205] : memref<2048x64xbf16, #tpu.memory_space<vmem>>, vector<2048x64xbf16>
      tpu.vector_store %arg16[%swap3A_204, %swap3A_205], %convert_element_type3A_203 {strides = array<i32>} : memref<2048x64xbf16, #tpu.memory_space<vmem>>, vector<2048x64xbf16>,
      %get3A_207 = arith.constant 0 : index
      %get3A_208 = arith.constant 0 : index
      %get3A_209 = vector.load %arg4[%get3A_207, %get3A_208] : memref<16x1024xf32, #tpu.memory_space<vmem>>, vector<16x1024xf32>
      %convert_element_type3A_210 = arith.truncf %get3A_209 : vector<16x1024xf32> to vector<16x1024xbf16>
      %dot_general3A_211 = arith.constant dense<0.000000e+00> : vector<2048x16xf32>
      %dot_general3A_212 = tpu.matmul %convert_element_type3A_186, %convert_element_type3A_210, %dot_general3A_211 {dimension_numbers = #tpu.dot_dimension_numbers<[1], [1], [0], [0], [0, 0, 1, 0], [], []>, transpose_lhs_hint = false} : vector<2048x1024xbf16>, vector<16x1024xbf16>, vector<2048x16xf32> -> vector<2048x16xf32>
      %convert_element_type3A_213 = arith.truncf %dot_general3A_212 : vector<2048x16xf32> to vector<2048x16xbf16>
      %swap3A_214 = arith.constant 0 : index
      %swap3A_215 = arith.constant 0 : index
      %swap3A_216 = vector.load %arg17[%swap3A_214, %swap3A_215] : memref<2048x16xbf16, #tpu.memory_space<vmem>>, vector<2048x16xbf16>
      tpu.vector_store %arg17[%swap3A_214, %swap3A_215], %convert_element_type3A_213 {strides = array<i32>} : memref<2048x16xbf16, #tpu.memory_space<vmem>>, vector<2048x16xbf16>,
    } else {
    }
    %mul3A = arith.constant 256 : i32
    %mul3A_2 = arith.muli %arg0, %mul3A : i32
    %iota3A = tpu.iota {dimensions = array<i32: 0>} : vector<256x2048xi32>
    %add3A = vector.broadcast %mul3A_2 : i32 to vector<256x2048xi32>
    %add3A_3 = arith.addi %add3A, %iota3A : vector<256x2048xi32>
    %get3A = arith.constant 0 : index
    %get3A_4 = arith.constant 0 : index
    %get3A_5 = vector.load %arg6[%get3A, %get3A_4] : memref<2048x1xi32, #tpu.memory_space<vmem>>, vector<2048x1xi32>
    %transpose3A = tpu.transpose %get3A_5, [1, 0] : vector<2048x1xi32> -> vector<1x2048xi32>
    %eq3A_6 = vector.broadcast %transpose3A : vector<1x2048xi32> to vector<256x2048xi32>
    %eq3A_7 = arith.cmpi eq, %eq3A_6, %add3A_3 : vector<256x2048xi32>
    %convert_element_type3A_8 = arith.extui %eq3A_7 : vector<256x2048xi1> to vector<256x2048xi32>
    %convert_element_type3A_9 = arith.sitofp %convert_element_type3A_8 : vector<256x2048xi32> to vector<256x2048xf32>
    %convert_element_type3A_10 = arith.truncf %convert_element_type3A_9 : vector<256x2048xf32> to vector<256x2048xbf16>
    %get3A_11 = arith.constant 0 : index
    %get3A_12 = arith.constant 0 : index
    %get3A_13 = vector.load %arg15[%get3A_11, %get3A_12] : memref<2048x256xbf16, #tpu.memory_space<vmem>>, vector<2048x256xbf16>
    %dot_general3A = arith.constant dense<0.000000e+00> : vector<256x256xf32>
    %dot_general3A_14 = tpu.matmul %convert_element_type3A_10, %get3A_13, %dot_general3A {dimension_numbers = #tpu.dot_dimension_numbers<[1], [0], [0], [1], [0, 0, 1, 1], [], []>, transpose_lhs_hint = false} : vector<256x2048xbf16>, vector<2048x256xbf16>, vector<256x256xf32> -> vector<256x256xf32>
    %convert_element_type3A_15 = arith.truncf %dot_general3A_14 : vector<256x256xf32> to vector<256x256xbf16>
    %swap3A = arith.constant 0 : index
    %swap3A_16 = arith.constant 0 : index
    %swap3A_17 = vector.load %arg7[%swap3A, %swap3A_16] : memref<256x256xbf16, #tpu.memory_space<vmem>>, vector<256x256xbf16>
    tpu.vector_store %arg7[%swap3A, %swap3A_16], %convert_element_type3A_15 {strides = array<i32>} : memref<256x256xbf16, #tpu.memory_space<vmem>>, vector<256x256xbf16>,
    %get3A_18 = arith.constant 0 : index
    %get3A_19 = arith.constant 0 : index
    %get3A_20 = vector.load %arg16[%get3A_18, %get3A_19] : memref<2048x64xbf16, #tpu.memory_space<vmem>>, vector<2048x64xbf16>
    %dot_general3A_21 = arith.constant dense<0.000000e+00> : vector<256x64xf32>
    %dot_general3A_22 = tpu.matmul %convert_element_type3A_10, %get3A_20, %dot_general3A_21 {dimension_numbers = #tpu.dot_dimension_numbers<[1], [0], [0], [1], [0, 0, 1, 1], [], []>, transpose_lhs_hint = false} : vector<256x2048xbf16>, vector<2048x64xbf16>, vector<256x64xf32> -> vector<256x64xf32>
    %convert_element_type3A_23 = arith.truncf %dot_general3A_22 : vector<256x64xf32> to vector<256x64xbf16>
    %swap3A_24 = arith.constant 0 : index
    %swap3A_25 = arith.constant 0 : index
    %swap3A_26 = vector.load %arg8[%swap3A_24, %swap3A_25] : memref<256x64xbf16, #tpu.memory_space<vmem>>, vector<256x64xbf16>
    tpu.vector_store %arg8[%swap3A_24, %swap3A_25], %convert_element_type3A_23 {strides = array<i32>} : memref<256x64xbf16, #tpu.memory_space<vmem>>, vector<256x64xbf16>,
    %get3A_27 = arith.constant 0 : index
    %get3A_28 = arith.constant 0 : index
    %get3A_29 = vector.load %arg17[%get3A_27, %get3A_28] : memref<2048x16xbf16, #tpu.memory_space<vmem>>, vector<2048x16xbf16>
    %dot_general3A_30 = arith.constant dense<0.000000e+00> : vector<256x16xf32>
    %dot_general3A_31 = tpu.matmul %convert_element_type3A_10, %get3A_29, %dot_general3A_30 {dimension_numbers = #tpu.dot_dimension_numbers<[1], [0], [0], [1], [0, 0, 1, 1], [], []>, transpose_lhs_hint = false} : vector<256x2048xbf16>, vector<2048x16xbf16>, vector<256x16xf32> -> vector<256x16xf32>
    %convert_element_type3A_32 = arith.truncf %dot_general3A_31 : vector<256x16xf32> to vector<256x16xbf16>
    %swap3A_33 = arith.constant 0 : index
    %swap3A_34 = arith.constant 0 : index
    %swap3A_35 = vector.load %arg9[%swap3A_33, %swap3A_34] : memref<256x16xbf16, #tpu.memory_space<vmem>>, vector<256x16xbf16>
    tpu.vector_store %arg9[%swap3A_33, %swap3A_34], %convert_element_type3A_32 {strides = array<i32>} : memref<256x16xbf16, #tpu.memory_space<vmem>>, vector<256x16xbf16>,
    %get3A_36 = arith.constant 0 : index
    %get3A_37 = arith.constant 0 : index
    %get3A_38 = vector.load %arg5[%get3A_36, %get3A_37] : memref<2048x1xi32, #tpu.memory_space<vmem>>, vector<2048x1xi32>
    %transpose3A_39 = tpu.transpose %get3A_38, [1, 0] : vector<2048x1xi32> -> vector<1x2048xi32>
    %jit3A = arith.constant 0 : i32
    %broadcast_in_dim3A = vector.shape_cast %transpose3A_39 : vector<1x2048xi32> to vector<1x2048xi32>
    %broadcast_in_dim3A_40 = vector.broadcast %broadcast_in_dim3A : vector<1x2048xi32> to vector<256x2048xi32>
    %broadcast_in_dim3A_41 = vector.broadcast %jit3A : i32 to vector<256x2048xi32>
    %select_n3A = arith.select %eq3A_7, %broadcast_in_dim3A_40, %broadcast_in_dim3A_41 : vector<256x2048xi1>, vector<256x2048xi32>
    %reduce_sum3A = arith.constant dense<0> : vector<256xi32>
    %reduce_sum3A_42 = vector.multi_reduction <add>, %select_n3A, %reduce_sum3A [1] : vector<256x2048xi32> to vector<256xi32>
    %broadcast_in_dim3A_43 = vector.shape_cast %reduce_sum3A_42 : vector<256xi32> to vector<256x1xi32>
    %sub3A = arith.constant 2000 : i32
    %sub3A_44 = vector.broadcast %sub3A : i32 to vector<256x1xi32>
    %sub3A_45 = arith.subi %broadcast_in_dim3A_43, %sub3A_44 : vector<256x1xi32>
    %jit3A_46 = arith.constant 0 : i32
    %jit3A_47 = arith.constant 7999 : i32
    %max3A = vector.broadcast %jit3A_46 : i32 to vector<256x1xi32>
    %max3A_48 = arith.maxsi %max3A, %sub3A_45 : vector<256x1xi32>
    %min3A = vector.broadcast %jit3A_47 : i32 to vector<256x1xi32>
    %min3A_49 = arith.minsi %min3A, %max3A_48 : vector<256x1xi32>
    %sub3A_50 = arith.constant 10000 : i32
    %sub3A_51 = vector.broadcast %sub3A_50 : i32 to vector<256x1xi32>
    %sub3A_52 = arith.subi %broadcast_in_dim3A_43, %sub3A_51 : vector<256x1xi32>
    %jit3A_53 = arith.constant 0 : i32
    %jit3A_54 = arith.constant 39999 : i32
    %max3A_55 = vector.broadcast %jit3A_53 : i32 to vector<256x1xi32>
    %max3A_56 = arith.maxsi %max3A_55, %sub3A_52 : vector<256x1xi32>
    %min3A_57 = vector.broadcast %jit3A_54 : i32 to vector<256x1xi32>
    %min3A_58 = arith.minsi %min3A_57, %max3A_56 : vector<256x1xi32>
    %sub3A_59 = arith.constant 50000 : i32
    %sub3A_60 = vector.broadcast %sub3A_59 : i32 to vector<256x1xi32>
    %sub3A_61 = arith.subi %broadcast_in_dim3A_43, %sub3A_60 : vector<256x1xi32>
    %jit3A_62 = arith.constant 0 : i32
    %jit3A_63 = arith.constant 49999 : i32
    %max3A_64 = vector.broadcast %jit3A_62 : i32 to vector<256x1xi32>
    %max3A_65 = arith.maxsi %max3A_64, %sub3A_61 : vector<256x1xi32>
    %min3A_66 = vector.broadcast %jit3A_63 : i32 to vector<256x1xi32>
    %min3A_67 = arith.minsi %min3A_66, %max3A_65 : vector<256x1xi32>
    %swap3A_68 = arith.constant 0 : index
    %swap3A_69 = arith.constant 0 : index
    %swap3A_70 = vector.load %arg10[%swap3A_68, %swap3A_69] : memref<256x1xi32, #tpu.memory_space<vmem>>, vector<256x1xi32>
    tpu.vector_store %arg10[%swap3A_68, %swap3A_69], %min3A_49 {strides = array<i32>} : memref<256x1xi32, #tpu.memory_space<vmem>>, vector<256x1xi32>,
    %jit3A_71 = arith.constant 2 : i32
    %div3A = vector.broadcast %jit3A_71 : i32 to vector<256x1xi32>
    %div3A_72 = arith.divsi %min3A_58, %div3A : vector<256x1xi32>
    %sign3A = arith.constant 0 : i32
    %sign3A_73 = vector.broadcast %sign3A : i32 to vector<256x1xi32>
    %sign3A_74 = arith.cmpi sgt, %min3A_58, %sign3A_73 : vector<256x1xi32>
    %sign3A_75 = arith.extui %sign3A_74 : vector<256x1xi1> to vector<256x1xi32>
    %sign3A_76 = arith.constant 0 : i32
    %sign3A_77 = vector.broadcast %sign3A_76 : i32 to vector<256x1xi32>
    %sign3A_78 = arith.cmpi slt, %min3A_58, %sign3A_77 : vector<256x1xi32>
    %sign3A_79 = arith.extui %sign3A_78 : vector<256x1xi1> to vector<256x1xi32>
    %sign3A_80 = arith.subi %sign3A_75, %sign3A_79 : vector<256x1xi32>
    %sign3A_81 = arith.constant 0 : i32
    %sign3A_82 = arith.cmpi sgt, %jit3A_71, %sign3A_81 : i32
    %sign3A_83 = arith.extui %sign3A_82 : i1 to i32
    %sign3A_84 = arith.constant 0 : i32
    %sign3A_85 = arith.cmpi slt, %jit3A_71, %sign3A_84 : i32
    %sign3A_86 = arith.extui %sign3A_85 : i1 to i32
    %sign3A_87 = arith.subi %sign3A_83, %sign3A_86 : i32
    %ne3A = vector.broadcast %sign3A_87 : i32 to vector<256x1xi32>
    %ne3A_88 = arith.cmpi ne, %sign3A_80, %ne3A : vector<256x1xi32>
    %rem3A = vector.broadcast %jit3A_71 : i32 to vector<256x1xi32>
    %rem3A_89 = arith.remsi %min3A_58, %rem3A : vector<256x1xi32>
    %ne3A_90 = arith.constant 0 : i32
    %ne3A_91 = vector.broadcast %ne3A_90 : i32 to vector<256x1xi32>
    %ne3A_92 = arith.cmpi ne, %rem3A_89, %ne3A_91 : vector<256x1xi32>
    %and3A = arith.andi %ne3A_88, %ne3A_92 : vector<256x1xi1>
    %sub3A_93 = arith.constant 1 : i32
    %sub3A_94 = vector.broadcast %sub3A_93 : i32 to vector<256x1xi32>
    %sub3A_95 = arith.subi %div3A_72, %sub3A_94 : vector<256x1xi32>
    %select_n3A_96 = arith.select %and3A, %sub3A_95, %div3A_72 : vector<256x1xi1>, vector<256x1xi32>
    %swap3A_97 = arith.constant 0 : index
    %swap3A_98 = arith.constant 0 : index
    %swap3A_99 = vector.load %arg11[%swap3A_97, %swap3A_98] : memref<256x1xi32, #tpu.memory_space<vmem>>, vector<256x1xi32>
    tpu.vector_store %arg11[%swap3A_97, %swap3A_98], %select_n3A_96 {strides = array<i32>} : memref<256x1xi32, #tpu.memory_space<vmem>>, vector<256x1xi32>,
    %jit3A_100 = arith.constant 8 : i32
    %div3A_101 = vector.broadcast %jit3A_100 : i32 to vector<256x1xi32>
    %div3A_102 = arith.divsi %min3A_67, %div3A_101 : vector<256x1xi32>
    %sign3A_103 = arith.constant 0 : i32
    %sign3A_104 = vector.broadcast %sign3A_103 : i32 to vector<256x1xi32>
    %sign3A_105 = arith.cmpi sgt, %min3A_67, %sign3A_104 : vector<256x1xi32>
    %sign3A_106 = arith.extui %sign3A_105 : vector<256x1xi1> to vector<256x1xi32>
    %sign3A_107 = arith.constant 0 : i32
    %sign3A_108 = vector.broadcast %sign3A_107 : i32 to vector<256x1xi32>
    %sign3A_109 = arith.cmpi slt, %min3A_67, %sign3A_108 : vector<256x1xi32>
    %sign3A_110 = arith.extui %sign3A_109 : vector<256x1xi1> to vector<256x1xi32>
    %sign3A_111 = arith.subi %sign3A_106, %sign3A_110 : vector<256x1xi32>
    %sign3A_112 = arith.constant 0 : i32
    %sign3A_113 = arith.cmpi sgt, %jit3A_100, %sign3A_112 : i32
    %sign3A_114 = arith.extui %sign3A_113 : i1 to i32
    %sign3A_115 = arith.constant 0 : i32
    %sign3A_116 = arith.cmpi slt, %jit3A_100, %sign3A_115 : i32
    %sign3A_117 = arith.extui %sign3A_116 : i1 to i32
    %sign3A_118 = arith.subi %sign3A_114, %sign3A_117 : i32
    %ne3A_119 = vector.broadcast %sign3A_118 : i32 to vector<256x1xi32>
    %ne3A_120 = arith.cmpi ne, %sign3A_111, %ne3A_119 : vector<256x1xi32>
    %rem3A_121 = vector.broadcast %jit3A_100 : i32 to vector<256x1xi32>
    %rem3A_122 = arith.remsi %min3A_67, %rem3A_121 : vector<256x1xi32>
    %ne3A_123 = arith.constant 0 : i32
    %ne3A_124 = vector.broadcast %ne3A_123 : i32 to vector<256x1xi32>
    %ne3A_125 = arith.cmpi ne, %rem3A_122, %ne3A_124 : vector<256x1xi32>
    %and3A_126 = arith.andi %ne3A_120, %ne3A_125 : vector<256x1xi1>
    %sub3A_127 = arith.constant 1 : i32
    %sub3A_128 = vector.broadcast %sub3A_127 : i32 to vector<256x1xi32>
    %sub3A_129 = arith.subi %div3A_102, %sub3A_128 : vector<256x1xi32>
    %select_n3A_130 = arith.select %and3A_126, %sub3A_129, %div3A_102 : vector<256x1xi1>, vector<256x1xi32>
    %swap3A_131 = arith.constant 0 : index
    %swap3A_132 = arith.constant 0 : index
    %swap3A_133 = vector.load %arg12[%swap3A_131, %swap3A_132] : memref<256x1xi32, #tpu.memory_space<vmem>>, vector<256x1xi32>
    tpu.vector_store %arg12[%swap3A_131, %swap3A_132], %select_n3A_130 {strides = array<i32>} : memref<256x1xi32, #tpu.memory_space<vmem>>, vector<256x1xi32>,
    %jit3A_134 = arith.constant 2 : i32
    %eq3A_135 = arith.constant 0 : i32
    %eq3A_136 = arith.cmpi eq, %jit3A_134, %eq3A_135 : i32
    %jit3A_137 = arith.constant 1 : i32
    %select_n3A_138 = arith.select %eq3A_136, %jit3A_137, %jit3A_134 : i32
    %rem3A_139 = vector.broadcast %select_n3A_138 : i32 to vector<256x1xi32>
    %rem3A_140 = arith.remsi %min3A_58, %rem3A_139 : vector<256x1xi32>
    %ne3A_141 = arith.constant 0 : i32
    %ne3A_142 = vector.broadcast %ne3A_141 : i32 to vector<256x1xi32>
    %ne3A_143 = arith.cmpi ne, %rem3A_140, %ne3A_142 : vector<256x1xi32>
    %lt3A = arith.constant 0 : i32
    %lt3A_144 = vector.broadcast %lt3A : i32 to vector<256x1xi32>
    %lt3A_145 = arith.cmpi slt, %rem3A_140, %lt3A_144 : vector<256x1xi32>
    %lt3A_146 = arith.constant 0 : i32
    %lt3A_147 = arith.cmpi slt, %select_n3A_138, %lt3A_146 : i32
    %ne3A_148 = vector.broadcast %lt3A_147 : i1 to vector<256x1xi1>
    %ne3A_149 = vector.broadcast %ne3A_148 : vector<256x1xi1> to vector<256x1xi1>
    %ne3A_150 = arith.xori %lt3A_145, %ne3A_149 : vector<256x1xi1>
    %and3A_151 = arith.andi %ne3A_150, %ne3A_143 : vector<256x1xi1>
    %add3A_152 = vector.broadcast %select_n3A_138 : i32 to vector<256x1xi32>
    %add3A_153 = arith.addi %rem3A_140, %add3A_152 : vector<256x1xi32>
    %select_n3A_154 = arith.select %and3A_151, %add3A_153, %rem3A_140 : vector<256x1xi1>, vector<256x1xi32>
    %swap3A_155 = arith.constant 0 : index
    %swap3A_156 = arith.constant 0 : index
    %swap3A_157 = vector.load %arg13[%swap3A_155, %swap3A_156] : memref<256x1xi32, #tpu.memory_space<vmem>>, vector<256x1xi32>
    tpu.vector_store %arg13[%swap3A_155, %swap3A_156], %select_n3A_154 {strides = array<i32>} : memref<256x1xi32, #tpu.memory_space<vmem>>, vector<256x1xi32>,
    %jit3A_158 = arith.constant 8 : i32
    %eq3A_159 = arith.constant 0 : i32
    %eq3A_160 = arith.cmpi eq, %jit3A_158, %eq3A_159 : i32
    %jit3A_161 = arith.constant 1 : i32
    %select_n3A_162 = arith.select %eq3A_160, %jit3A_161, %jit3A_158 : i32
    %rem3A_163 = vector.broadcast %select_n3A_162 : i32 to vector<256x1xi32>
    %rem3A_164 = arith.remsi %min3A_67, %rem3A_163 : vector<256x1xi32>
    %ne3A_165 = arith.constant 0 : i32
    %ne3A_166 = vector.broadcast %ne3A_165 : i32 to vector<256x1xi32>
    %ne3A_167 = arith.cmpi ne, %rem3A_164, %ne3A_166 : vector<256x1xi32>
    %lt3A_168 = arith.constant 0 : i32
    %lt3A_169 = vector.broadcast %lt3A_168 : i32 to vector<256x1xi32>
    %lt3A_170 = arith.cmpi slt, %rem3A_164, %lt3A_169 : vector<256x1xi32>
    %lt3A_171 = arith.constant 0 : i32
    %lt3A_172 = arith.cmpi slt, %select_n3A_162, %lt3A_171 : i32
    %ne3A_173 = vector.broadcast %lt3A_172 : i1 to vector<256x1xi1>
    %ne3A_174 = vector.broadcast %ne3A_173 : vector<256x1xi1> to vector<256x1xi1>
    %ne3A_175 = arith.xori %lt3A_170, %ne3A_174 : vector<256x1xi1>
    %and3A_176 = arith.andi %ne3A_175, %ne3A_167 : vector<256x1xi1>
    %add3A_177 = vector.broadcast %select_n3A_162 : i32 to vector<256x1xi32>
    %add3A_178 = arith.addi %rem3A_164, %add3A_177 : vector<256x1xi32>
    %select_n3A_179 = arith.select %and3A_176, %add3A_178, %rem3A_164 : vector<256x1xi1>, vector<256x1xi32>
    %swap3A_180 = arith.constant 0 : index
    %swap3A_181 = arith.constant 0 : index
    %swap3A_182 = vector.load %arg14[%swap3A_180, %swap3A_181] : memref<256x1xi32, #tpu.memory_space<vmem>>, vector<256x1xi32>
    tpu.vector_store %arg14[%swap3A_180, %swap3A_181], %select_n3A_179 {strides = array<i32>} : memref<256x1xi32, #tpu.memory_space<vmem>>, vector<256x1xi32>,
    return
  }
  func.func @transform_0(%arg0: i32) -> (i32, i32) {
    %c0_i32 = arith.constant 0 : i32
    %c0_i32_0 = arith.constant 0 : i32
    %c0_i32_1 = arith.constant 0 : i32
    return %c0_i32, %c0_i32_0 : i32, i32
  }
  func.func @transform_1(%arg0: i32) -> (i32, i32) {
    %c0_i32 = arith.constant 0 : i32
    %c0_i32_0 = arith.constant 0 : i32
    %c0_i32_1 = arith.constant 0 : i32
    return %c0_i32, %c0_i32_0 : i32, i32
  }
  func.func @transform_2(%arg0: i32) -> (i32, i32) {
    %c0_i32 = arith.constant 0 : i32
    %c0_i32_0 = arith.constant 0 : i32
    %c0_i32_1 = arith.constant 0 : i32
    return %c0_i32, %c0_i32_0 : i32, i32
  }
  func.func @transform_3(%arg0: i32) -> (i32, i32) {
    %c0_i32 = arith.constant 0 : i32
    %c0_i32_0 = arith.constant 0 : i32
    %c0_i32_1 = arith.constant 0 : i32
    return %c0_i32, %c0_i32_0 : i32, i32
  }
  func.func @transform_4(%arg0: i32) -> (i32, i32) {
    %c0_i32 = arith.constant 0 : i32
    %c0_i32_0 = arith.constant 0 : i32
    %c0_i32_1 = arith.constant 0 : i32
    return %c0_i32, %c0_i32_0 : i32, i32
  }
  func.func @transform_5(%arg0: i32) -> (i32, i32) {
    %c0_i32 = arith.constant 0 : i32
    %c0_i32_0 = arith.constant 0 : i32
    %c0_i32_1 = arith.constant 0 : i32
    return %c0_i32, %c0_i32_0 : i32, i32
  }
  func.func @transform_6(%arg0: i32) -> (i32, i32) {
    %c0_i32 = arith.constant 0 : i32
    %c0_i32_0 = arith.constant 0 : i32
    return %arg0, %c0_i32 : i32, i32
  }
  func.func @transform_7(%arg0: i32) -> (i32, i32) {
    %c0_i32 = arith.constant 0 : i32
    %c0_i32_0 = arith.constant 0 : i32
    return %arg0, %c0_i32 : i32, i32
  }
  func.func @transform_8(%arg0: i32) -> (i32, i32) {
    %c0_i32 = arith.constant 0 : i32
    %c0_i32_0 = arith.constant 0 : i32
    return %arg0, %c0_i32 : i32, i32
  }
  func.func @transform_9(%arg0: i32) -> (i32, i32) {
    %c0_i32 = arith.constant 0 : i32
    %c0_i32_0 = arith.constant 0 : i32
    return %arg0, %c0_i32 : i32, i32
  }
  func.func @transform_10(%arg0: i32) -> (i32, i32) {
    %c0_i32 = arith.constant 0 : i32
    %c0_i32_0 = arith.constant 0 : i32
    return %arg0, %c0_i32 : i32, i32
  }
  func.func @transform_11(%arg0: i32) -> (i32, i32) {
    %c0_i32 = arith.constant 0 : i32
    %c0_i32_0 = arith.constant 0 : i32
    return %arg0, %c0_i32 : i32, i32
  }
  func.func @transform_12(%arg0: i32) -> (i32, i32) {
    %c0_i32 = arith.constant 0 : i32
    %c0_i32_0 = arith.constant 0 : i32
    return %arg0, %c0_i32 : i32, i32
  }
  func.func @transform_13(%arg0: i32) -> (i32, i32) {
    %c0_i32 = arith.constant 0 : i32
    %c0_i32_0 = arith.constant 0 : i32
    return %arg0, %c0_i32 : i32, i32
  }
}

module attributes {stable_mosaic.version = 14 : i64} {
  func.func @_tail_body(%arg0: i32, %arg1: memref<2xi32, #tpu.memory_space<smem>>, %arg2: memref<2048x256xbf16, #tpu.memory_space<vmem>>, %arg3: memref<2048x256xf32, #tpu.memory_space<vmem>>, %arg4: memref<2048x1xf32, #tpu.memory_space<vmem>>, %arg5: memref<2048x1xf32, #tpu.memory_space<vmem>>, %arg6: memref<2048x1xf32, #tpu.memory_space<vmem>>) attributes {dimension_semantics = [#tpu.dimension_semantics<arbitrary>], iteration_bounds = array<i64: 4>, scalar_prefetch = 1 : i64, scratch_operands = 2 : i64, tpu.core_type = #tpu.core_type<tc>, window_params = [{pipeline_mode = #tpu.pipeline_mode<synchronous>, transform_indices = @transform_0, window_bounds = array<i64: 2048, 256>}, {transform_indices = @transform_1, window_bounds = array<i64: 2048, 256>}, {pipeline_mode = #tpu.pipeline_mode<synchronous>, transform_indices = @transform_2, window_bounds = array<i64: 2048, 1>}]} {
    %get3A = arith.constant 0 : index
    %get3A_0 = memref.load %arg1[%get3A] : memref<2xi32, #tpu.memory_space<smem>>
    %get3A_1 = arith.constant 1 : index
    %get3A_2 = memref.load %arg1[%get3A_1] : memref<2xi32, #tpu.memory_space<smem>>
    %eq3A = arith.constant 0 : i32
    %eq3A_3 = arith.cmpi eq, %arg0, %eq3A : i32
    %convert_element_type3A = arith.extui %eq3A_3 : i1 to i32
    %cond3A = arith.constant 0 : i32
    %cond3A_4 = arith.cmpi ne, %convert_element_type3A, %cond3A : i32
    scf.if %cond3A_4 {
      %broadcast_in_dim3A = arith.constant 0xFF800000 : f32
      %broadcast_in_dim3A_14 = vector.broadcast %broadcast_in_dim3A : f32 to vector<2048x1xf32>
      %swap3A = arith.constant 0 : index
      %swap3A_15 = arith.constant 0 : index
      %swap3A_16 = vector.load %arg5[%swap3A, %swap3A_15] : memref<2048x1xf32, #tpu.memory_space<vmem>>, vector<2048x1xf32>
      tpu.vector_store %arg5[%swap3A, %swap3A_15], %broadcast_in_dim3A_14 {strides = array<i32>} : memref<2048x1xf32, #tpu.memory_space<vmem>>, vector<2048x1xf32>,
      %broadcast_in_dim3A_17 = arith.constant 0.000000e+00 : f32
      %broadcast_in_dim3A_18 = vector.broadcast %broadcast_in_dim3A_17 : f32 to vector<2048x1xf32>
      %swap3A_19 = arith.constant 0 : index
      %swap3A_20 = arith.constant 0 : index
      %swap3A_21 = vector.load %arg6[%swap3A_19, %swap3A_20] : memref<2048x1xf32, #tpu.memory_space<vmem>>, vector<2048x1xf32>
      tpu.vector_store %arg6[%swap3A_19, %swap3A_20], %broadcast_in_dim3A_18 {strides = array<i32>} : memref<2048x1xf32, #tpu.memory_space<vmem>>, vector<2048x1xf32>,
    } else {
    }
    %lt3A = arith.constant 3 : i32
    %lt3A_5 = arith.cmpi slt, %arg0, %lt3A : i32
    %convert_element_type3A_6 = arith.extui %lt3A_5 : i1 to i32
    %cond3A_7 = arith.constant 0 : i32
    %cond3A_8 = arith.cmpi ne, %convert_element_type3A_6, %cond3A_7 : i32
    scf.if %cond3A_8 {
      %get3A_14 = arith.constant 0 : index
      %get3A_15 = arith.constant 0 : index
      %get3A_16 = vector.load %arg3[%get3A_14, %get3A_15] : memref<2048x256xf32, #tpu.memory_space<vmem>>, vector<2048x256xf32>
      %convert_element_type3A_17 = arith.truncf %get3A_16 : vector<2048x256xf32> to vector<2048x256xbf16>
      %add3A = arith.addi %get3A_0, %get3A_2 : i32
      %gt3A = arith.constant 0 : i32
      %gt3A_18 = arith.cmpi sgt, %add3A, %gt3A : i32
      %lt3A_19 = arith.constant 256 : i32
      %lt3A_20 = arith.cmpi slt, %get3A_0, %lt3A_19 : i32
      %and3A = arith.andi %gt3A_18, %lt3A_20 : i1
      %convert_element_type3A_21 = arith.extui %and3A : i1 to i32
      %cond3A_22 = arith.constant 0 : i32
      %cond3A_23 = arith.cmpi ne, %convert_element_type3A_21, %cond3A_22 : i32
      scf.if %cond3A_23 {
        %get3A_87 = arith.constant 0 : index
        %get3A_88 = arith.constant 0 : index
        %get3A_89 = vector.load %arg2[%get3A_87, %get3A_88] : memref<2048x256xbf16, #tpu.memory_space<vmem>>, vector<256x256xbf16>
        %dot_general3A = arith.constant dense<0.000000e+00> : vector<256x2048xf32>
        %dot_general3A_90 = tpu.matmul %get3A_89, %convert_element_type3A_17, %dot_general3A {dimension_numbers = #tpu.dot_dimension_numbers<[1], [1], [0], [0], [0, 0, 1, 0], [], []>, transpose_lhs_hint = false} : vector<256x256xbf16>, vector<2048x256xbf16>, vector<256x2048xf32> -> vector<256x2048xf32>
        %reduce_max3A = arith.constant dense<0xFF800000> : vector<256xf32>
        %reduce_max3A_91 = vector.multi_reduction <maximumf>, %dot_general3A_90, %reduce_max3A [1] : vector<256x2048xf32> to vector<256xf32>
        %broadcast_in_dim3A = vector.shape_cast %reduce_max3A_91 : vector<256xf32> to vector<256x1xf32>
        %get3A_92 = arith.constant 0 : index
        %get3A_93 = arith.constant 0 : index
        %get3A_94 = vector.load %arg5[%get3A_92, %get3A_93] : memref<2048x1xf32, #tpu.memory_space<vmem>>, vector<256x1xf32>
        %max3A = arith.maximumf %get3A_94, %broadcast_in_dim3A : vector<256x1xf32>
        %get3A_95 = arith.constant 0 : index
        %get3A_96 = arith.constant 0 : index
        %get3A_97 = vector.load %arg6[%get3A_95, %get3A_96] : memref<2048x1xf32, #tpu.memory_space<vmem>>, vector<256x1xf32>
        %sub3A = arith.subf %get3A_94, %max3A : vector<256x1xf32>
        %exp3A = math.exp %sub3A : vector<256x1xf32>
        %mul3A = arith.mulf %get3A_97, %exp3A : vector<256x1xf32>
        %sub3A_98 = vector.broadcast %max3A : vector<256x1xf32> to vector<256x2048xf32>
        %sub3A_99 = arith.subf %dot_general3A_90, %sub3A_98 : vector<256x2048xf32>
        %exp3A_100 = math.exp %sub3A_99 : vector<256x2048xf32>
        %reduce_sum3A = arith.constant dense<0.000000e+00> : vector<256xf32>
        %reduce_sum3A_101 = vector.multi_reduction <add>, %exp3A_100, %reduce_sum3A [1] : vector<256x2048xf32> to vector<256xf32>
        %broadcast_in_dim3A_102 = vector.shape_cast %reduce_sum3A_101 : vector<256xf32> to vector<256x1xf32>
        %add3A_103 = arith.addf %mul3A, %broadcast_in_dim3A_102 : vector<256x1xf32>
        %swap3A = arith.constant 0 : index
        %swap3A_104 = arith.constant 0 : index
        %swap3A_105 = vector.load %arg6[%swap3A, %swap3A_104] : memref<2048x1xf32, #tpu.memory_space<vmem>>, vector<256x1xf32>
        tpu.vector_store %arg6[%swap3A, %swap3A_104], %add3A_103 {strides = array<i32>} : memref<2048x1xf32, #tpu.memory_space<vmem>>, vector<256x1xf32>,
        %swap3A_106 = arith.constant 0 : index
        %swap3A_107 = arith.constant 0 : index
        %swap3A_108 = vector.load %arg5[%swap3A_106, %swap3A_107] : memref<2048x1xf32, #tpu.memory_space<vmem>>, vector<256x1xf32>
        tpu.vector_store %arg5[%swap3A_106, %swap3A_107], %max3A {strides = array<i32>} : memref<2048x1xf32, #tpu.memory_space<vmem>>, vector<256x1xf32>,
      } else {
      }
      %add3A_24 = arith.addi %get3A_0, %get3A_2 : i32
      %gt3A_25 = arith.constant 256 : i32
      %gt3A_26 = arith.cmpi sgt, %add3A_24, %gt3A_25 : i32
      %lt3A_27 = arith.constant 512 : i32
      %lt3A_28 = arith.cmpi slt, %get3A_0, %lt3A_27 : i32
      %and3A_29 = arith.andi %gt3A_26, %lt3A_28 : i1
      %convert_element_type3A_30 = arith.extui %and3A_29 : i1 to i32
      %cond3A_31 = arith.constant 0 : i32
      %cond3A_32 = arith.cmpi ne, %convert_element_type3A_30, %cond3A_31 : i32
      scf.if %cond3A_32 {
        %get3A_87 = arith.constant 256 : index
        %get3A_88 = arith.constant 0 : index
        %get3A_89 = vector.load %arg2[%get3A_87, %get3A_88] : memref<2048x256xbf16, #tpu.memory_space<vmem>>, vector<256x256xbf16>
        %dot_general3A = arith.constant dense<0.000000e+00> : vector<256x2048xf32>
        %dot_general3A_90 = tpu.matmul %get3A_89, %convert_element_type3A_17, %dot_general3A {dimension_numbers = #tpu.dot_dimension_numbers<[1], [1], [0], [0], [0, 0, 1, 0], [], []>, transpose_lhs_hint = false} : vector<256x256xbf16>, vector<2048x256xbf16>, vector<256x2048xf32> -> vector<256x2048xf32>
        %reduce_max3A = arith.constant dense<0xFF800000> : vector<256xf32>
        %reduce_max3A_91 = vector.multi_reduction <maximumf>, %dot_general3A_90, %reduce_max3A [1] : vector<256x2048xf32> to vector<256xf32>
        %broadcast_in_dim3A = vector.shape_cast %reduce_max3A_91 : vector<256xf32> to vector<256x1xf32>
        %get3A_92 = arith.constant 256 : index
        %get3A_93 = arith.constant 0 : index
        %get3A_94 = vector.load %arg5[%get3A_92, %get3A_93] : memref<2048x1xf32, #tpu.memory_space<vmem>>, vector<256x1xf32>
        %max3A = arith.maximumf %get3A_94, %broadcast_in_dim3A : vector<256x1xf32>
        %get3A_95 = arith.constant 256 : index
        %get3A_96 = arith.constant 0 : index
        %get3A_97 = vector.load %arg6[%get3A_95, %get3A_96] : memref<2048x1xf32, #tpu.memory_space<vmem>>, vector<256x1xf32>
        %sub3A = arith.subf %get3A_94, %max3A : vector<256x1xf32>
        %exp3A = math.exp %sub3A : vector<256x1xf32>
        %mul3A = arith.mulf %get3A_97, %exp3A : vector<256x1xf32>
        %sub3A_98 = vector.broadcast %max3A : vector<256x1xf32> to vector<256x2048xf32>
        %sub3A_99 = arith.subf %dot_general3A_90, %sub3A_98 : vector<256x2048xf32>
        %exp3A_100 = math.exp %sub3A_99 : vector<256x2048xf32>
        %reduce_sum3A = arith.constant dense<0.000000e+00> : vector<256xf32>
        %reduce_sum3A_101 = vector.multi_reduction <add>, %exp3A_100, %reduce_sum3A [1] : vector<256x2048xf32> to vector<256xf32>
        %broadcast_in_dim3A_102 = vector.shape_cast %reduce_sum3A_101 : vector<256xf32> to vector<256x1xf32>
        %add3A_103 = arith.addf %mul3A, %broadcast_in_dim3A_102 : vector<256x1xf32>
        %swap3A = arith.constant 256 : index
        %swap3A_104 = arith.constant 0 : index
        %swap3A_105 = vector.load %arg6[%swap3A, %swap3A_104] : memref<2048x1xf32, #tpu.memory_space<vmem>>, vector<256x1xf32>
        tpu.vector_store %arg6[%swap3A, %swap3A_104], %add3A_103 {strides = array<i32>} : memref<2048x1xf32, #tpu.memory_space<vmem>>, vector<256x1xf32>,
        %swap3A_106 = arith.constant 256 : index
        %swap3A_107 = arith.constant 0 : index
        %swap3A_108 = vector.load %arg5[%swap3A_106, %swap3A_107] : memref<2048x1xf32, #tpu.memory_space<vmem>>, vector<256x1xf32>
        tpu.vector_store %arg5[%swap3A_106, %swap3A_107], %max3A {strides = array<i32>} : memref<2048x1xf32, #tpu.memory_space<vmem>>, vector<256x1xf32>,
      } else {
      }
      %add3A_33 = arith.addi %get3A_0, %get3A_2 : i32
      %gt3A_34 = arith.constant 512 : i32
      %gt3A_35 = arith.cmpi sgt, %add3A_33, %gt3A_34 : i32
      %lt3A_36 = arith.constant 768 : i32
      %lt3A_37 = arith.cmpi slt, %get3A_0, %lt3A_36 : i32
      %and3A_38 = arith.andi %gt3A_35, %lt3A_37 : i1
      %convert_element_type3A_39 = arith.extui %and3A_38 : i1 to i32
      %cond3A_40 = arith.constant 0 : i32
      %cond3A_41 = arith.cmpi ne, %convert_element_type3A_39, %cond3A_40 : i32
      scf.if %cond3A_41 {
        %get3A_87 = arith.constant 512 : index
        %get3A_88 = arith.constant 0 : index
        %get3A_89 = vector.load %arg2[%get3A_87, %get3A_88] : memref<2048x256xbf16, #tpu.memory_space<vmem>>, vector<256x256xbf16>
        %dot_general3A = arith.constant dense<0.000000e+00> : vector<256x2048xf32>
        %dot_general3A_90 = tpu.matmul %get3A_89, %convert_element_type3A_17, %dot_general3A {dimension_numbers = #tpu.dot_dimension_numbers<[1], [1], [0], [0], [0, 0, 1, 0], [], []>, transpose_lhs_hint = false} : vector<256x256xbf16>, vector<2048x256xbf16>, vector<256x2048xf32> -> vector<256x2048xf32>
        %reduce_max3A = arith.constant dense<0xFF800000> : vector<256xf32>
        %reduce_max3A_91 = vector.multi_reduction <maximumf>, %dot_general3A_90, %reduce_max3A [1] : vector<256x2048xf32> to vector<256xf32>
        %broadcast_in_dim3A = vector.shape_cast %reduce_max3A_91 : vector<256xf32> to vector<256x1xf32>
        %get3A_92 = arith.constant 512 : index
        %get3A_93 = arith.constant 0 : index
        %get3A_94 = vector.load %arg5[%get3A_92, %get3A_93] : memref<2048x1xf32, #tpu.memory_space<vmem>>, vector<256x1xf32>
        %max3A = arith.maximumf %get3A_94, %broadcast_in_dim3A : vector<256x1xf32>
        %get3A_95 = arith.constant 512 : index
        %get3A_96 = arith.constant 0 : index
        %get3A_97 = vector.load %arg6[%get3A_95, %get3A_96] : memref<2048x1xf32, #tpu.memory_space<vmem>>, vector<256x1xf32>
        %sub3A = arith.subf %get3A_94, %max3A : vector<256x1xf32>
        %exp3A = math.exp %sub3A : vector<256x1xf32>
        %mul3A = arith.mulf %get3A_97, %exp3A : vector<256x1xf32>
        %sub3A_98 = vector.broadcast %max3A : vector<256x1xf32> to vector<256x2048xf32>
        %sub3A_99 = arith.subf %dot_general3A_90, %sub3A_98 : vector<256x2048xf32>
        %exp3A_100 = math.exp %sub3A_99 : vector<256x2048xf32>
        %reduce_sum3A = arith.constant dense<0.000000e+00> : vector<256xf32>
        %reduce_sum3A_101 = vector.multi_reduction <add>, %exp3A_100, %reduce_sum3A [1] : vector<256x2048xf32> to vector<256xf32>
        %broadcast_in_dim3A_102 = vector.shape_cast %reduce_sum3A_101 : vector<256xf32> to vector<256x1xf32>
        %add3A_103 = arith.addf %mul3A, %broadcast_in_dim3A_102 : vector<256x1xf32>
        %swap3A = arith.constant 512 : index
        %swap3A_104 = arith.constant 0 : index
        %swap3A_105 = vector.load %arg6[%swap3A, %swap3A_104] : memref<2048x1xf32, #tpu.memory_space<vmem>>, vector<256x1xf32>
        tpu.vector_store %arg6[%swap3A, %swap3A_104], %add3A_103 {strides = array<i32>} : memref<2048x1xf32, #tpu.memory_space<vmem>>, vector<256x1xf32>,
        %swap3A_106 = arith.constant 512 : index
        %swap3A_107 = arith.constant 0 : index
        %swap3A_108 = vector.load %arg5[%swap3A_106, %swap3A_107] : memref<2048x1xf32, #tpu.memory_space<vmem>>, vector<256x1xf32>
        tpu.vector_store %arg5[%swap3A_106, %swap3A_107], %max3A {strides = array<i32>} : memref<2048x1xf32, #tpu.memory_space<vmem>>, vector<256x1xf32>,
      } else {
      }
      %add3A_42 = arith.addi %get3A_0, %get3A_2 : i32
      %gt3A_43 = arith.constant 768 : i32
      %gt3A_44 = arith.cmpi sgt, %add3A_42, %gt3A_43 : i32
      %lt3A_45 = arith.constant 1024 : i32
      %lt3A_46 = arith.cmpi slt, %get3A_0, %lt3A_45 : i32
      %and3A_47 = arith.andi %gt3A_44, %lt3A_46 : i1
      %convert_element_type3A_48 = arith.extui %and3A_47 : i1 to i32
      %cond3A_49 = arith.constant 0 : i32
      %cond3A_50 = arith.cmpi ne, %convert_element_type3A_48, %cond3A_49 : i32
      scf.if %cond3A_50 {
        %get3A_87 = arith.constant 768 : index
        %get3A_88 = arith.constant 0 : index
        %get3A_89 = vector.load %arg2[%get3A_87, %get3A_88] : memref<2048x256xbf16, #tpu.memory_space<vmem>>, vector<256x256xbf16>
        %dot_general3A = arith.constant dense<0.000000e+00> : vector<256x2048xf32>
        %dot_general3A_90 = tpu.matmul %get3A_89, %convert_element_type3A_17, %dot_general3A {dimension_numbers = #tpu.dot_dimension_numbers<[1], [1], [0], [0], [0, 0, 1, 0], [], []>, transpose_lhs_hint = false} : vector<256x256xbf16>, vector<2048x256xbf16>, vector<256x2048xf32> -> vector<256x2048xf32>
        %reduce_max3A = arith.constant dense<0xFF800000> : vector<256xf32>
        %reduce_max3A_91 = vector.multi_reduction <maximumf>, %dot_general3A_90, %reduce_max3A [1] : vector<256x2048xf32> to vector<256xf32>
        %broadcast_in_dim3A = vector.shape_cast %reduce_max3A_91 : vector<256xf32> to vector<256x1xf32>
        %get3A_92 = arith.constant 768 : index
        %get3A_93 = arith.constant 0 : index
        %get3A_94 = vector.load %arg5[%get3A_92, %get3A_93] : memref<2048x1xf32, #tpu.memory_space<vmem>>, vector<256x1xf32>
        %max3A = arith.maximumf %get3A_94, %broadcast_in_dim3A : vector<256x1xf32>
        %get3A_95 = arith.constant 768 : index
        %get3A_96 = arith.constant 0 : index
        %get3A_97 = vector.load %arg6[%get3A_95, %get3A_96] : memref<2048x1xf32, #tpu.memory_space<vmem>>, vector<256x1xf32>
        %sub3A = arith.subf %get3A_94, %max3A : vector<256x1xf32>
        %exp3A = math.exp %sub3A : vector<256x1xf32>
        %mul3A = arith.mulf %get3A_97, %exp3A : vector<256x1xf32>
        %sub3A_98 = vector.broadcast %max3A : vector<256x1xf32> to vector<256x2048xf32>
        %sub3A_99 = arith.subf %dot_general3A_90, %sub3A_98 : vector<256x2048xf32>
        %exp3A_100 = math.exp %sub3A_99 : vector<256x2048xf32>
        %reduce_sum3A = arith.constant dense<0.000000e+00> : vector<256xf32>
        %reduce_sum3A_101 = vector.multi_reduction <add>, %exp3A_100, %reduce_sum3A [1] : vector<256x2048xf32> to vector<256xf32>
        %broadcast_in_dim3A_102 = vector.shape_cast %reduce_sum3A_101 : vector<256xf32> to vector<256x1xf32>
        %add3A_103 = arith.addf %mul3A, %broadcast_in_dim3A_102 : vector<256x1xf32>
        %swap3A = arith.constant 768 : index
        %swap3A_104 = arith.constant 0 : index
        %swap3A_105 = vector.load %arg6[%swap3A, %swap3A_104] : memref<2048x1xf32, #tpu.memory_space<vmem>>, vector<256x1xf32>
        tpu.vector_store %arg6[%swap3A, %swap3A_104], %add3A_103 {strides = array<i32>} : memref<2048x1xf32, #tpu.memory_space<vmem>>, vector<256x1xf32>,
        %swap3A_106 = arith.constant 768 : index
        %swap3A_107 = arith.constant 0 : index
        %swap3A_108 = vector.load %arg5[%swap3A_106, %swap3A_107] : memref<2048x1xf32, #tpu.memory_space<vmem>>, vector<256x1xf32>
        tpu.vector_store %arg5[%swap3A_106, %swap3A_107], %max3A {strides = array<i32>} : memref<2048x1xf32, #tpu.memory_space<vmem>>, vector<256x1xf32>,
      } else {
      }
      %add3A_51 = arith.addi %get3A_0, %get3A_2 : i32
      %gt3A_52 = arith.constant 1024 : i32
      %gt3A_53 = arith.cmpi sgt, %add3A_51, %gt3A_52 : i32
      %lt3A_54 = arith.constant 1280 : i32
      %lt3A_55 = arith.cmpi slt, %get3A_0, %lt3A_54 : i32
      %and3A_56 = arith.andi %gt3A_53, %lt3A_55 : i1
      %convert_element_type3A_57 = arith.extui %and3A_56 : i1 to i32
      %cond3A_58 = arith.constant 0 : i32
      %cond3A_59 = arith.cmpi ne, %convert_element_type3A_57, %cond3A_58 : i32
      scf.if %cond3A_59 {
        %get3A_87 = arith.constant 1024 : index
        %get3A_88 = arith.constant 0 : index
        %get3A_89 = vector.load %arg2[%get3A_87, %get3A_88] : memref<2048x256xbf16, #tpu.memory_space<vmem>>, vector<256x256xbf16>
        %dot_general3A = arith.constant dense<0.000000e+00> : vector<256x2048xf32>
        %dot_general3A_90 = tpu.matmul %get3A_89, %convert_element_type3A_17, %dot_general3A {dimension_numbers = #tpu.dot_dimension_numbers<[1], [1], [0], [0], [0, 0, 1, 0], [], []>, transpose_lhs_hint = false} : vector<256x256xbf16>, vector<2048x256xbf16>, vector<256x2048xf32> -> vector<256x2048xf32>
        %reduce_max3A = arith.constant dense<0xFF800000> : vector<256xf32>
        %reduce_max3A_91 = vector.multi_reduction <maximumf>, %dot_general3A_90, %reduce_max3A [1] : vector<256x2048xf32> to vector<256xf32>
        %broadcast_in_dim3A = vector.shape_cast %reduce_max3A_91 : vector<256xf32> to vector<256x1xf32>
        %get3A_92 = arith.constant 1024 : index
        %get3A_93 = arith.constant 0 : index
        %get3A_94 = vector.load %arg5[%get3A_92, %get3A_93] : memref<2048x1xf32, #tpu.memory_space<vmem>>, vector<256x1xf32>
        %max3A = arith.maximumf %get3A_94, %broadcast_in_dim3A : vector<256x1xf32>
        %get3A_95 = arith.constant 1024 : index
        %get3A_96 = arith.constant 0 : index
        %get3A_97 = vector.load %arg6[%get3A_95, %get3A_96] : memref<2048x1xf32, #tpu.memory_space<vmem>>, vector<256x1xf32>
        %sub3A = arith.subf %get3A_94, %max3A : vector<256x1xf32>
        %exp3A = math.exp %sub3A : vector<256x1xf32>
        %mul3A = arith.mulf %get3A_97, %exp3A : vector<256x1xf32>
        %sub3A_98 = vector.broadcast %max3A : vector<256x1xf32> to vector<256x2048xf32>
        %sub3A_99 = arith.subf %dot_general3A_90, %sub3A_98 : vector<256x2048xf32>
        %exp3A_100 = math.exp %sub3A_99 : vector<256x2048xf32>
        %reduce_sum3A = arith.constant dense<0.000000e+00> : vector<256xf32>
        %reduce_sum3A_101 = vector.multi_reduction <add>, %exp3A_100, %reduce_sum3A [1] : vector<256x2048xf32> to vector<256xf32>
        %broadcast_in_dim3A_102 = vector.shape_cast %reduce_sum3A_101 : vector<256xf32> to vector<256x1xf32>
        %add3A_103 = arith.addf %mul3A, %broadcast_in_dim3A_102 : vector<256x1xf32>
        %swap3A = arith.constant 1024 : index
        %swap3A_104 = arith.constant 0 : index
        %swap3A_105 = vector.load %arg6[%swap3A, %swap3A_104] : memref<2048x1xf32, #tpu.memory_space<vmem>>, vector<256x1xf32>
        tpu.vector_store %arg6[%swap3A, %swap3A_104], %add3A_103 {strides = array<i32>} : memref<2048x1xf32, #tpu.memory_space<vmem>>, vector<256x1xf32>,
        %swap3A_106 = arith.constant 1024 : index
        %swap3A_107 = arith.constant 0 : index
        %swap3A_108 = vector.load %arg5[%swap3A_106, %swap3A_107] : memref<2048x1xf32, #tpu.memory_space<vmem>>, vector<256x1xf32>
        tpu.vector_store %arg5[%swap3A_106, %swap3A_107], %max3A {strides = array<i32>} : memref<2048x1xf32, #tpu.memory_space<vmem>>, vector<256x1xf32>,
      } else {
      }
      %add3A_60 = arith.addi %get3A_0, %get3A_2 : i32
      %gt3A_61 = arith.constant 1280 : i32
      %gt3A_62 = arith.cmpi sgt, %add3A_60, %gt3A_61 : i32
      %lt3A_63 = arith.constant 1536 : i32
      %lt3A_64 = arith.cmpi slt, %get3A_0, %lt3A_63 : i32
      %and3A_65 = arith.andi %gt3A_62, %lt3A_64 : i1
      %convert_element_type3A_66 = arith.extui %and3A_65 : i1 to i32
      %cond3A_67 = arith.constant 0 : i32
      %cond3A_68 = arith.cmpi ne, %convert_element_type3A_66, %cond3A_67 : i32
      scf.if %cond3A_68 {
        %get3A_87 = arith.constant 1280 : index
        %get3A_88 = arith.constant 0 : index
        %get3A_89 = vector.load %arg2[%get3A_87, %get3A_88] : memref<2048x256xbf16, #tpu.memory_space<vmem>>, vector<256x256xbf16>
        %dot_general3A = arith.constant dense<0.000000e+00> : vector<256x2048xf32>
        %dot_general3A_90 = tpu.matmul %get3A_89, %convert_element_type3A_17, %dot_general3A {dimension_numbers = #tpu.dot_dimension_numbers<[1], [1], [0], [0], [0, 0, 1, 0], [], []>, transpose_lhs_hint = false} : vector<256x256xbf16>, vector<2048x256xbf16>, vector<256x2048xf32> -> vector<256x2048xf32>
        %reduce_max3A = arith.constant dense<0xFF800000> : vector<256xf32>
        %reduce_max3A_91 = vector.multi_reduction <maximumf>, %dot_general3A_90, %reduce_max3A [1] : vector<256x2048xf32> to vector<256xf32>
        %broadcast_in_dim3A = vector.shape_cast %reduce_max3A_91 : vector<256xf32> to vector<256x1xf32>
        %get3A_92 = arith.constant 1280 : index
        %get3A_93 = arith.constant 0 : index
        %get3A_94 = vector.load %arg5[%get3A_92, %get3A_93] : memref<2048x1xf32, #tpu.memory_space<vmem>>, vector<256x1xf32>
        %max3A = arith.maximumf %get3A_94, %broadcast_in_dim3A : vector<256x1xf32>
        %get3A_95 = arith.constant 1280 : index
        %get3A_96 = arith.constant 0 : index
        %get3A_97 = vector.load %arg6[%get3A_95, %get3A_96] : memref<2048x1xf32, #tpu.memory_space<vmem>>, vector<256x1xf32>
        %sub3A = arith.subf %get3A_94, %max3A : vector<256x1xf32>
        %exp3A = math.exp %sub3A : vector<256x1xf32>
        %mul3A = arith.mulf %get3A_97, %exp3A : vector<256x1xf32>
        %sub3A_98 = vector.broadcast %max3A : vector<256x1xf32> to vector<256x2048xf32>
        %sub3A_99 = arith.subf %dot_general3A_90, %sub3A_98 : vector<256x2048xf32>
        %exp3A_100 = math.exp %sub3A_99 : vector<256x2048xf32>
        %reduce_sum3A = arith.constant dense<0.000000e+00> : vector<256xf32>
        %reduce_sum3A_101 = vector.multi_reduction <add>, %exp3A_100, %reduce_sum3A [1] : vector<256x2048xf32> to vector<256xf32>
        %broadcast_in_dim3A_102 = vector.shape_cast %reduce_sum3A_101 : vector<256xf32> to vector<256x1xf32>
        %add3A_103 = arith.addf %mul3A, %broadcast_in_dim3A_102 : vector<256x1xf32>
        %swap3A = arith.constant 1280 : index
        %swap3A_104 = arith.constant 0 : index
        %swap3A_105 = vector.load %arg6[%swap3A, %swap3A_104] : memref<2048x1xf32, #tpu.memory_space<vmem>>, vector<256x1xf32>
        tpu.vector_store %arg6[%swap3A, %swap3A_104], %add3A_103 {strides = array<i32>} : memref<2048x1xf32, #tpu.memory_space<vmem>>, vector<256x1xf32>,
        %swap3A_106 = arith.constant 1280 : index
        %swap3A_107 = arith.constant 0 : index
        %swap3A_108 = vector.load %arg5[%swap3A_106, %swap3A_107] : memref<2048x1xf32, #tpu.memory_space<vmem>>, vector<256x1xf32>
        tpu.vector_store %arg5[%swap3A_106, %swap3A_107], %max3A {strides = array<i32>} : memref<2048x1xf32, #tpu.memory_space<vmem>>, vector<256x1xf32>,
      } else {
      }
      %add3A_69 = arith.addi %get3A_0, %get3A_2 : i32
      %gt3A_70 = arith.constant 1536 : i32
      %gt3A_71 = arith.cmpi sgt, %add3A_69, %gt3A_70 : i32
      %lt3A_72 = arith.constant 1792 : i32
      %lt3A_73 = arith.cmpi slt, %get3A_0, %lt3A_72 : i32
      %and3A_74 = arith.andi %gt3A_71, %lt3A_73 : i1
      %convert_element_type3A_75 = arith.extui %and3A_74 : i1 to i32
      %cond3A_76 = arith.constant 0 : i32
      %cond3A_77 = arith.cmpi ne, %convert_element_type3A_75, %cond3A_76 : i32
      scf.if %cond3A_77 {
        %get3A_87 = arith.constant 1536 : index
        %get3A_88 = arith.constant 0 : index
        %get3A_89 = vector.load %arg2[%get3A_87, %get3A_88] : memref<2048x256xbf16, #tpu.memory_space<vmem>>, vector<256x256xbf16>
        %dot_general3A = arith.constant dense<0.000000e+00> : vector<256x2048xf32>
        %dot_general3A_90 = tpu.matmul %get3A_89, %convert_element_type3A_17, %dot_general3A {dimension_numbers = #tpu.dot_dimension_numbers<[1], [1], [0], [0], [0, 0, 1, 0], [], []>, transpose_lhs_hint = false} : vector<256x256xbf16>, vector<2048x256xbf16>, vector<256x2048xf32> -> vector<256x2048xf32>
        %reduce_max3A = arith.constant dense<0xFF800000> : vector<256xf32>
        %reduce_max3A_91 = vector.multi_reduction <maximumf>, %dot_general3A_90, %reduce_max3A [1] : vector<256x2048xf32> to vector<256xf32>
        %broadcast_in_dim3A = vector.shape_cast %reduce_max3A_91 : vector<256xf32> to vector<256x1xf32>
        %get3A_92 = arith.constant 1536 : index
        %get3A_93 = arith.constant 0 : index
        %get3A_94 = vector.load %arg5[%get3A_92, %get3A_93] : memref<2048x1xf32, #tpu.memory_space<vmem>>, vector<256x1xf32>
        %max3A = arith.maximumf %get3A_94, %broadcast_in_dim3A : vector<256x1xf32>
        %get3A_95 = arith.constant 1536 : index
        %get3A_96 = arith.constant 0 : index
        %get3A_97 = vector.load %arg6[%get3A_95, %get3A_96] : memref<2048x1xf32, #tpu.memory_space<vmem>>, vector<256x1xf32>
        %sub3A = arith.subf %get3A_94, %max3A : vector<256x1xf32>
        %exp3A = math.exp %sub3A : vector<256x1xf32>
        %mul3A = arith.mulf %get3A_97, %exp3A : vector<256x1xf32>
        %sub3A_98 = vector.broadcast %max3A : vector<256x1xf32> to vector<256x2048xf32>
        %sub3A_99 = arith.subf %dot_general3A_90, %sub3A_98 : vector<256x2048xf32>
        %exp3A_100 = math.exp %sub3A_99 : vector<256x2048xf32>
        %reduce_sum3A = arith.constant dense<0.000000e+00> : vector<256xf32>
        %reduce_sum3A_101 = vector.multi_reduction <add>, %exp3A_100, %reduce_sum3A [1] : vector<256x2048xf32> to vector<256xf32>
        %broadcast_in_dim3A_102 = vector.shape_cast %reduce_sum3A_101 : vector<256xf32> to vector<256x1xf32>
        %add3A_103 = arith.addf %mul3A, %broadcast_in_dim3A_102 : vector<256x1xf32>
        %swap3A = arith.constant 1536 : index
        %swap3A_104 = arith.constant 0 : index
        %swap3A_105 = vector.load %arg6[%swap3A, %swap3A_104] : memref<2048x1xf32, #tpu.memory_space<vmem>>, vector<256x1xf32>
        tpu.vector_store %arg6[%swap3A, %swap3A_104], %add3A_103 {strides = array<i32>} : memref<2048x1xf32, #tpu.memory_space<vmem>>, vector<256x1xf32>,
        %swap3A_106 = arith.constant 1536 : index
        %swap3A_107 = arith.constant 0 : index
        %swap3A_108 = vector.load %arg5[%swap3A_106, %swap3A_107] : memref<2048x1xf32, #tpu.memory_space<vmem>>, vector<256x1xf32>
        tpu.vector_store %arg5[%swap3A_106, %swap3A_107], %max3A {strides = array<i32>} : memref<2048x1xf32, #tpu.memory_space<vmem>>, vector<256x1xf32>,
      } else {
      }
      %add3A_78 = arith.addi %get3A_0, %get3A_2 : i32
      %gt3A_79 = arith.constant 1792 : i32
      %gt3A_80 = arith.cmpi sgt, %add3A_78, %gt3A_79 : i32
      %lt3A_81 = arith.constant 2048 : i32
      %lt3A_82 = arith.cmpi slt, %get3A_0, %lt3A_81 : i32
      %and3A_83 = arith.andi %gt3A_80, %lt3A_82 : i1
      %convert_element_type3A_84 = arith.extui %and3A_83 : i1 to i32
      %cond3A_85 = arith.constant 0 : i32
      %cond3A_86 = arith.cmpi ne, %convert_element_type3A_84, %cond3A_85 : i32
      scf.if %cond3A_86 {
        %get3A_87 = arith.constant 1792 : index
        %get3A_88 = arith.constant 0 : index
        %get3A_89 = vector.load %arg2[%get3A_87, %get3A_88] : memref<2048x256xbf16, #tpu.memory_space<vmem>>, vector<256x256xbf16>
        %dot_general3A = arith.constant dense<0.000000e+00> : vector<256x2048xf32>
        %dot_general3A_90 = tpu.matmul %get3A_89, %convert_element_type3A_17, %dot_general3A {dimension_numbers = #tpu.dot_dimension_numbers<[1], [1], [0], [0], [0, 0, 1, 0], [], []>, transpose_lhs_hint = false} : vector<256x256xbf16>, vector<2048x256xbf16>, vector<256x2048xf32> -> vector<256x2048xf32>
        %reduce_max3A = arith.constant dense<0xFF800000> : vector<256xf32>
        %reduce_max3A_91 = vector.multi_reduction <maximumf>, %dot_general3A_90, %reduce_max3A [1] : vector<256x2048xf32> to vector<256xf32>
        %broadcast_in_dim3A = vector.shape_cast %reduce_max3A_91 : vector<256xf32> to vector<256x1xf32>
        %get3A_92 = arith.constant 1792 : index
        %get3A_93 = arith.constant 0 : index
        %get3A_94 = vector.load %arg5[%get3A_92, %get3A_93] : memref<2048x1xf32, #tpu.memory_space<vmem>>, vector<256x1xf32>
        %max3A = arith.maximumf %get3A_94, %broadcast_in_dim3A : vector<256x1xf32>
        %get3A_95 = arith.constant 1792 : index
        %get3A_96 = arith.constant 0 : index
        %get3A_97 = vector.load %arg6[%get3A_95, %get3A_96] : memref<2048x1xf32, #tpu.memory_space<vmem>>, vector<256x1xf32>
        %sub3A = arith.subf %get3A_94, %max3A : vector<256x1xf32>
        %exp3A = math.exp %sub3A : vector<256x1xf32>
        %mul3A = arith.mulf %get3A_97, %exp3A : vector<256x1xf32>
        %sub3A_98 = vector.broadcast %max3A : vector<256x1xf32> to vector<256x2048xf32>
        %sub3A_99 = arith.subf %dot_general3A_90, %sub3A_98 : vector<256x2048xf32>
        %exp3A_100 = math.exp %sub3A_99 : vector<256x2048xf32>
        %reduce_sum3A = arith.constant dense<0.000000e+00> : vector<256xf32>
        %reduce_sum3A_101 = vector.multi_reduction <add>, %exp3A_100, %reduce_sum3A [1] : vector<256x2048xf32> to vector<256xf32>
        %broadcast_in_dim3A_102 = vector.shape_cast %reduce_sum3A_101 : vector<256xf32> to vector<256x1xf32>
        %add3A_103 = arith.addf %mul3A, %broadcast_in_dim3A_102 : vector<256x1xf32>
        %swap3A = arith.constant 1792 : index
        %swap3A_104 = arith.constant 0 : index
        %swap3A_105 = vector.load %arg6[%swap3A, %swap3A_104] : memref<2048x1xf32, #tpu.memory_space<vmem>>, vector<256x1xf32>
        tpu.vector_store %arg6[%swap3A, %swap3A_104], %add3A_103 {strides = array<i32>} : memref<2048x1xf32, #tpu.memory_space<vmem>>, vector<256x1xf32>,
        %swap3A_106 = arith.constant 1792 : index
        %swap3A_107 = arith.constant 0 : index
        %swap3A_108 = vector.load %arg5[%swap3A_106, %swap3A_107] : memref<2048x1xf32, #tpu.memory_space<vmem>>, vector<256x1xf32>
        tpu.vector_store %arg5[%swap3A_106, %swap3A_107], %max3A {strides = array<i32>} : memref<2048x1xf32, #tpu.memory_space<vmem>>, vector<256x1xf32>,
      } else {
      }
    } else {
    }
    %eq3A_9 = arith.constant 3 : i32
    %eq3A_10 = arith.cmpi eq, %arg0, %eq3A_9 : i32
    %convert_element_type3A_11 = arith.extui %eq3A_10 : i1 to i32
    %cond3A_12 = arith.constant 0 : i32
    %cond3A_13 = arith.cmpi ne, %convert_element_type3A_11, %cond3A_12 : i32
    scf.if %cond3A_13 {
      %get3A_14 = arith.constant 0 : index
      %get3A_15 = arith.constant 0 : index
      %get3A_16 = vector.load %arg3[%get3A_14, %get3A_15] : memref<2048x256xf32, #tpu.memory_space<vmem>>, vector<2048x256xf32>
      %convert_element_type3A_17 = arith.truncf %get3A_16 : vector<2048x256xf32> to vector<2048x256xbf16>
      %add3A = arith.addi %get3A_0, %get3A_2 : i32
      %gt3A = arith.constant 0 : i32
      %gt3A_18 = arith.cmpi sgt, %add3A, %gt3A : i32
      %lt3A_19 = arith.constant 256 : i32
      %lt3A_20 = arith.cmpi slt, %get3A_0, %lt3A_19 : i32
      %and3A = arith.andi %gt3A_18, %lt3A_20 : i1
      %convert_element_type3A_21 = arith.extui %and3A : i1 to i32
      %cond3A_22 = arith.constant 0 : i32
      %cond3A_23 = arith.cmpi ne, %convert_element_type3A_21, %cond3A_22 : i32
      scf.if %cond3A_23 {
        %get3A_101 = arith.constant 0 : index
        %get3A_102 = arith.constant 0 : index
        %get3A_103 = vector.load %arg2[%get3A_101, %get3A_102] : memref<2048x256xbf16, #tpu.memory_space<vmem>>, vector<256x256xbf16>
        %dot_general3A = arith.constant dense<0.000000e+00> : vector<256x2048xf32>
        %dot_general3A_104 = tpu.matmul %get3A_103, %convert_element_type3A_17, %dot_general3A {dimension_numbers = #tpu.dot_dimension_numbers<[1], [1], [0], [0], [0, 0, 1, 0], [], []>, transpose_lhs_hint = false} : vector<256x256xbf16>, vector<2048x256xbf16>, vector<256x2048xf32> -> vector<256x2048xf32>
        %mul3A = arith.constant 2048 : i32
        %mul3A_105 = arith.muli %arg0, %mul3A : i32
        %iota3A_106 = tpu.iota {dimensions = array<i32: 1>} : vector<256x2048xi32>
        %add3A_107 = vector.broadcast %mul3A_105 : i32 to vector<256x2048xi32>
        %add3A_108 = arith.addi %add3A_107, %iota3A_106 : vector<256x2048xi32>
        %lt3A_109 = arith.constant 8000 : i32
        %lt3A_110 = vector.broadcast %lt3A_109 : i32 to vector<256x2048xi32>
        %lt3A_111 = arith.cmpi slt, %add3A_108, %lt3A_110 : vector<256x2048xi32>
        %jit3A_112 = arith.constant 0xFF800000 : f32
        %broadcast_in_dim3A_113 = vector.broadcast %jit3A_112 : f32 to vector<256x2048xf32>
        %select_n3A_114 = arith.select %lt3A_111, %dot_general3A_104, %broadcast_in_dim3A_113 : vector<256x2048xi1>, vector<256x2048xf32>
        %reduce_max3A = arith.constant dense<0xFF800000> : vector<256xf32>
        %reduce_max3A_115 = vector.multi_reduction <maximumf>, %select_n3A_114, %reduce_max3A [1] : vector<256x2048xf32> to vector<256xf32>
        %broadcast_in_dim3A_116 = vector.shape_cast %reduce_max3A_115 : vector<256xf32> to vector<256x1xf32>
        %get3A_117 = arith.constant 0 : index
        %get3A_118 = arith.constant 0 : index
        %get3A_119 = vector.load %arg5[%get3A_117, %get3A_118] : memref<2048x1xf32, #tpu.memory_space<vmem>>, vector<256x1xf32>
        %max3A = arith.maximumf %get3A_119, %broadcast_in_dim3A_116 : vector<256x1xf32>
        %get3A_120 = arith.constant 0 : index
        %get3A_121 = arith.constant 0 : index
        %get3A_122 = vector.load %arg6[%get3A_120, %get3A_121] : memref<2048x1xf32, #tpu.memory_space<vmem>>, vector<256x1xf32>
        %sub3A = arith.subf %get3A_119, %max3A : vector<256x1xf32>
        %exp3A = math.exp %sub3A : vector<256x1xf32>
        %mul3A_123 = arith.mulf %get3A_122, %exp3A : vector<256x1xf32>
        %sub3A_124 = vector.broadcast %max3A : vector<256x1xf32> to vector<256x2048xf32>
        %sub3A_125 = arith.subf %select_n3A_114, %sub3A_124 : vector<256x2048xf32>
        %exp3A_126 = math.exp %sub3A_125 : vector<256x2048xf32>
        %reduce_sum3A = arith.constant dense<0.000000e+00> : vector<256xf32>
        %reduce_sum3A_127 = vector.multi_reduction <add>, %exp3A_126, %reduce_sum3A [1] : vector<256x2048xf32> to vector<256xf32>
        %broadcast_in_dim3A_128 = vector.shape_cast %reduce_sum3A_127 : vector<256xf32> to vector<256x1xf32>
        %add3A_129 = arith.addf %mul3A_123, %broadcast_in_dim3A_128 : vector<256x1xf32>
        %swap3A_130 = arith.constant 0 : index
        %swap3A_131 = arith.constant 0 : index
        %swap3A_132 = vector.load %arg6[%swap3A_130, %swap3A_131] : memref<2048x1xf32, #tpu.memory_space<vmem>>, vector<256x1xf32>
        tpu.vector_store %arg6[%swap3A_130, %swap3A_131], %add3A_129 {strides = array<i32>} : memref<2048x1xf32, #tpu.memory_space<vmem>>, vector<256x1xf32>,
        %swap3A_133 = arith.constant 0 : index
        %swap3A_134 = arith.constant 0 : index
        %swap3A_135 = vector.load %arg5[%swap3A_133, %swap3A_134] : memref<2048x1xf32, #tpu.memory_space<vmem>>, vector<256x1xf32>
        tpu.vector_store %arg5[%swap3A_133, %swap3A_134], %max3A {strides = array<i32>} : memref<2048x1xf32, #tpu.memory_space<vmem>>, vector<256x1xf32>,
      } else {
      }
      %add3A_24 = arith.addi %get3A_0, %get3A_2 : i32
      %gt3A_25 = arith.constant 256 : i32
      %gt3A_26 = arith.cmpi sgt, %add3A_24, %gt3A_25 : i32
      %lt3A_27 = arith.constant 512 : i32
      %lt3A_28 = arith.cmpi slt, %get3A_0, %lt3A_27 : i32
      %and3A_29 = arith.andi %gt3A_26, %lt3A_28 : i1
      %convert_element_type3A_30 = arith.extui %and3A_29 : i1 to i32
      %cond3A_31 = arith.constant 0 : i32
      %cond3A_32 = arith.cmpi ne, %convert_element_type3A_30, %cond3A_31 : i32
      scf.if %cond3A_32 {
        %get3A_101 = arith.constant 256 : index
        %get3A_102 = arith.constant 0 : index
        %get3A_103 = vector.load %arg2[%get3A_101, %get3A_102] : memref<2048x256xbf16, #tpu.memory_space<vmem>>, vector<256x256xbf16>
        %dot_general3A = arith.constant dense<0.000000e+00> : vector<256x2048xf32>
        %dot_general3A_104 = tpu.matmul %get3A_103, %convert_element_type3A_17, %dot_general3A {dimension_numbers = #tpu.dot_dimension_numbers<[1], [1], [0], [0], [0, 0, 1, 0], [], []>, transpose_lhs_hint = false} : vector<256x256xbf16>, vector<2048x256xbf16>, vector<256x2048xf32> -> vector<256x2048xf32>
        %mul3A = arith.constant 2048 : i32
        %mul3A_105 = arith.muli %arg0, %mul3A : i32
        %iota3A_106 = tpu.iota {dimensions = array<i32: 1>} : vector<256x2048xi32>
        %add3A_107 = vector.broadcast %mul3A_105 : i32 to vector<256x2048xi32>
        %add3A_108 = arith.addi %add3A_107, %iota3A_106 : vector<256x2048xi32>
        %lt3A_109 = arith.constant 8000 : i32
        %lt3A_110 = vector.broadcast %lt3A_109 : i32 to vector<256x2048xi32>
        %lt3A_111 = arith.cmpi slt, %add3A_108, %lt3A_110 : vector<256x2048xi32>
        %jit3A_112 = arith.constant 0xFF800000 : f32
        %broadcast_in_dim3A_113 = vector.broadcast %jit3A_112 : f32 to vector<256x2048xf32>
        %select_n3A_114 = arith.select %lt3A_111, %dot_general3A_104, %broadcast_in_dim3A_113 : vector<256x2048xi1>, vector<256x2048xf32>
        %reduce_max3A = arith.constant dense<0xFF800000> : vector<256xf32>
        %reduce_max3A_115 = vector.multi_reduction <maximumf>, %select_n3A_114, %reduce_max3A [1] : vector<256x2048xf32> to vector<256xf32>
        %broadcast_in_dim3A_116 = vector.shape_cast %reduce_max3A_115 : vector<256xf32> to vector<256x1xf32>
        %get3A_117 = arith.constant 256 : index
        %get3A_118 = arith.constant 0 : index
        %get3A_119 = vector.load %arg5[%get3A_117, %get3A_118] : memref<2048x1xf32, #tpu.memory_space<vmem>>, vector<256x1xf32>
        %max3A = arith.maximumf %get3A_119, %broadcast_in_dim3A_116 : vector<256x1xf32>
        %get3A_120 = arith.constant 256 : index
        %get3A_121 = arith.constant 0 : index
        %get3A_122 = vector.load %arg6[%get3A_120, %get3A_121] : memref<2048x1xf32, #tpu.memory_space<vmem>>, vector<256x1xf32>
        %sub3A = arith.subf %get3A_119, %max3A : vector<256x1xf32>
        %exp3A = math.exp %sub3A : vector<256x1xf32>
        %mul3A_123 = arith.mulf %get3A_122, %exp3A : vector<256x1xf32>
        %sub3A_124 = vector.broadcast %max3A : vector<256x1xf32> to vector<256x2048xf32>
        %sub3A_125 = arith.subf %select_n3A_114, %sub3A_124 : vector<256x2048xf32>
        %exp3A_126 = math.exp %sub3A_125 : vector<256x2048xf32>
        %reduce_sum3A = arith.constant dense<0.000000e+00> : vector<256xf32>
        %reduce_sum3A_127 = vector.multi_reduction <add>, %exp3A_126, %reduce_sum3A [1] : vector<256x2048xf32> to vector<256xf32>
        %broadcast_in_dim3A_128 = vector.shape_cast %reduce_sum3A_127 : vector<256xf32> to vector<256x1xf32>
        %add3A_129 = arith.addf %mul3A_123, %broadcast_in_dim3A_128 : vector<256x1xf32>
        %swap3A_130 = arith.constant 256 : index
        %swap3A_131 = arith.constant 0 : index
        %swap3A_132 = vector.load %arg6[%swap3A_130, %swap3A_131] : memref<2048x1xf32, #tpu.memory_space<vmem>>, vector<256x1xf32>
        tpu.vector_store %arg6[%swap3A_130, %swap3A_131], %add3A_129 {strides = array<i32>} : memref<2048x1xf32, #tpu.memory_space<vmem>>, vector<256x1xf32>,
        %swap3A_133 = arith.constant 256 : index
        %swap3A_134 = arith.constant 0 : index
        %swap3A_135 = vector.load %arg5[%swap3A_133, %swap3A_134] : memref<2048x1xf32, #tpu.memory_space<vmem>>, vector<256x1xf32>
        tpu.vector_store %arg5[%swap3A_133, %swap3A_134], %max3A {strides = array<i32>} : memref<2048x1xf32, #tpu.memory_space<vmem>>, vector<256x1xf32>,
      } else {
      }
      %add3A_33 = arith.addi %get3A_0, %get3A_2 : i32
      %gt3A_34 = arith.constant 512 : i32
      %gt3A_35 = arith.cmpi sgt, %add3A_33, %gt3A_34 : i32
      %lt3A_36 = arith.constant 768 : i32
      %lt3A_37 = arith.cmpi slt, %get3A_0, %lt3A_36 : i32
      %and3A_38 = arith.andi %gt3A_35, %lt3A_37 : i1
      %convert_element_type3A_39 = arith.extui %and3A_38 : i1 to i32
      %cond3A_40 = arith.constant 0 : i32
      %cond3A_41 = arith.cmpi ne, %convert_element_type3A_39, %cond3A_40 : i32
      scf.if %cond3A_41 {
        %get3A_101 = arith.constant 512 : index
        %get3A_102 = arith.constant 0 : index
        %get3A_103 = vector.load %arg2[%get3A_101, %get3A_102] : memref<2048x256xbf16, #tpu.memory_space<vmem>>, vector<256x256xbf16>
        %dot_general3A = arith.constant dense<0.000000e+00> : vector<256x2048xf32>
        %dot_general3A_104 = tpu.matmul %get3A_103, %convert_element_type3A_17, %dot_general3A {dimension_numbers = #tpu.dot_dimension_numbers<[1], [1], [0], [0], [0, 0, 1, 0], [], []>, transpose_lhs_hint = false} : vector<256x256xbf16>, vector<2048x256xbf16>, vector<256x2048xf32> -> vector<256x2048xf32>
        %mul3A = arith.constant 2048 : i32
        %mul3A_105 = arith.muli %arg0, %mul3A : i32
        %iota3A_106 = tpu.iota {dimensions = array<i32: 1>} : vector<256x2048xi32>
        %add3A_107 = vector.broadcast %mul3A_105 : i32 to vector<256x2048xi32>
        %add3A_108 = arith.addi %add3A_107, %iota3A_106 : vector<256x2048xi32>
        %lt3A_109 = arith.constant 8000 : i32
        %lt3A_110 = vector.broadcast %lt3A_109 : i32 to vector<256x2048xi32>
        %lt3A_111 = arith.cmpi slt, %add3A_108, %lt3A_110 : vector<256x2048xi32>
        %jit3A_112 = arith.constant 0xFF800000 : f32
        %broadcast_in_dim3A_113 = vector.broadcast %jit3A_112 : f32 to vector<256x2048xf32>
        %select_n3A_114 = arith.select %lt3A_111, %dot_general3A_104, %broadcast_in_dim3A_113 : vector<256x2048xi1>, vector<256x2048xf32>
        %reduce_max3A = arith.constant dense<0xFF800000> : vector<256xf32>
        %reduce_max3A_115 = vector.multi_reduction <maximumf>, %select_n3A_114, %reduce_max3A [1] : vector<256x2048xf32> to vector<256xf32>
        %broadcast_in_dim3A_116 = vector.shape_cast %reduce_max3A_115 : vector<256xf32> to vector<256x1xf32>
        %get3A_117 = arith.constant 512 : index
        %get3A_118 = arith.constant 0 : index
        %get3A_119 = vector.load %arg5[%get3A_117, %get3A_118] : memref<2048x1xf32, #tpu.memory_space<vmem>>, vector<256x1xf32>
        %max3A = arith.maximumf %get3A_119, %broadcast_in_dim3A_116 : vector<256x1xf32>
        %get3A_120 = arith.constant 512 : index
        %get3A_121 = arith.constant 0 : index
        %get3A_122 = vector.load %arg6[%get3A_120, %get3A_121] : memref<2048x1xf32, #tpu.memory_space<vmem>>, vector<256x1xf32>
        %sub3A = arith.subf %get3A_119, %max3A : vector<256x1xf32>
        %exp3A = math.exp %sub3A : vector<256x1xf32>
        %mul3A_123 = arith.mulf %get3A_122, %exp3A : vector<256x1xf32>
        %sub3A_124 = vector.broadcast %max3A : vector<256x1xf32> to vector<256x2048xf32>
        %sub3A_125 = arith.subf %select_n3A_114, %sub3A_124 : vector<256x2048xf32>
        %exp3A_126 = math.exp %sub3A_125 : vector<256x2048xf32>
        %reduce_sum3A = arith.constant dense<0.000000e+00> : vector<256xf32>
        %reduce_sum3A_127 = vector.multi_reduction <add>, %exp3A_126, %reduce_sum3A [1] : vector<256x2048xf32> to vector<256xf32>
        %broadcast_in_dim3A_128 = vector.shape_cast %reduce_sum3A_127 : vector<256xf32> to vector<256x1xf32>
        %add3A_129 = arith.addf %mul3A_123, %broadcast_in_dim3A_128 : vector<256x1xf32>
        %swap3A_130 = arith.constant 512 : index
        %swap3A_131 = arith.constant 0 : index
        %swap3A_132 = vector.load %arg6[%swap3A_130, %swap3A_131] : memref<2048x1xf32, #tpu.memory_space<vmem>>, vector<256x1xf32>
        tpu.vector_store %arg6[%swap3A_130, %swap3A_131], %add3A_129 {strides = array<i32>} : memref<2048x1xf32, #tpu.memory_space<vmem>>, vector<256x1xf32>,
        %swap3A_133 = arith.constant 512 : index
        %swap3A_134 = arith.constant 0 : index
        %swap3A_135 = vector.load %arg5[%swap3A_133, %swap3A_134] : memref<2048x1xf32, #tpu.memory_space<vmem>>, vector<256x1xf32>
        tpu.vector_store %arg5[%swap3A_133, %swap3A_134], %max3A {strides = array<i32>} : memref<2048x1xf32, #tpu.memory_space<vmem>>, vector<256x1xf32>,
      } else {
      }
      %add3A_42 = arith.addi %get3A_0, %get3A_2 : i32
      %gt3A_43 = arith.constant 768 : i32
      %gt3A_44 = arith.cmpi sgt, %add3A_42, %gt3A_43 : i32
      %lt3A_45 = arith.constant 1024 : i32
      %lt3A_46 = arith.cmpi slt, %get3A_0, %lt3A_45 : i32
      %and3A_47 = arith.andi %gt3A_44, %lt3A_46 : i1
      %convert_element_type3A_48 = arith.extui %and3A_47 : i1 to i32
      %cond3A_49 = arith.constant 0 : i32
      %cond3A_50 = arith.cmpi ne, %convert_element_type3A_48, %cond3A_49 : i32
      scf.if %cond3A_50 {
        %get3A_101 = arith.constant 768 : index
        %get3A_102 = arith.constant 0 : index
        %get3A_103 = vector.load %arg2[%get3A_101, %get3A_102] : memref<2048x256xbf16, #tpu.memory_space<vmem>>, vector<256x256xbf16>
        %dot_general3A = arith.constant dense<0.000000e+00> : vector<256x2048xf32>
        %dot_general3A_104 = tpu.matmul %get3A_103, %convert_element_type3A_17, %dot_general3A {dimension_numbers = #tpu.dot_dimension_numbers<[1], [1], [0], [0], [0, 0, 1, 0], [], []>, transpose_lhs_hint = false} : vector<256x256xbf16>, vector<2048x256xbf16>, vector<256x2048xf32> -> vector<256x2048xf32>
        %mul3A = arith.constant 2048 : i32
        %mul3A_105 = arith.muli %arg0, %mul3A : i32
        %iota3A_106 = tpu.iota {dimensions = array<i32: 1>} : vector<256x2048xi32>
        %add3A_107 = vector.broadcast %mul3A_105 : i32 to vector<256x2048xi32>
        %add3A_108 = arith.addi %add3A_107, %iota3A_106 : vector<256x2048xi32>
        %lt3A_109 = arith.constant 8000 : i32
        %lt3A_110 = vector.broadcast %lt3A_109 : i32 to vector<256x2048xi32>
        %lt3A_111 = arith.cmpi slt, %add3A_108, %lt3A_110 : vector<256x2048xi32>
        %jit3A_112 = arith.constant 0xFF800000 : f32
        %broadcast_in_dim3A_113 = vector.broadcast %jit3A_112 : f32 to vector<256x2048xf32>
        %select_n3A_114 = arith.select %lt3A_111, %dot_general3A_104, %broadcast_in_dim3A_113 : vector<256x2048xi1>, vector<256x2048xf32>
        %reduce_max3A = arith.constant dense<0xFF800000> : vector<256xf32>
        %reduce_max3A_115 = vector.multi_reduction <maximumf>, %select_n3A_114, %reduce_max3A [1] : vector<256x2048xf32> to vector<256xf32>
        %broadcast_in_dim3A_116 = vector.shape_cast %reduce_max3A_115 : vector<256xf32> to vector<256x1xf32>
        %get3A_117 = arith.constant 768 : index
        %get3A_118 = arith.constant 0 : index
        %get3A_119 = vector.load %arg5[%get3A_117, %get3A_118] : memref<2048x1xf32, #tpu.memory_space<vmem>>, vector<256x1xf32>
        %max3A = arith.maximumf %get3A_119, %broadcast_in_dim3A_116 : vector<256x1xf32>
        %get3A_120 = arith.constant 768 : index
        %get3A_121 = arith.constant 0 : index
        %get3A_122 = vector.load %arg6[%get3A_120, %get3A_121] : memref<2048x1xf32, #tpu.memory_space<vmem>>, vector<256x1xf32>
        %sub3A = arith.subf %get3A_119, %max3A : vector<256x1xf32>
        %exp3A = math.exp %sub3A : vector<256x1xf32>
        %mul3A_123 = arith.mulf %get3A_122, %exp3A : vector<256x1xf32>
        %sub3A_124 = vector.broadcast %max3A : vector<256x1xf32> to vector<256x2048xf32>
        %sub3A_125 = arith.subf %select_n3A_114, %sub3A_124 : vector<256x2048xf32>
        %exp3A_126 = math.exp %sub3A_125 : vector<256x2048xf32>
        %reduce_sum3A = arith.constant dense<0.000000e+00> : vector<256xf32>
        %reduce_sum3A_127 = vector.multi_reduction <add>, %exp3A_126, %reduce_sum3A [1] : vector<256x2048xf32> to vector<256xf32>
        %broadcast_in_dim3A_128 = vector.shape_cast %reduce_sum3A_127 : vector<256xf32> to vector<256x1xf32>
        %add3A_129 = arith.addf %mul3A_123, %broadcast_in_dim3A_128 : vector<256x1xf32>
        %swap3A_130 = arith.constant 768 : index
        %swap3A_131 = arith.constant 0 : index
        %swap3A_132 = vector.load %arg6[%swap3A_130, %swap3A_131] : memref<2048x1xf32, #tpu.memory_space<vmem>>, vector<256x1xf32>
        tpu.vector_store %arg6[%swap3A_130, %swap3A_131], %add3A_129 {strides = array<i32>} : memref<2048x1xf32, #tpu.memory_space<vmem>>, vector<256x1xf32>,
        %swap3A_133 = arith.constant 768 : index
        %swap3A_134 = arith.constant 0 : index
        %swap3A_135 = vector.load %arg5[%swap3A_133, %swap3A_134] : memref<2048x1xf32, #tpu.memory_space<vmem>>, vector<256x1xf32>
        tpu.vector_store %arg5[%swap3A_133, %swap3A_134], %max3A {strides = array<i32>} : memref<2048x1xf32, #tpu.memory_space<vmem>>, vector<256x1xf32>,
      } else {
      }
      %add3A_51 = arith.addi %get3A_0, %get3A_2 : i32
      %gt3A_52 = arith.constant 1024 : i32
      %gt3A_53 = arith.cmpi sgt, %add3A_51, %gt3A_52 : i32
      %lt3A_54 = arith.constant 1280 : i32
      %lt3A_55 = arith.cmpi slt, %get3A_0, %lt3A_54 : i32
      %and3A_56 = arith.andi %gt3A_53, %lt3A_55 : i1
      %convert_element_type3A_57 = arith.extui %and3A_56 : i1 to i32
      %cond3A_58 = arith.constant 0 : i32
      %cond3A_59 = arith.cmpi ne, %convert_element_type3A_57, %cond3A_58 : i32
      scf.if %cond3A_59 {
        %get3A_101 = arith.constant 1024 : index
        %get3A_102 = arith.constant 0 : index
        %get3A_103 = vector.load %arg2[%get3A_101, %get3A_102] : memref<2048x256xbf16, #tpu.memory_space<vmem>>, vector<256x256xbf16>
        %dot_general3A = arith.constant dense<0.000000e+00> : vector<256x2048xf32>
        %dot_general3A_104 = tpu.matmul %get3A_103, %convert_element_type3A_17, %dot_general3A {dimension_numbers = #tpu.dot_dimension_numbers<[1], [1], [0], [0], [0, 0, 1, 0], [], []>, transpose_lhs_hint = false} : vector<256x256xbf16>, vector<2048x256xbf16>, vector<256x2048xf32> -> vector<256x2048xf32>
        %mul3A = arith.constant 2048 : i32
        %mul3A_105 = arith.muli %arg0, %mul3A : i32
        %iota3A_106 = tpu.iota {dimensions = array<i32: 1>} : vector<256x2048xi32>
        %add3A_107 = vector.broadcast %mul3A_105 : i32 to vector<256x2048xi32>
        %add3A_108 = arith.addi %add3A_107, %iota3A_106 : vector<256x2048xi32>
        %lt3A_109 = arith.constant 8000 : i32
        %lt3A_110 = vector.broadcast %lt3A_109 : i32 to vector<256x2048xi32>
        %lt3A_111 = arith.cmpi slt, %add3A_108, %lt3A_110 : vector<256x2048xi32>
        %jit3A_112 = arith.constant 0xFF800000 : f32
        %broadcast_in_dim3A_113 = vector.broadcast %jit3A_112 : f32 to vector<256x2048xf32>
        %select_n3A_114 = arith.select %lt3A_111, %dot_general3A_104, %broadcast_in_dim3A_113 : vector<256x2048xi1>, vector<256x2048xf32>
        %reduce_max3A = arith.constant dense<0xFF800000> : vector<256xf32>
        %reduce_max3A_115 = vector.multi_reduction <maximumf>, %select_n3A_114, %reduce_max3A [1] : vector<256x2048xf32> to vector<256xf32>
        %broadcast_in_dim3A_116 = vector.shape_cast %reduce_max3A_115 : vector<256xf32> to vector<256x1xf32>
        %get3A_117 = arith.constant 1024 : index
        %get3A_118 = arith.constant 0 : index
        %get3A_119 = vector.load %arg5[%get3A_117, %get3A_118] : memref<2048x1xf32, #tpu.memory_space<vmem>>, vector<256x1xf32>
        %max3A = arith.maximumf %get3A_119, %broadcast_in_dim3A_116 : vector<256x1xf32>
        %get3A_120 = arith.constant 1024 : index
        %get3A_121 = arith.constant 0 : index
        %get3A_122 = vector.load %arg6[%get3A_120, %get3A_121] : memref<2048x1xf32, #tpu.memory_space<vmem>>, vector<256x1xf32>
        %sub3A = arith.subf %get3A_119, %max3A : vector<256x1xf32>
        %exp3A = math.exp %sub3A : vector<256x1xf32>
        %mul3A_123 = arith.mulf %get3A_122, %exp3A : vector<256x1xf32>
        %sub3A_124 = vector.broadcast %max3A : vector<256x1xf32> to vector<256x2048xf32>
        %sub3A_125 = arith.subf %select_n3A_114, %sub3A_124 : vector<256x2048xf32>
        %exp3A_126 = math.exp %sub3A_125 : vector<256x2048xf32>
        %reduce_sum3A = arith.constant dense<0.000000e+00> : vector<256xf32>
        %reduce_sum3A_127 = vector.multi_reduction <add>, %exp3A_126, %reduce_sum3A [1] : vector<256x2048xf32> to vector<256xf32>
        %broadcast_in_dim3A_128 = vector.shape_cast %reduce_sum3A_127 : vector<256xf32> to vector<256x1xf32>
        %add3A_129 = arith.addf %mul3A_123, %broadcast_in_dim3A_128 : vector<256x1xf32>
        %swap3A_130 = arith.constant 1024 : index
        %swap3A_131 = arith.constant 0 : index
        %swap3A_132 = vector.load %arg6[%swap3A_130, %swap3A_131] : memref<2048x1xf32, #tpu.memory_space<vmem>>, vector<256x1xf32>
        tpu.vector_store %arg6[%swap3A_130, %swap3A_131], %add3A_129 {strides = array<i32>} : memref<2048x1xf32, #tpu.memory_space<vmem>>, vector<256x1xf32>,
        %swap3A_133 = arith.constant 1024 : index
        %swap3A_134 = arith.constant 0 : index
        %swap3A_135 = vector.load %arg5[%swap3A_133, %swap3A_134] : memref<2048x1xf32, #tpu.memory_space<vmem>>, vector<256x1xf32>
        tpu.vector_store %arg5[%swap3A_133, %swap3A_134], %max3A {strides = array<i32>} : memref<2048x1xf32, #tpu.memory_space<vmem>>, vector<256x1xf32>,
      } else {
      }
      %add3A_60 = arith.addi %get3A_0, %get3A_2 : i32
      %gt3A_61 = arith.constant 1280 : i32
      %gt3A_62 = arith.cmpi sgt, %add3A_60, %gt3A_61 : i32
      %lt3A_63 = arith.constant 1536 : i32
      %lt3A_64 = arith.cmpi slt, %get3A_0, %lt3A_63 : i32
      %and3A_65 = arith.andi %gt3A_62, %lt3A_64 : i1
      %convert_element_type3A_66 = arith.extui %and3A_65 : i1 to i32
      %cond3A_67 = arith.constant 0 : i32
      %cond3A_68 = arith.cmpi ne, %convert_element_type3A_66, %cond3A_67 : i32
      scf.if %cond3A_68 {
        %get3A_101 = arith.constant 1280 : index
        %get3A_102 = arith.constant 0 : index
        %get3A_103 = vector.load %arg2[%get3A_101, %get3A_102] : memref<2048x256xbf16, #tpu.memory_space<vmem>>, vector<256x256xbf16>
        %dot_general3A = arith.constant dense<0.000000e+00> : vector<256x2048xf32>
        %dot_general3A_104 = tpu.matmul %get3A_103, %convert_element_type3A_17, %dot_general3A {dimension_numbers = #tpu.dot_dimension_numbers<[1], [1], [0], [0], [0, 0, 1, 0], [], []>, transpose_lhs_hint = false} : vector<256x256xbf16>, vector<2048x256xbf16>, vector<256x2048xf32> -> vector<256x2048xf32>
        %mul3A = arith.constant 2048 : i32
        %mul3A_105 = arith.muli %arg0, %mul3A : i32
        %iota3A_106 = tpu.iota {dimensions = array<i32: 1>} : vector<256x2048xi32>
        %add3A_107 = vector.broadcast %mul3A_105 : i32 to vector<256x2048xi32>
        %add3A_108 = arith.addi %add3A_107, %iota3A_106 : vector<256x2048xi32>
        %lt3A_109 = arith.constant 8000 : i32
        %lt3A_110 = vector.broadcast %lt3A_109 : i32 to vector<256x2048xi32>
        %lt3A_111 = arith.cmpi slt, %add3A_108, %lt3A_110 : vector<256x2048xi32>
        %jit3A_112 = arith.constant 0xFF800000 : f32
        %broadcast_in_dim3A_113 = vector.broadcast %jit3A_112 : f32 to vector<256x2048xf32>
        %select_n3A_114 = arith.select %lt3A_111, %dot_general3A_104, %broadcast_in_dim3A_113 : vector<256x2048xi1>, vector<256x2048xf32>
        %reduce_max3A = arith.constant dense<0xFF800000> : vector<256xf32>
        %reduce_max3A_115 = vector.multi_reduction <maximumf>, %select_n3A_114, %reduce_max3A [1] : vector<256x2048xf32> to vector<256xf32>
        %broadcast_in_dim3A_116 = vector.shape_cast %reduce_max3A_115 : vector<256xf32> to vector<256x1xf32>
        %get3A_117 = arith.constant 1280 : index
        %get3A_118 = arith.constant 0 : index
        %get3A_119 = vector.load %arg5[%get3A_117, %get3A_118] : memref<2048x1xf32, #tpu.memory_space<vmem>>, vector<256x1xf32>
        %max3A = arith.maximumf %get3A_119, %broadcast_in_dim3A_116 : vector<256x1xf32>
        %get3A_120 = arith.constant 1280 : index
        %get3A_121 = arith.constant 0 : index
        %get3A_122 = vector.load %arg6[%get3A_120, %get3A_121] : memref<2048x1xf32, #tpu.memory_space<vmem>>, vector<256x1xf32>
        %sub3A = arith.subf %get3A_119, %max3A : vector<256x1xf32>
        %exp3A = math.exp %sub3A : vector<256x1xf32>
        %mul3A_123 = arith.mulf %get3A_122, %exp3A : vector<256x1xf32>
        %sub3A_124 = vector.broadcast %max3A : vector<256x1xf32> to vector<256x2048xf32>
        %sub3A_125 = arith.subf %select_n3A_114, %sub3A_124 : vector<256x2048xf32>
        %exp3A_126 = math.exp %sub3A_125 : vector<256x2048xf32>
        %reduce_sum3A = arith.constant dense<0.000000e+00> : vector<256xf32>
        %reduce_sum3A_127 = vector.multi_reduction <add>, %exp3A_126, %reduce_sum3A [1] : vector<256x2048xf32> to vector<256xf32>
        %broadcast_in_dim3A_128 = vector.shape_cast %reduce_sum3A_127 : vector<256xf32> to vector<256x1xf32>
        %add3A_129 = arith.addf %mul3A_123, %broadcast_in_dim3A_128 : vector<256x1xf32>
        %swap3A_130 = arith.constant 1280 : index
        %swap3A_131 = arith.constant 0 : index
        %swap3A_132 = vector.load %arg6[%swap3A_130, %swap3A_131] : memref<2048x1xf32, #tpu.memory_space<vmem>>, vector<256x1xf32>
        tpu.vector_store %arg6[%swap3A_130, %swap3A_131], %add3A_129 {strides = array<i32>} : memref<2048x1xf32, #tpu.memory_space<vmem>>, vector<256x1xf32>,
        %swap3A_133 = arith.constant 1280 : index
        %swap3A_134 = arith.constant 0 : index
        %swap3A_135 = vector.load %arg5[%swap3A_133, %swap3A_134] : memref<2048x1xf32, #tpu.memory_space<vmem>>, vector<256x1xf32>
        tpu.vector_store %arg5[%swap3A_133, %swap3A_134], %max3A {strides = array<i32>} : memref<2048x1xf32, #tpu.memory_space<vmem>>, vector<256x1xf32>,
      } else {
      }
      %add3A_69 = arith.addi %get3A_0, %get3A_2 : i32
      %gt3A_70 = arith.constant 1536 : i32
      %gt3A_71 = arith.cmpi sgt, %add3A_69, %gt3A_70 : i32
      %lt3A_72 = arith.constant 1792 : i32
      %lt3A_73 = arith.cmpi slt, %get3A_0, %lt3A_72 : i32
      %and3A_74 = arith.andi %gt3A_71, %lt3A_73 : i1
      %convert_element_type3A_75 = arith.extui %and3A_74 : i1 to i32
      %cond3A_76 = arith.constant 0 : i32
      %cond3A_77 = arith.cmpi ne, %convert_element_type3A_75, %cond3A_76 : i32
      scf.if %cond3A_77 {
        %get3A_101 = arith.constant 1536 : index
        %get3A_102 = arith.constant 0 : index
        %get3A_103 = vector.load %arg2[%get3A_101, %get3A_102] : memref<2048x256xbf16, #tpu.memory_space<vmem>>, vector<256x256xbf16>
        %dot_general3A = arith.constant dense<0.000000e+00> : vector<256x2048xf32>
        %dot_general3A_104 = tpu.matmul %get3A_103, %convert_element_type3A_17, %dot_general3A {dimension_numbers = #tpu.dot_dimension_numbers<[1], [1], [0], [0], [0, 0, 1, 0], [], []>, transpose_lhs_hint = false} : vector<256x256xbf16>, vector<2048x256xbf16>, vector<256x2048xf32> -> vector<256x2048xf32>
        %mul3A = arith.constant 2048 : i32
        %mul3A_105 = arith.muli %arg0, %mul3A : i32
        %iota3A_106 = tpu.iota {dimensions = array<i32: 1>} : vector<256x2048xi32>
        %add3A_107 = vector.broadcast %mul3A_105 : i32 to vector<256x2048xi32>
        %add3A_108 = arith.addi %add3A_107, %iota3A_106 : vector<256x2048xi32>
        %lt3A_109 = arith.constant 8000 : i32
        %lt3A_110 = vector.broadcast %lt3A_109 : i32 to vector<256x2048xi32>
        %lt3A_111 = arith.cmpi slt, %add3A_108, %lt3A_110 : vector<256x2048xi32>
        %jit3A_112 = arith.constant 0xFF800000 : f32
        %broadcast_in_dim3A_113 = vector.broadcast %jit3A_112 : f32 to vector<256x2048xf32>
        %select_n3A_114 = arith.select %lt3A_111, %dot_general3A_104, %broadcast_in_dim3A_113 : vector<256x2048xi1>, vector<256x2048xf32>
        %reduce_max3A = arith.constant dense<0xFF800000> : vector<256xf32>
        %reduce_max3A_115 = vector.multi_reduction <maximumf>, %select_n3A_114, %reduce_max3A [1] : vector<256x2048xf32> to vector<256xf32>
        %broadcast_in_dim3A_116 = vector.shape_cast %reduce_max3A_115 : vector<256xf32> to vector<256x1xf32>
        %get3A_117 = arith.constant 1536 : index
        %get3A_118 = arith.constant 0 : index
        %get3A_119 = vector.load %arg5[%get3A_117, %get3A_118] : memref<2048x1xf32, #tpu.memory_space<vmem>>, vector<256x1xf32>
        %max3A = arith.maximumf %get3A_119, %broadcast_in_dim3A_116 : vector<256x1xf32>
        %get3A_120 = arith.constant 1536 : index
        %get3A_121 = arith.constant 0 : index
        %get3A_122 = vector.load %arg6[%get3A_120, %get3A_121] : memref<2048x1xf32, #tpu.memory_space<vmem>>, vector<256x1xf32>
        %sub3A = arith.subf %get3A_119, %max3A : vector<256x1xf32>
        %exp3A = math.exp %sub3A : vector<256x1xf32>
        %mul3A_123 = arith.mulf %get3A_122, %exp3A : vector<256x1xf32>
        %sub3A_124 = vector.broadcast %max3A : vector<256x1xf32> to vector<256x2048xf32>
        %sub3A_125 = arith.subf %select_n3A_114, %sub3A_124 : vector<256x2048xf32>
        %exp3A_126 = math.exp %sub3A_125 : vector<256x2048xf32>
        %reduce_sum3A = arith.constant dense<0.000000e+00> : vector<256xf32>
        %reduce_sum3A_127 = vector.multi_reduction <add>, %exp3A_126, %reduce_sum3A [1] : vector<256x2048xf32> to vector<256xf32>
        %broadcast_in_dim3A_128 = vector.shape_cast %reduce_sum3A_127 : vector<256xf32> to vector<256x1xf32>
        %add3A_129 = arith.addf %mul3A_123, %broadcast_in_dim3A_128 : vector<256x1xf32>
        %swap3A_130 = arith.constant 1536 : index
        %swap3A_131 = arith.constant 0 : index
        %swap3A_132 = vector.load %arg6[%swap3A_130, %swap3A_131] : memref<2048x1xf32, #tpu.memory_space<vmem>>, vector<256x1xf32>
        tpu.vector_store %arg6[%swap3A_130, %swap3A_131], %add3A_129 {strides = array<i32>} : memref<2048x1xf32, #tpu.memory_space<vmem>>, vector<256x1xf32>,
        %swap3A_133 = arith.constant 1536 : index
        %swap3A_134 = arith.constant 0 : index
        %swap3A_135 = vector.load %arg5[%swap3A_133, %swap3A_134] : memref<2048x1xf32, #tpu.memory_space<vmem>>, vector<256x1xf32>
        tpu.vector_store %arg5[%swap3A_133, %swap3A_134], %max3A {strides = array<i32>} : memref<2048x1xf32, #tpu.memory_space<vmem>>, vector<256x1xf32>,
      } else {
      }
      %add3A_78 = arith.addi %get3A_0, %get3A_2 : i32
      %gt3A_79 = arith.constant 1792 : i32
      %gt3A_80 = arith.cmpi sgt, %add3A_78, %gt3A_79 : i32
      %lt3A_81 = arith.constant 2048 : i32
      %lt3A_82 = arith.cmpi slt, %get3A_0, %lt3A_81 : i32
      %and3A_83 = arith.andi %gt3A_80, %lt3A_82 : i1
      %convert_element_type3A_84 = arith.extui %and3A_83 : i1 to i32
      %cond3A_85 = arith.constant 0 : i32
      %cond3A_86 = arith.cmpi ne, %convert_element_type3A_84, %cond3A_85 : i32
      scf.if %cond3A_86 {
        %get3A_101 = arith.constant 1792 : index
        %get3A_102 = arith.constant 0 : index
        %get3A_103 = vector.load %arg2[%get3A_101, %get3A_102] : memref<2048x256xbf16, #tpu.memory_space<vmem>>, vector<256x256xbf16>
        %dot_general3A = arith.constant dense<0.000000e+00> : vector<256x2048xf32>
        %dot_general3A_104 = tpu.matmul %get3A_103, %convert_element_type3A_17, %dot_general3A {dimension_numbers = #tpu.dot_dimension_numbers<[1], [1], [0], [0], [0, 0, 1, 0], [], []>, transpose_lhs_hint = false} : vector<256x256xbf16>, vector<2048x256xbf16>, vector<256x2048xf32> -> vector<256x2048xf32>
        %mul3A = arith.constant 2048 : i32
        %mul3A_105 = arith.muli %arg0, %mul3A : i32
        %iota3A_106 = tpu.iota {dimensions = array<i32: 1>} : vector<256x2048xi32>
        %add3A_107 = vector.broadcast %mul3A_105 : i32 to vector<256x2048xi32>
        %add3A_108 = arith.addi %add3A_107, %iota3A_106 : vector<256x2048xi32>
        %lt3A_109 = arith.constant 8000 : i32
        %lt3A_110 = vector.broadcast %lt3A_109 : i32 to vector<256x2048xi32>
        %lt3A_111 = arith.cmpi slt, %add3A_108, %lt3A_110 : vector<256x2048xi32>
        %jit3A_112 = arith.constant 0xFF800000 : f32
        %broadcast_in_dim3A_113 = vector.broadcast %jit3A_112 : f32 to vector<256x2048xf32>
        %select_n3A_114 = arith.select %lt3A_111, %dot_general3A_104, %broadcast_in_dim3A_113 : vector<256x2048xi1>, vector<256x2048xf32>
        %reduce_max3A = arith.constant dense<0xFF800000> : vector<256xf32>
        %reduce_max3A_115 = vector.multi_reduction <maximumf>, %select_n3A_114, %reduce_max3A [1] : vector<256x2048xf32> to vector<256xf32>
        %broadcast_in_dim3A_116 = vector.shape_cast %reduce_max3A_115 : vector<256xf32> to vector<256x1xf32>
        %get3A_117 = arith.constant 1792 : index
        %get3A_118 = arith.constant 0 : index
        %get3A_119 = vector.load %arg5[%get3A_117, %get3A_118] : memref<2048x1xf32, #tpu.memory_space<vmem>>, vector<256x1xf32>
        %max3A = arith.maximumf %get3A_119, %broadcast_in_dim3A_116 : vector<256x1xf32>
        %get3A_120 = arith.constant 1792 : index
        %get3A_121 = arith.constant 0 : index
        %get3A_122 = vector.load %arg6[%get3A_120, %get3A_121] : memref<2048x1xf32, #tpu.memory_space<vmem>>, vector<256x1xf32>
        %sub3A = arith.subf %get3A_119, %max3A : vector<256x1xf32>
        %exp3A = math.exp %sub3A : vector<256x1xf32>
        %mul3A_123 = arith.mulf %get3A_122, %exp3A : vector<256x1xf32>
        %sub3A_124 = vector.broadcast %max3A : vector<256x1xf32> to vector<256x2048xf32>
        %sub3A_125 = arith.subf %select_n3A_114, %sub3A_124 : vector<256x2048xf32>
        %exp3A_126 = math.exp %sub3A_125 : vector<256x2048xf32>
        %reduce_sum3A = arith.constant dense<0.000000e+00> : vector<256xf32>
        %reduce_sum3A_127 = vector.multi_reduction <add>, %exp3A_126, %reduce_sum3A [1] : vector<256x2048xf32> to vector<256xf32>
        %broadcast_in_dim3A_128 = vector.shape_cast %reduce_sum3A_127 : vector<256xf32> to vector<256x1xf32>
        %add3A_129 = arith.addf %mul3A_123, %broadcast_in_dim3A_128 : vector<256x1xf32>
        %swap3A_130 = arith.constant 1792 : index
        %swap3A_131 = arith.constant 0 : index
        %swap3A_132 = vector.load %arg6[%swap3A_130, %swap3A_131] : memref<2048x1xf32, #tpu.memory_space<vmem>>, vector<256x1xf32>
        tpu.vector_store %arg6[%swap3A_130, %swap3A_131], %add3A_129 {strides = array<i32>} : memref<2048x1xf32, #tpu.memory_space<vmem>>, vector<256x1xf32>,
        %swap3A_133 = arith.constant 1792 : index
        %swap3A_134 = arith.constant 0 : index
        %swap3A_135 = vector.load %arg5[%swap3A_133, %swap3A_134] : memref<2048x1xf32, #tpu.memory_space<vmem>>, vector<256x1xf32>
        tpu.vector_store %arg5[%swap3A_133, %swap3A_134], %max3A {strides = array<i32>} : memref<2048x1xf32, #tpu.memory_space<vmem>>, vector<256x1xf32>,
      } else {
      }
      %iota3A = tpu.iota {dimensions = array<i32: 0>} : vector<2048x1xi32>
      %ge3A = vector.broadcast %get3A_0 : i32 to vector<2048x1xi32>
      %ge3A_87 = arith.cmpi sge, %iota3A, %ge3A : vector<2048x1xi32>
      %add3A_88 = arith.addi %get3A_0, %get3A_2 : i32
      %lt3A_89 = vector.broadcast %add3A_88 : i32 to vector<2048x1xi32>
      %lt3A_90 = arith.cmpi slt, %iota3A, %lt3A_89 : vector<2048x1xi32>
      %and3A_91 = arith.andi %ge3A_87, %lt3A_90 : vector<2048x1xi1>
      %get3A_92 = arith.constant 0 : index
      %get3A_93 = arith.constant 0 : index
      %get3A_94 = vector.load %arg5[%get3A_92, %get3A_93] : memref<2048x1xf32, #tpu.memory_space<vmem>>, vector<2048x1xf32>
      %get3A_95 = arith.constant 0 : index
      %get3A_96 = arith.constant 0 : index
      %get3A_97 = vector.load %arg6[%get3A_95, %get3A_96] : memref<2048x1xf32, #tpu.memory_space<vmem>>, vector<2048x1xf32>
      %log3A = math.log %get3A_97 : vector<2048x1xf32>
      %add3A_98 = arith.addf %get3A_94, %log3A : vector<2048x1xf32>
      %jit3A = arith.constant 0.000000e+00 : f32
      %broadcast_in_dim3A = vector.broadcast %jit3A : f32 to vector<2048x1xf32>
      %select_n3A = arith.select %and3A_91, %add3A_98, %broadcast_in_dim3A : vector<2048x1xi1>, vector<2048x1xf32>
      %swap3A = arith.constant 0 : index
      %swap3A_99 = arith.constant 0 : index
      %swap3A_100 = vector.load %arg4[%swap3A, %swap3A_99] : memref<2048x1xf32, #tpu.memory_space<vmem>>, vector<2048x1xf32>
      tpu.vector_store %arg4[%swap3A, %swap3A_99], %select_n3A {strides = array<i32>} : memref<2048x1xf32, #tpu.memory_space<vmem>>, vector<2048x1xf32>,
    } else {
    }
    return
  }
  func.func @transform_0(%arg0: i32, %arg1: memref<2xi32, #tpu.memory_space<smem>>) -> (i32, i32) {
    %c0_i32 = arith.constant 0 : i32
    %c0_i32_0 = arith.constant 0 : i32
    %c0_i32_1 = arith.constant 0 : i32
    return %c0_i32, %c0_i32_0 : i32, i32
  }
  func.func @transform_1(%arg0: i32, %arg1: memref<2xi32, #tpu.memory_space<smem>>) -> (i32, i32) {
    %c0_i32 = arith.constant 0 : i32
    %c0_i32_0 = arith.constant 0 : i32
    return %arg0, %c0_i32 : i32, i32
  }
  func.func @transform_2(%arg0: i32, %arg1: memref<2xi32, #tpu.memory_space<smem>>) -> (i32, i32) {
    %c0_i32 = arith.constant 0 : i32
    %c0_i32_0 = arith.constant 0 : i32
    %c0_i32_1 = arith.constant 0 : i32
    return %c0_i32, %c0_i32_0 : i32, i32
  }
}

module attributes {stable_mosaic.version = 14 : i64} {
  func.func @_tail_body(%arg0: i32, %arg1: memref<2xi32, #tpu.memory_space<smem>>, %arg2: memref<2048x64xbf16, #tpu.memory_space<vmem>>, %arg3: memref<2048x64xf32, #tpu.memory_space<vmem>>, %arg4: memref<2048x1xf32, #tpu.memory_space<vmem>>, %arg5: memref<2048x1xf32, #tpu.memory_space<vmem>>, %arg6: memref<2048x1xf32, #tpu.memory_space<vmem>>) attributes {dimension_semantics = [#tpu.dimension_semantics<arbitrary>], iteration_bounds = array<i64: 20>, scalar_prefetch = 1 : i64, scratch_operands = 2 : i64, tpu.core_type = #tpu.core_type<tc>, window_params = [{pipeline_mode = #tpu.pipeline_mode<synchronous>, transform_indices = @transform_0, window_bounds = array<i64: 2048, 64>}, {transform_indices = @transform_1, window_bounds = array<i64: 2048, 64>}, {pipeline_mode = #tpu.pipeline_mode<synchronous>, transform_indices = @transform_2, window_bounds = array<i64: 2048, 1>}]} {
    %get3A = arith.constant 0 : index
    %get3A_0 = memref.load %arg1[%get3A] : memref<2xi32, #tpu.memory_space<smem>>
    %get3A_1 = arith.constant 1 : index
    %get3A_2 = memref.load %arg1[%get3A_1] : memref<2xi32, #tpu.memory_space<smem>>
    %eq3A = arith.constant 0 : i32
    %eq3A_3 = arith.cmpi eq, %arg0, %eq3A : i32
    %convert_element_type3A = arith.extui %eq3A_3 : i1 to i32
    %cond3A = arith.constant 0 : i32
    %cond3A_4 = arith.cmpi ne, %convert_element_type3A, %cond3A : i32
    scf.if %cond3A_4 {
      %broadcast_in_dim3A = arith.constant 0xFF800000 : f32
      %broadcast_in_dim3A_14 = vector.broadcast %broadcast_in_dim3A : f32 to vector<2048x1xf32>
      %swap3A = arith.constant 0 : index
      %swap3A_15 = arith.constant 0 : index
      %swap3A_16 = vector.load %arg5[%swap3A, %swap3A_15] : memref<2048x1xf32, #tpu.memory_space<vmem>>, vector<2048x1xf32>
      tpu.vector_store %arg5[%swap3A, %swap3A_15], %broadcast_in_dim3A_14 {strides = array<i32>} : memref<2048x1xf32, #tpu.memory_space<vmem>>, vector<2048x1xf32>,
      %broadcast_in_dim3A_17 = arith.constant 0.000000e+00 : f32
      %broadcast_in_dim3A_18 = vector.broadcast %broadcast_in_dim3A_17 : f32 to vector<2048x1xf32>
      %swap3A_19 = arith.constant 0 : index
      %swap3A_20 = arith.constant 0 : index
      %swap3A_21 = vector.load %arg6[%swap3A_19, %swap3A_20] : memref<2048x1xf32, #tpu.memory_space<vmem>>, vector<2048x1xf32>
      tpu.vector_store %arg6[%swap3A_19, %swap3A_20], %broadcast_in_dim3A_18 {strides = array<i32>} : memref<2048x1xf32, #tpu.memory_space<vmem>>, vector<2048x1xf32>,
    } else {
    }
    %lt3A = arith.constant 19 : i32
    %lt3A_5 = arith.cmpi slt, %arg0, %lt3A : i32
    %convert_element_type3A_6 = arith.extui %lt3A_5 : i1 to i32
    %cond3A_7 = arith.constant 0 : i32
    %cond3A_8 = arith.cmpi ne, %convert_element_type3A_6, %cond3A_7 : i32
    scf.if %cond3A_8 {
      %get3A_14 = arith.constant 0 : index
      %get3A_15 = arith.constant 0 : index
      %get3A_16 = vector.load %arg3[%get3A_14, %get3A_15] : memref<2048x64xf32, #tpu.memory_space<vmem>>, vector<2048x64xf32>
      %convert_element_type3A_17 = arith.truncf %get3A_16 : vector<2048x64xf32> to vector<2048x64xbf16>
      %add3A = arith.addi %get3A_0, %get3A_2 : i32
      %gt3A = arith.constant 0 : i32
      %gt3A_18 = arith.cmpi sgt, %add3A, %gt3A : i32
      %lt3A_19 = arith.constant 256 : i32
      %lt3A_20 = arith.cmpi slt, %get3A_0, %lt3A_19 : i32
      %and3A = arith.andi %gt3A_18, %lt3A_20 : i1
      %convert_element_type3A_21 = arith.extui %and3A : i1 to i32
      %cond3A_22 = arith.constant 0 : i32
      %cond3A_23 = arith.cmpi ne, %convert_element_type3A_21, %cond3A_22 : i32
      scf.if %cond3A_23 {
        %get3A_87 = arith.constant 0 : index
        %get3A_88 = arith.constant 0 : index
        %get3A_89 = vector.load %arg2[%get3A_87, %get3A_88] : memref<2048x64xbf16, #tpu.memory_space<vmem>>, vector<256x64xbf16>
        %dot_general3A = arith.constant dense<0.000000e+00> : vector<256x2048xf32>
        %dot_general3A_90 = tpu.matmul %get3A_89, %convert_element_type3A_17, %dot_general3A {dimension_numbers = #tpu.dot_dimension_numbers<[1], [1], [0], [0], [0, 0, 1, 0], [], []>, transpose_lhs_hint = false} : vector<256x64xbf16>, vector<2048x64xbf16>, vector<256x2048xf32> -> vector<256x2048xf32>
        %reduce_max3A = arith.constant dense<0xFF800000> : vector<256xf32>
        %reduce_max3A_91 = vector.multi_reduction <maximumf>, %dot_general3A_90, %reduce_max3A [1] : vector<256x2048xf32> to vector<256xf32>
        %broadcast_in_dim3A = vector.shape_cast %reduce_max3A_91 : vector<256xf32> to vector<256x1xf32>
        %get3A_92 = arith.constant 0 : index
        %get3A_93 = arith.constant 0 : index
        %get3A_94 = vector.load %arg5[%get3A_92, %get3A_93] : memref<2048x1xf32, #tpu.memory_space<vmem>>, vector<256x1xf32>
        %max3A = arith.maximumf %get3A_94, %broadcast_in_dim3A : vector<256x1xf32>
        %get3A_95 = arith.constant 0 : index
        %get3A_96 = arith.constant 0 : index
        %get3A_97 = vector.load %arg6[%get3A_95, %get3A_96] : memref<2048x1xf32, #tpu.memory_space<vmem>>, vector<256x1xf32>
        %sub3A = arith.subf %get3A_94, %max3A : vector<256x1xf32>
        %exp3A = math.exp %sub3A : vector<256x1xf32>
        %mul3A = arith.mulf %get3A_97, %exp3A : vector<256x1xf32>
        %sub3A_98 = vector.broadcast %max3A : vector<256x1xf32> to vector<256x2048xf32>
        %sub3A_99 = arith.subf %dot_general3A_90, %sub3A_98 : vector<256x2048xf32>
        %exp3A_100 = math.exp %sub3A_99 : vector<256x2048xf32>
        %reduce_sum3A = arith.constant dense<0.000000e+00> : vector<256xf32>
        %reduce_sum3A_101 = vector.multi_reduction <add>, %exp3A_100, %reduce_sum3A [1] : vector<256x2048xf32> to vector<256xf32>
        %broadcast_in_dim3A_102 = vector.shape_cast %reduce_sum3A_101 : vector<256xf32> to vector<256x1xf32>
        %add3A_103 = arith.addf %mul3A, %broadcast_in_dim3A_102 : vector<256x1xf32>
        %swap3A = arith.constant 0 : index
        %swap3A_104 = arith.constant 0 : index
        %swap3A_105 = vector.load %arg6[%swap3A, %swap3A_104] : memref<2048x1xf32, #tpu.memory_space<vmem>>, vector<256x1xf32>
        tpu.vector_store %arg6[%swap3A, %swap3A_104], %add3A_103 {strides = array<i32>} : memref<2048x1xf32, #tpu.memory_space<vmem>>, vector<256x1xf32>,
        %swap3A_106 = arith.constant 0 : index
        %swap3A_107 = arith.constant 0 : index
        %swap3A_108 = vector.load %arg5[%swap3A_106, %swap3A_107] : memref<2048x1xf32, #tpu.memory_space<vmem>>, vector<256x1xf32>
        tpu.vector_store %arg5[%swap3A_106, %swap3A_107], %max3A {strides = array<i32>} : memref<2048x1xf32, #tpu.memory_space<vmem>>, vector<256x1xf32>,
      } else {
      }
      %add3A_24 = arith.addi %get3A_0, %get3A_2 : i32
      %gt3A_25 = arith.constant 256 : i32
      %gt3A_26 = arith.cmpi sgt, %add3A_24, %gt3A_25 : i32
      %lt3A_27 = arith.constant 512 : i32
      %lt3A_28 = arith.cmpi slt, %get3A_0, %lt3A_27 : i32
      %and3A_29 = arith.andi %gt3A_26, %lt3A_28 : i1
      %convert_element_type3A_30 = arith.extui %and3A_29 : i1 to i32
      %cond3A_31 = arith.constant 0 : i32
      %cond3A_32 = arith.cmpi ne, %convert_element_type3A_30, %cond3A_31 : i32
      scf.if %cond3A_32 {
        %get3A_87 = arith.constant 256 : index
        %get3A_88 = arith.constant 0 : index
        %get3A_89 = vector.load %arg2[%get3A_87, %get3A_88] : memref<2048x64xbf16, #tpu.memory_space<vmem>>, vector<256x64xbf16>
        %dot_general3A = arith.constant dense<0.000000e+00> : vector<256x2048xf32>
        %dot_general3A_90 = tpu.matmul %get3A_89, %convert_element_type3A_17, %dot_general3A {dimension_numbers = #tpu.dot_dimension_numbers<[1], [1], [0], [0], [0, 0, 1, 0], [], []>, transpose_lhs_hint = false} : vector<256x64xbf16>, vector<2048x64xbf16>, vector<256x2048xf32> -> vector<256x2048xf32>
        %reduce_max3A = arith.constant dense<0xFF800000> : vector<256xf32>
        %reduce_max3A_91 = vector.multi_reduction <maximumf>, %dot_general3A_90, %reduce_max3A [1] : vector<256x2048xf32> to vector<256xf32>
        %broadcast_in_dim3A = vector.shape_cast %reduce_max3A_91 : vector<256xf32> to vector<256x1xf32>
        %get3A_92 = arith.constant 256 : index
        %get3A_93 = arith.constant 0 : index
        %get3A_94 = vector.load %arg5[%get3A_92, %get3A_93] : memref<2048x1xf32, #tpu.memory_space<vmem>>, vector<256x1xf32>
        %max3A = arith.maximumf %get3A_94, %broadcast_in_dim3A : vector<256x1xf32>
        %get3A_95 = arith.constant 256 : index
        %get3A_96 = arith.constant 0 : index
        %get3A_97 = vector.load %arg6[%get3A_95, %get3A_96] : memref<2048x1xf32, #tpu.memory_space<vmem>>, vector<256x1xf32>
        %sub3A = arith.subf %get3A_94, %max3A : vector<256x1xf32>
        %exp3A = math.exp %sub3A : vector<256x1xf32>
        %mul3A = arith.mulf %get3A_97, %exp3A : vector<256x1xf32>
        %sub3A_98 = vector.broadcast %max3A : vector<256x1xf32> to vector<256x2048xf32>
        %sub3A_99 = arith.subf %dot_general3A_90, %sub3A_98 : vector<256x2048xf32>
        %exp3A_100 = math.exp %sub3A_99 : vector<256x2048xf32>
        %reduce_sum3A = arith.constant dense<0.000000e+00> : vector<256xf32>
        %reduce_sum3A_101 = vector.multi_reduction <add>, %exp3A_100, %reduce_sum3A [1] : vector<256x2048xf32> to vector<256xf32>
        %broadcast_in_dim3A_102 = vector.shape_cast %reduce_sum3A_101 : vector<256xf32> to vector<256x1xf32>
        %add3A_103 = arith.addf %mul3A, %broadcast_in_dim3A_102 : vector<256x1xf32>
        %swap3A = arith.constant 256 : index
        %swap3A_104 = arith.constant 0 : index
        %swap3A_105 = vector.load %arg6[%swap3A, %swap3A_104] : memref<2048x1xf32, #tpu.memory_space<vmem>>, vector<256x1xf32>
        tpu.vector_store %arg6[%swap3A, %swap3A_104], %add3A_103 {strides = array<i32>} : memref<2048x1xf32, #tpu.memory_space<vmem>>, vector<256x1xf32>,
        %swap3A_106 = arith.constant 256 : index
        %swap3A_107 = arith.constant 0 : index
        %swap3A_108 = vector.load %arg5[%swap3A_106, %swap3A_107] : memref<2048x1xf32, #tpu.memory_space<vmem>>, vector<256x1xf32>
        tpu.vector_store %arg5[%swap3A_106, %swap3A_107], %max3A {strides = array<i32>} : memref<2048x1xf32, #tpu.memory_space<vmem>>, vector<256x1xf32>,
      } else {
      }
      %add3A_33 = arith.addi %get3A_0, %get3A_2 : i32
      %gt3A_34 = arith.constant 512 : i32
      %gt3A_35 = arith.cmpi sgt, %add3A_33, %gt3A_34 : i32
      %lt3A_36 = arith.constant 768 : i32
      %lt3A_37 = arith.cmpi slt, %get3A_0, %lt3A_36 : i32
      %and3A_38 = arith.andi %gt3A_35, %lt3A_37 : i1
      %convert_element_type3A_39 = arith.extui %and3A_38 : i1 to i32
      %cond3A_40 = arith.constant 0 : i32
      %cond3A_41 = arith.cmpi ne, %convert_element_type3A_39, %cond3A_40 : i32
      scf.if %cond3A_41 {
        %get3A_87 = arith.constant 512 : index
        %get3A_88 = arith.constant 0 : index
        %get3A_89 = vector.load %arg2[%get3A_87, %get3A_88] : memref<2048x64xbf16, #tpu.memory_space<vmem>>, vector<256x64xbf16>
        %dot_general3A = arith.constant dense<0.000000e+00> : vector<256x2048xf32>
        %dot_general3A_90 = tpu.matmul %get3A_89, %convert_element_type3A_17, %dot_general3A {dimension_numbers = #tpu.dot_dimension_numbers<[1], [1], [0], [0], [0, 0, 1, 0], [], []>, transpose_lhs_hint = false} : vector<256x64xbf16>, vector<2048x64xbf16>, vector<256x2048xf32> -> vector<256x2048xf32>
        %reduce_max3A = arith.constant dense<0xFF800000> : vector<256xf32>
        %reduce_max3A_91 = vector.multi_reduction <maximumf>, %dot_general3A_90, %reduce_max3A [1] : vector<256x2048xf32> to vector<256xf32>
        %broadcast_in_dim3A = vector.shape_cast %reduce_max3A_91 : vector<256xf32> to vector<256x1xf32>
        %get3A_92 = arith.constant 512 : index
        %get3A_93 = arith.constant 0 : index
        %get3A_94 = vector.load %arg5[%get3A_92, %get3A_93] : memref<2048x1xf32, #tpu.memory_space<vmem>>, vector<256x1xf32>
        %max3A = arith.maximumf %get3A_94, %broadcast_in_dim3A : vector<256x1xf32>
        %get3A_95 = arith.constant 512 : index
        %get3A_96 = arith.constant 0 : index
        %get3A_97 = vector.load %arg6[%get3A_95, %get3A_96] : memref<2048x1xf32, #tpu.memory_space<vmem>>, vector<256x1xf32>
        %sub3A = arith.subf %get3A_94, %max3A : vector<256x1xf32>
        %exp3A = math.exp %sub3A : vector<256x1xf32>
        %mul3A = arith.mulf %get3A_97, %exp3A : vector<256x1xf32>
        %sub3A_98 = vector.broadcast %max3A : vector<256x1xf32> to vector<256x2048xf32>
        %sub3A_99 = arith.subf %dot_general3A_90, %sub3A_98 : vector<256x2048xf32>
        %exp3A_100 = math.exp %sub3A_99 : vector<256x2048xf32>
        %reduce_sum3A = arith.constant dense<0.000000e+00> : vector<256xf32>
        %reduce_sum3A_101 = vector.multi_reduction <add>, %exp3A_100, %reduce_sum3A [1] : vector<256x2048xf32> to vector<256xf32>
        %broadcast_in_dim3A_102 = vector.shape_cast %reduce_sum3A_101 : vector<256xf32> to vector<256x1xf32>
        %add3A_103 = arith.addf %mul3A, %broadcast_in_dim3A_102 : vector<256x1xf32>
        %swap3A = arith.constant 512 : index
        %swap3A_104 = arith.constant 0 : index
        %swap3A_105 = vector.load %arg6[%swap3A, %swap3A_104] : memref<2048x1xf32, #tpu.memory_space<vmem>>, vector<256x1xf32>
        tpu.vector_store %arg6[%swap3A, %swap3A_104], %add3A_103 {strides = array<i32>} : memref<2048x1xf32, #tpu.memory_space<vmem>>, vector<256x1xf32>,
        %swap3A_106 = arith.constant 512 : index
        %swap3A_107 = arith.constant 0 : index
        %swap3A_108 = vector.load %arg5[%swap3A_106, %swap3A_107] : memref<2048x1xf32, #tpu.memory_space<vmem>>, vector<256x1xf32>
        tpu.vector_store %arg5[%swap3A_106, %swap3A_107], %max3A {strides = array<i32>} : memref<2048x1xf32, #tpu.memory_space<vmem>>, vector<256x1xf32>,
      } else {
      }
      %add3A_42 = arith.addi %get3A_0, %get3A_2 : i32
      %gt3A_43 = arith.constant 768 : i32
      %gt3A_44 = arith.cmpi sgt, %add3A_42, %gt3A_43 : i32
      %lt3A_45 = arith.constant 1024 : i32
      %lt3A_46 = arith.cmpi slt, %get3A_0, %lt3A_45 : i32
      %and3A_47 = arith.andi %gt3A_44, %lt3A_46 : i1
      %convert_element_type3A_48 = arith.extui %and3A_47 : i1 to i32
      %cond3A_49 = arith.constant 0 : i32
      %cond3A_50 = arith.cmpi ne, %convert_element_type3A_48, %cond3A_49 : i32
      scf.if %cond3A_50 {
        %get3A_87 = arith.constant 768 : index
        %get3A_88 = arith.constant 0 : index
        %get3A_89 = vector.load %arg2[%get3A_87, %get3A_88] : memref<2048x64xbf16, #tpu.memory_space<vmem>>, vector<256x64xbf16>
        %dot_general3A = arith.constant dense<0.000000e+00> : vector<256x2048xf32>
        %dot_general3A_90 = tpu.matmul %get3A_89, %convert_element_type3A_17, %dot_general3A {dimension_numbers = #tpu.dot_dimension_numbers<[1], [1], [0], [0], [0, 0, 1, 0], [], []>, transpose_lhs_hint = false} : vector<256x64xbf16>, vector<2048x64xbf16>, vector<256x2048xf32> -> vector<256x2048xf32>
        %reduce_max3A = arith.constant dense<0xFF800000> : vector<256xf32>
        %reduce_max3A_91 = vector.multi_reduction <maximumf>, %dot_general3A_90, %reduce_max3A [1] : vector<256x2048xf32> to vector<256xf32>
        %broadcast_in_dim3A = vector.shape_cast %reduce_max3A_91 : vector<256xf32> to vector<256x1xf32>
        %get3A_92 = arith.constant 768 : index
        %get3A_93 = arith.constant 0 : index
        %get3A_94 = vector.load %arg5[%get3A_92, %get3A_93] : memref<2048x1xf32, #tpu.memory_space<vmem>>, vector<256x1xf32>
        %max3A = arith.maximumf %get3A_94, %broadcast_in_dim3A : vector<256x1xf32>
        %get3A_95 = arith.constant 768 : index
        %get3A_96 = arith.constant 0 : index
        %get3A_97 = vector.load %arg6[%get3A_95, %get3A_96] : memref<2048x1xf32, #tpu.memory_space<vmem>>, vector<256x1xf32>
        %sub3A = arith.subf %get3A_94, %max3A : vector<256x1xf32>
        %exp3A = math.exp %sub3A : vector<256x1xf32>
        %mul3A = arith.mulf %get3A_97, %exp3A : vector<256x1xf32>
        %sub3A_98 = vector.broadcast %max3A : vector<256x1xf32> to vector<256x2048xf32>
        %sub3A_99 = arith.subf %dot_general3A_90, %sub3A_98 : vector<256x2048xf32>
        %exp3A_100 = math.exp %sub3A_99 : vector<256x2048xf32>
        %reduce_sum3A = arith.constant dense<0.000000e+00> : vector<256xf32>
        %reduce_sum3A_101 = vector.multi_reduction <add>, %exp3A_100, %reduce_sum3A [1] : vector<256x2048xf32> to vector<256xf32>
        %broadcast_in_dim3A_102 = vector.shape_cast %reduce_sum3A_101 : vector<256xf32> to vector<256x1xf32>
        %add3A_103 = arith.addf %mul3A, %broadcast_in_dim3A_102 : vector<256x1xf32>
        %swap3A = arith.constant 768 : index
        %swap3A_104 = arith.constant 0 : index
        %swap3A_105 = vector.load %arg6[%swap3A, %swap3A_104] : memref<2048x1xf32, #tpu.memory_space<vmem>>, vector<256x1xf32>
        tpu.vector_store %arg6[%swap3A, %swap3A_104], %add3A_103 {strides = array<i32>} : memref<2048x1xf32, #tpu.memory_space<vmem>>, vector<256x1xf32>,
        %swap3A_106 = arith.constant 768 : index
        %swap3A_107 = arith.constant 0 : index
        %swap3A_108 = vector.load %arg5[%swap3A_106, %swap3A_107] : memref<2048x1xf32, #tpu.memory_space<vmem>>, vector<256x1xf32>
        tpu.vector_store %arg5[%swap3A_106, %swap3A_107], %max3A {strides = array<i32>} : memref<2048x1xf32, #tpu.memory_space<vmem>>, vector<256x1xf32>,
      } else {
      }
      %add3A_51 = arith.addi %get3A_0, %get3A_2 : i32
      %gt3A_52 = arith.constant 1024 : i32
      %gt3A_53 = arith.cmpi sgt, %add3A_51, %gt3A_52 : i32
      %lt3A_54 = arith.constant 1280 : i32
      %lt3A_55 = arith.cmpi slt, %get3A_0, %lt3A_54 : i32
      %and3A_56 = arith.andi %gt3A_53, %lt3A_55 : i1
      %convert_element_type3A_57 = arith.extui %and3A_56 : i1 to i32
      %cond3A_58 = arith.constant 0 : i32
      %cond3A_59 = arith.cmpi ne, %convert_element_type3A_57, %cond3A_58 : i32
      scf.if %cond3A_59 {
        %get3A_87 = arith.constant 1024 : index
        %get3A_88 = arith.constant 0 : index
        %get3A_89 = vector.load %arg2[%get3A_87, %get3A_88] : memref<2048x64xbf16, #tpu.memory_space<vmem>>, vector<256x64xbf16>
        %dot_general3A = arith.constant dense<0.000000e+00> : vector<256x2048xf32>
        %dot_general3A_90 = tpu.matmul %get3A_89, %convert_element_type3A_17, %dot_general3A {dimension_numbers = #tpu.dot_dimension_numbers<[1], [1], [0], [0], [0, 0, 1, 0], [], []>, transpose_lhs_hint = false} : vector<256x64xbf16>, vector<2048x64xbf16>, vector<256x2048xf32> -> vector<256x2048xf32>
        %reduce_max3A = arith.constant dense<0xFF800000> : vector<256xf32>
        %reduce_max3A_91 = vector.multi_reduction <maximumf>, %dot_general3A_90, %reduce_max3A [1] : vector<256x2048xf32> to vector<256xf32>
        %broadcast_in_dim3A = vector.shape_cast %reduce_max3A_91 : vector<256xf32> to vector<256x1xf32>
        %get3A_92 = arith.constant 1024 : index
        %get3A_93 = arith.constant 0 : index
        %get3A_94 = vector.load %arg5[%get3A_92, %get3A_93] : memref<2048x1xf32, #tpu.memory_space<vmem>>, vector<256x1xf32>
        %max3A = arith.maximumf %get3A_94, %broadcast_in_dim3A : vector<256x1xf32>
        %get3A_95 = arith.constant 1024 : index
        %get3A_96 = arith.constant 0 : index
        %get3A_97 = vector.load %arg6[%get3A_95, %get3A_96] : memref<2048x1xf32, #tpu.memory_space<vmem>>, vector<256x1xf32>
        %sub3A = arith.subf %get3A_94, %max3A : vector<256x1xf32>
        %exp3A = math.exp %sub3A : vector<256x1xf32>
        %mul3A = arith.mulf %get3A_97, %exp3A : vector<256x1xf32>
        %sub3A_98 = vector.broadcast %max3A : vector<256x1xf32> to vector<256x2048xf32>
        %sub3A_99 = arith.subf %dot_general3A_90, %sub3A_98 : vector<256x2048xf32>
        %exp3A_100 = math.exp %sub3A_99 : vector<256x2048xf32>
        %reduce_sum3A = arith.constant dense<0.000000e+00> : vector<256xf32>
        %reduce_sum3A_101 = vector.multi_reduction <add>, %exp3A_100, %reduce_sum3A [1] : vector<256x2048xf32> to vector<256xf32>
        %broadcast_in_dim3A_102 = vector.shape_cast %reduce_sum3A_101 : vector<256xf32> to vector<256x1xf32>
        %add3A_103 = arith.addf %mul3A, %broadcast_in_dim3A_102 : vector<256x1xf32>
        %swap3A = arith.constant 1024 : index
        %swap3A_104 = arith.constant 0 : index
        %swap3A_105 = vector.load %arg6[%swap3A, %swap3A_104] : memref<2048x1xf32, #tpu.memory_space<vmem>>, vector<256x1xf32>
        tpu.vector_store %arg6[%swap3A, %swap3A_104], %add3A_103 {strides = array<i32>} : memref<2048x1xf32, #tpu.memory_space<vmem>>, vector<256x1xf32>,
        %swap3A_106 = arith.constant 1024 : index
        %swap3A_107 = arith.constant 0 : index
        %swap3A_108 = vector.load %arg5[%swap3A_106, %swap3A_107] : memref<2048x1xf32, #tpu.memory_space<vmem>>, vector<256x1xf32>
        tpu.vector_store %arg5[%swap3A_106, %swap3A_107], %max3A {strides = array<i32>} : memref<2048x1xf32, #tpu.memory_space<vmem>>, vector<256x1xf32>,
      } else {
      }
      %add3A_60 = arith.addi %get3A_0, %get3A_2 : i32
      %gt3A_61 = arith.constant 1280 : i32
      %gt3A_62 = arith.cmpi sgt, %add3A_60, %gt3A_61 : i32
      %lt3A_63 = arith.constant 1536 : i32
      %lt3A_64 = arith.cmpi slt, %get3A_0, %lt3A_63 : i32
      %and3A_65 = arith.andi %gt3A_62, %lt3A_64 : i1
      %convert_element_type3A_66 = arith.extui %and3A_65 : i1 to i32
      %cond3A_67 = arith.constant 0 : i32
      %cond3A_68 = arith.cmpi ne, %convert_element_type3A_66, %cond3A_67 : i32
      scf.if %cond3A_68 {
        %get3A_87 = arith.constant 1280 : index
        %get3A_88 = arith.constant 0 : index
        %get3A_89 = vector.load %arg2[%get3A_87, %get3A_88] : memref<2048x64xbf16, #tpu.memory_space<vmem>>, vector<256x64xbf16>
        %dot_general3A = arith.constant dense<0.000000e+00> : vector<256x2048xf32>
        %dot_general3A_90 = tpu.matmul %get3A_89, %convert_element_type3A_17, %dot_general3A {dimension_numbers = #tpu.dot_dimension_numbers<[1], [1], [0], [0], [0, 0, 1, 0], [], []>, transpose_lhs_hint = false} : vector<256x64xbf16>, vector<2048x64xbf16>, vector<256x2048xf32> -> vector<256x2048xf32>
        %reduce_max3A = arith.constant dense<0xFF800000> : vector<256xf32>
        %reduce_max3A_91 = vector.multi_reduction <maximumf>, %dot_general3A_90, %reduce_max3A [1] : vector<256x2048xf32> to vector<256xf32>
        %broadcast_in_dim3A = vector.shape_cast %reduce_max3A_91 : vector<256xf32> to vector<256x1xf32>
        %get3A_92 = arith.constant 1280 : index
        %get3A_93 = arith.constant 0 : index
        %get3A_94 = vector.load %arg5[%get3A_92, %get3A_93] : memref<2048x1xf32, #tpu.memory_space<vmem>>, vector<256x1xf32>
        %max3A = arith.maximumf %get3A_94, %broadcast_in_dim3A : vector<256x1xf32>
        %get3A_95 = arith.constant 1280 : index
        %get3A_96 = arith.constant 0 : index
        %get3A_97 = vector.load %arg6[%get3A_95, %get3A_96] : memref<2048x1xf32, #tpu.memory_space<vmem>>, vector<256x1xf32>
        %sub3A = arith.subf %get3A_94, %max3A : vector<256x1xf32>
        %exp3A = math.exp %sub3A : vector<256x1xf32>
        %mul3A = arith.mulf %get3A_97, %exp3A : vector<256x1xf32>
        %sub3A_98 = vector.broadcast %max3A : vector<256x1xf32> to vector<256x2048xf32>
        %sub3A_99 = arith.subf %dot_general3A_90, %sub3A_98 : vector<256x2048xf32>
        %exp3A_100 = math.exp %sub3A_99 : vector<256x2048xf32>
        %reduce_sum3A = arith.constant dense<0.000000e+00> : vector<256xf32>
        %reduce_sum3A_101 = vector.multi_reduction <add>, %exp3A_100, %reduce_sum3A [1] : vector<256x2048xf32> to vector<256xf32>
        %broadcast_in_dim3A_102 = vector.shape_cast %reduce_sum3A_101 : vector<256xf32> to vector<256x1xf32>
        %add3A_103 = arith.addf %mul3A, %broadcast_in_dim3A_102 : vector<256x1xf32>
        %swap3A = arith.constant 1280 : index
        %swap3A_104 = arith.constant 0 : index
        %swap3A_105 = vector.load %arg6[%swap3A, %swap3A_104] : memref<2048x1xf32, #tpu.memory_space<vmem>>, vector<256x1xf32>
        tpu.vector_store %arg6[%swap3A, %swap3A_104], %add3A_103 {strides = array<i32>} : memref<2048x1xf32, #tpu.memory_space<vmem>>, vector<256x1xf32>,
        %swap3A_106 = arith.constant 1280 : index
        %swap3A_107 = arith.constant 0 : index
        %swap3A_108 = vector.load %arg5[%swap3A_106, %swap3A_107] : memref<2048x1xf32, #tpu.memory_space<vmem>>, vector<256x1xf32>
        tpu.vector_store %arg5[%swap3A_106, %swap3A_107], %max3A {strides = array<i32>} : memref<2048x1xf32, #tpu.memory_space<vmem>>, vector<256x1xf32>,
      } else {
      }
      %add3A_69 = arith.addi %get3A_0, %get3A_2 : i32
      %gt3A_70 = arith.constant 1536 : i32
      %gt3A_71 = arith.cmpi sgt, %add3A_69, %gt3A_70 : i32
      %lt3A_72 = arith.constant 1792 : i32
      %lt3A_73 = arith.cmpi slt, %get3A_0, %lt3A_72 : i32
      %and3A_74 = arith.andi %gt3A_71, %lt3A_73 : i1
      %convert_element_type3A_75 = arith.extui %and3A_74 : i1 to i32
      %cond3A_76 = arith.constant 0 : i32
      %cond3A_77 = arith.cmpi ne, %convert_element_type3A_75, %cond3A_76 : i32
      scf.if %cond3A_77 {
        %get3A_87 = arith.constant 1536 : index
        %get3A_88 = arith.constant 0 : index
        %get3A_89 = vector.load %arg2[%get3A_87, %get3A_88] : memref<2048x64xbf16, #tpu.memory_space<vmem>>, vector<256x64xbf16>
        %dot_general3A = arith.constant dense<0.000000e+00> : vector<256x2048xf32>
        %dot_general3A_90 = tpu.matmul %get3A_89, %convert_element_type3A_17, %dot_general3A {dimension_numbers = #tpu.dot_dimension_numbers<[1], [1], [0], [0], [0, 0, 1, 0], [], []>, transpose_lhs_hint = false} : vector<256x64xbf16>, vector<2048x64xbf16>, vector<256x2048xf32> -> vector<256x2048xf32>
        %reduce_max3A = arith.constant dense<0xFF800000> : vector<256xf32>
        %reduce_max3A_91 = vector.multi_reduction <maximumf>, %dot_general3A_90, %reduce_max3A [1] : vector<256x2048xf32> to vector<256xf32>
        %broadcast_in_dim3A = vector.shape_cast %reduce_max3A_91 : vector<256xf32> to vector<256x1xf32>
        %get3A_92 = arith.constant 1536 : index
        %get3A_93 = arith.constant 0 : index
        %get3A_94 = vector.load %arg5[%get3A_92, %get3A_93] : memref<2048x1xf32, #tpu.memory_space<vmem>>, vector<256x1xf32>
        %max3A = arith.maximumf %get3A_94, %broadcast_in_dim3A : vector<256x1xf32>
        %get3A_95 = arith.constant 1536 : index
        %get3A_96 = arith.constant 0 : index
        %get3A_97 = vector.load %arg6[%get3A_95, %get3A_96] : memref<2048x1xf32, #tpu.memory_space<vmem>>, vector<256x1xf32>
        %sub3A = arith.subf %get3A_94, %max3A : vector<256x1xf32>
        %exp3A = math.exp %sub3A : vector<256x1xf32>
        %mul3A = arith.mulf %get3A_97, %exp3A : vector<256x1xf32>
        %sub3A_98 = vector.broadcast %max3A : vector<256x1xf32> to vector<256x2048xf32>
        %sub3A_99 = arith.subf %dot_general3A_90, %sub3A_98 : vector<256x2048xf32>
        %exp3A_100 = math.exp %sub3A_99 : vector<256x2048xf32>
        %reduce_sum3A = arith.constant dense<0.000000e+00> : vector<256xf32>
        %reduce_sum3A_101 = vector.multi_reduction <add>, %exp3A_100, %reduce_sum3A [1] : vector<256x2048xf32> to vector<256xf32>
        %broadcast_in_dim3A_102 = vector.shape_cast %reduce_sum3A_101 : vector<256xf32> to vector<256x1xf32>
        %add3A_103 = arith.addf %mul3A, %broadcast_in_dim3A_102 : vector<256x1xf32>
        %swap3A = arith.constant 1536 : index
        %swap3A_104 = arith.constant 0 : index
        %swap3A_105 = vector.load %arg6[%swap3A, %swap3A_104] : memref<2048x1xf32, #tpu.memory_space<vmem>>, vector<256x1xf32>
        tpu.vector_store %arg6[%swap3A, %swap3A_104], %add3A_103 {strides = array<i32>} : memref<2048x1xf32, #tpu.memory_space<vmem>>, vector<256x1xf32>,
        %swap3A_106 = arith.constant 1536 : index
        %swap3A_107 = arith.constant 0 : index
        %swap3A_108 = vector.load %arg5[%swap3A_106, %swap3A_107] : memref<2048x1xf32, #tpu.memory_space<vmem>>, vector<256x1xf32>
        tpu.vector_store %arg5[%swap3A_106, %swap3A_107], %max3A {strides = array<i32>} : memref<2048x1xf32, #tpu.memory_space<vmem>>, vector<256x1xf32>,
      } else {
      }
      %add3A_78 = arith.addi %get3A_0, %get3A_2 : i32
      %gt3A_79 = arith.constant 1792 : i32
      %gt3A_80 = arith.cmpi sgt, %add3A_78, %gt3A_79 : i32
      %lt3A_81 = arith.constant 2048 : i32
      %lt3A_82 = arith.cmpi slt, %get3A_0, %lt3A_81 : i32
      %and3A_83 = arith.andi %gt3A_80, %lt3A_82 : i1
      %convert_element_type3A_84 = arith.extui %and3A_83 : i1 to i32
      %cond3A_85 = arith.constant 0 : i32
      %cond3A_86 = arith.cmpi ne, %convert_element_type3A_84, %cond3A_85 : i32
      scf.if %cond3A_86 {
        %get3A_87 = arith.constant 1792 : index
        %get3A_88 = arith.constant 0 : index
        %get3A_89 = vector.load %arg2[%get3A_87, %get3A_88] : memref<2048x64xbf16, #tpu.memory_space<vmem>>, vector<256x64xbf16>
        %dot_general3A = arith.constant dense<0.000000e+00> : vector<256x2048xf32>
        %dot_general3A_90 = tpu.matmul %get3A_89, %convert_element_type3A_17, %dot_general3A {dimension_numbers = #tpu.dot_dimension_numbers<[1], [1], [0], [0], [0, 0, 1, 0], [], []>, transpose_lhs_hint = false} : vector<256x64xbf16>, vector<2048x64xbf16>, vector<256x2048xf32> -> vector<256x2048xf32>
        %reduce_max3A = arith.constant dense<0xFF800000> : vector<256xf32>
        %reduce_max3A_91 = vector.multi_reduction <maximumf>, %dot_general3A_90, %reduce_max3A [1] : vector<256x2048xf32> to vector<256xf32>
        %broadcast_in_dim3A = vector.shape_cast %reduce_max3A_91 : vector<256xf32> to vector<256x1xf32>
        %get3A_92 = arith.constant 1792 : index
        %get3A_93 = arith.constant 0 : index
        %get3A_94 = vector.load %arg5[%get3A_92, %get3A_93] : memref<2048x1xf32, #tpu.memory_space<vmem>>, vector<256x1xf32>
        %max3A = arith.maximumf %get3A_94, %broadcast_in_dim3A : vector<256x1xf32>
        %get3A_95 = arith.constant 1792 : index
        %get3A_96 = arith.constant 0 : index
        %get3A_97 = vector.load %arg6[%get3A_95, %get3A_96] : memref<2048x1xf32, #tpu.memory_space<vmem>>, vector<256x1xf32>
        %sub3A = arith.subf %get3A_94, %max3A : vector<256x1xf32>
        %exp3A = math.exp %sub3A : vector<256x1xf32>
        %mul3A = arith.mulf %get3A_97, %exp3A : vector<256x1xf32>
        %sub3A_98 = vector.broadcast %max3A : vector<256x1xf32> to vector<256x2048xf32>
        %sub3A_99 = arith.subf %dot_general3A_90, %sub3A_98 : vector<256x2048xf32>
        %exp3A_100 = math.exp %sub3A_99 : vector<256x2048xf32>
        %reduce_sum3A = arith.constant dense<0.000000e+00> : vector<256xf32>
        %reduce_sum3A_101 = vector.multi_reduction <add>, %exp3A_100, %reduce_sum3A [1] : vector<256x2048xf32> to vector<256xf32>
        %broadcast_in_dim3A_102 = vector.shape_cast %reduce_sum3A_101 : vector<256xf32> to vector<256x1xf32>
        %add3A_103 = arith.addf %mul3A, %broadcast_in_dim3A_102 : vector<256x1xf32>
        %swap3A = arith.constant 1792 : index
        %swap3A_104 = arith.constant 0 : index
        %swap3A_105 = vector.load %arg6[%swap3A, %swap3A_104] : memref<2048x1xf32, #tpu.memory_space<vmem>>, vector<256x1xf32>
        tpu.vector_store %arg6[%swap3A, %swap3A_104], %add3A_103 {strides = array<i32>} : memref<2048x1xf32, #tpu.memory_space<vmem>>, vector<256x1xf32>,
        %swap3A_106 = arith.constant 1792 : index
        %swap3A_107 = arith.constant 0 : index
        %swap3A_108 = vector.load %arg5[%swap3A_106, %swap3A_107] : memref<2048x1xf32, #tpu.memory_space<vmem>>, vector<256x1xf32>
        tpu.vector_store %arg5[%swap3A_106, %swap3A_107], %max3A {strides = array<i32>} : memref<2048x1xf32, #tpu.memory_space<vmem>>, vector<256x1xf32>,
      } else {
      }
    } else {
    }
    %eq3A_9 = arith.constant 19 : i32
    %eq3A_10 = arith.cmpi eq, %arg0, %eq3A_9 : i32
    %convert_element_type3A_11 = arith.extui %eq3A_10 : i1 to i32
    %cond3A_12 = arith.constant 0 : i32
    %cond3A_13 = arith.cmpi ne, %convert_element_type3A_11, %cond3A_12 : i32
    scf.if %cond3A_13 {
      %get3A_14 = arith.constant 0 : index
      %get3A_15 = arith.constant 0 : index
      %get3A_16 = vector.load %arg3[%get3A_14, %get3A_15] : memref<2048x64xf32, #tpu.memory_space<vmem>>, vector<2048x64xf32>
      %convert_element_type3A_17 = arith.truncf %get3A_16 : vector<2048x64xf32> to vector<2048x64xbf16>
      %add3A = arith.addi %get3A_0, %get3A_2 : i32
      %gt3A = arith.constant 0 : i32
      %gt3A_18 = arith.cmpi sgt, %add3A, %gt3A : i32
      %lt3A_19 = arith.constant 256 : i32
      %lt3A_20 = arith.cmpi slt, %get3A_0, %lt3A_19 : i32
      %and3A = arith.andi %gt3A_18, %lt3A_20 : i1
      %convert_element_type3A_21 = arith.extui %and3A : i1 to i32
      %cond3A_22 = arith.constant 0 : i32
      %cond3A_23 = arith.cmpi ne, %convert_element_type3A_21, %cond3A_22 : i32
      scf.if %cond3A_23 {
        %get3A_101 = arith.constant 0 : index
        %get3A_102 = arith.constant 0 : index
        %get3A_103 = vector.load %arg2[%get3A_101, %get3A_102] : memref<2048x64xbf16, #tpu.memory_space<vmem>>, vector<256x64xbf16>
        %dot_general3A = arith.constant dense<0.000000e+00> : vector<256x2048xf32>
        %dot_general3A_104 = tpu.matmul %get3A_103, %convert_element_type3A_17, %dot_general3A {dimension_numbers = #tpu.dot_dimension_numbers<[1], [1], [0], [0], [0, 0, 1, 0], [], []>, transpose_lhs_hint = false} : vector<256x64xbf16>, vector<2048x64xbf16>, vector<256x2048xf32> -> vector<256x2048xf32>
        %mul3A = arith.constant 2048 : i32
        %mul3A_105 = arith.muli %arg0, %mul3A : i32
        %iota3A_106 = tpu.iota {dimensions = array<i32: 1>} : vector<256x2048xi32>
        %add3A_107 = vector.broadcast %mul3A_105 : i32 to vector<256x2048xi32>
        %add3A_108 = arith.addi %add3A_107, %iota3A_106 : vector<256x2048xi32>
        %lt3A_109 = arith.constant 40000 : i32
        %lt3A_110 = vector.broadcast %lt3A_109 : i32 to vector<256x2048xi32>
        %lt3A_111 = arith.cmpi slt, %add3A_108, %lt3A_110 : vector<256x2048xi32>
        %jit3A_112 = arith.constant 0xFF800000 : f32
        %broadcast_in_dim3A_113 = vector.broadcast %jit3A_112 : f32 to vector<256x2048xf32>
        %select_n3A_114 = arith.select %lt3A_111, %dot_general3A_104, %broadcast_in_dim3A_113 : vector<256x2048xi1>, vector<256x2048xf32>
        %reduce_max3A = arith.constant dense<0xFF800000> : vector<256xf32>
        %reduce_max3A_115 = vector.multi_reduction <maximumf>, %select_n3A_114, %reduce_max3A [1] : vector<256x2048xf32> to vector<256xf32>
        %broadcast_in_dim3A_116 = vector.shape_cast %reduce_max3A_115 : vector<256xf32> to vector<256x1xf32>
        %get3A_117 = arith.constant 0 : index
        %get3A_118 = arith.constant 0 : index
        %get3A_119 = vector.load %arg5[%get3A_117, %get3A_118] : memref<2048x1xf32, #tpu.memory_space<vmem>>, vector<256x1xf32>
        %max3A = arith.maximumf %get3A_119, %broadcast_in_dim3A_116 : vector<256x1xf32>
        %get3A_120 = arith.constant 0 : index
        %get3A_121 = arith.constant 0 : index
        %get3A_122 = vector.load %arg6[%get3A_120, %get3A_121] : memref<2048x1xf32, #tpu.memory_space<vmem>>, vector<256x1xf32>
        %sub3A = arith.subf %get3A_119, %max3A : vector<256x1xf32>
        %exp3A = math.exp %sub3A : vector<256x1xf32>
        %mul3A_123 = arith.mulf %get3A_122, %exp3A : vector<256x1xf32>
        %sub3A_124 = vector.broadcast %max3A : vector<256x1xf32> to vector<256x2048xf32>
        %sub3A_125 = arith.subf %select_n3A_114, %sub3A_124 : vector<256x2048xf32>
        %exp3A_126 = math.exp %sub3A_125 : vector<256x2048xf32>
        %reduce_sum3A = arith.constant dense<0.000000e+00> : vector<256xf32>
        %reduce_sum3A_127 = vector.multi_reduction <add>, %exp3A_126, %reduce_sum3A [1] : vector<256x2048xf32> to vector<256xf32>
        %broadcast_in_dim3A_128 = vector.shape_cast %reduce_sum3A_127 : vector<256xf32> to vector<256x1xf32>
        %add3A_129 = arith.addf %mul3A_123, %broadcast_in_dim3A_128 : vector<256x1xf32>
        %swap3A_130 = arith.constant 0 : index
        %swap3A_131 = arith.constant 0 : index
        %swap3A_132 = vector.load %arg6[%swap3A_130, %swap3A_131] : memref<2048x1xf32, #tpu.memory_space<vmem>>, vector<256x1xf32>
        tpu.vector_store %arg6[%swap3A_130, %swap3A_131], %add3A_129 {strides = array<i32>} : memref<2048x1xf32, #tpu.memory_space<vmem>>, vector<256x1xf32>,
        %swap3A_133 = arith.constant 0 : index
        %swap3A_134 = arith.constant 0 : index
        %swap3A_135 = vector.load %arg5[%swap3A_133, %swap3A_134] : memref<2048x1xf32, #tpu.memory_space<vmem>>, vector<256x1xf32>
        tpu.vector_store %arg5[%swap3A_133, %swap3A_134], %max3A {strides = array<i32>} : memref<2048x1xf32, #tpu.memory_space<vmem>>, vector<256x1xf32>,
      } else {
      }
      %add3A_24 = arith.addi %get3A_0, %get3A_2 : i32
      %gt3A_25 = arith.constant 256 : i32
      %gt3A_26 = arith.cmpi sgt, %add3A_24, %gt3A_25 : i32
      %lt3A_27 = arith.constant 512 : i32
      %lt3A_28 = arith.cmpi slt, %get3A_0, %lt3A_27 : i32
      %and3A_29 = arith.andi %gt3A_26, %lt3A_28 : i1
      %convert_element_type3A_30 = arith.extui %and3A_29 : i1 to i32
      %cond3A_31 = arith.constant 0 : i32
      %cond3A_32 = arith.cmpi ne, %convert_element_type3A_30, %cond3A_31 : i32
      scf.if %cond3A_32 {
        %get3A_101 = arith.constant 256 : index
        %get3A_102 = arith.constant 0 : index
        %get3A_103 = vector.load %arg2[%get3A_101, %get3A_102] : memref<2048x64xbf16, #tpu.memory_space<vmem>>, vector<256x64xbf16>
        %dot_general3A = arith.constant dense<0.000000e+00> : vector<256x2048xf32>
        %dot_general3A_104 = tpu.matmul %get3A_103, %convert_element_type3A_17, %dot_general3A {dimension_numbers = #tpu.dot_dimension_numbers<[1], [1], [0], [0], [0, 0, 1, 0], [], []>, transpose_lhs_hint = false} : vector<256x64xbf16>, vector<2048x64xbf16>, vector<256x2048xf32> -> vector<256x2048xf32>
        %mul3A = arith.constant 2048 : i32
        %mul3A_105 = arith.muli %arg0, %mul3A : i32
        %iota3A_106 = tpu.iota {dimensions = array<i32: 1>} : vector<256x2048xi32>
        %add3A_107 = vector.broadcast %mul3A_105 : i32 to vector<256x2048xi32>
        %add3A_108 = arith.addi %add3A_107, %iota3A_106 : vector<256x2048xi32>
        %lt3A_109 = arith.constant 40000 : i32
        %lt3A_110 = vector.broadcast %lt3A_109 : i32 to vector<256x2048xi32>
        %lt3A_111 = arith.cmpi slt, %add3A_108, %lt3A_110 : vector<256x2048xi32>
        %jit3A_112 = arith.constant 0xFF800000 : f32
        %broadcast_in_dim3A_113 = vector.broadcast %jit3A_112 : f32 to vector<256x2048xf32>
        %select_n3A_114 = arith.select %lt3A_111, %dot_general3A_104, %broadcast_in_dim3A_113 : vector<256x2048xi1>, vector<256x2048xf32>
        %reduce_max3A = arith.constant dense<0xFF800000> : vector<256xf32>
        %reduce_max3A_115 = vector.multi_reduction <maximumf>, %select_n3A_114, %reduce_max3A [1] : vector<256x2048xf32> to vector<256xf32>
        %broadcast_in_dim3A_116 = vector.shape_cast %reduce_max3A_115 : vector<256xf32> to vector<256x1xf32>
        %get3A_117 = arith.constant 256 : index
        %get3A_118 = arith.constant 0 : index
        %get3A_119 = vector.load %arg5[%get3A_117, %get3A_118] : memref<2048x1xf32, #tpu.memory_space<vmem>>, vector<256x1xf32>
        %max3A = arith.maximumf %get3A_119, %broadcast_in_dim3A_116 : vector<256x1xf32>
        %get3A_120 = arith.constant 256 : index
        %get3A_121 = arith.constant 0 : index
        %get3A_122 = vector.load %arg6[%get3A_120, %get3A_121] : memref<2048x1xf32, #tpu.memory_space<vmem>>, vector<256x1xf32>
        %sub3A = arith.subf %get3A_119, %max3A : vector<256x1xf32>
        %exp3A = math.exp %sub3A : vector<256x1xf32>
        %mul3A_123 = arith.mulf %get3A_122, %exp3A : vector<256x1xf32>
        %sub3A_124 = vector.broadcast %max3A : vector<256x1xf32> to vector<256x2048xf32>
        %sub3A_125 = arith.subf %select_n3A_114, %sub3A_124 : vector<256x2048xf32>
        %exp3A_126 = math.exp %sub3A_125 : vector<256x2048xf32>
        %reduce_sum3A = arith.constant dense<0.000000e+00> : vector<256xf32>
        %reduce_sum3A_127 = vector.multi_reduction <add>, %exp3A_126, %reduce_sum3A [1] : vector<256x2048xf32> to vector<256xf32>
        %broadcast_in_dim3A_128 = vector.shape_cast %reduce_sum3A_127 : vector<256xf32> to vector<256x1xf32>
        %add3A_129 = arith.addf %mul3A_123, %broadcast_in_dim3A_128 : vector<256x1xf32>
        %swap3A_130 = arith.constant 256 : index
        %swap3A_131 = arith.constant 0 : index
        %swap3A_132 = vector.load %arg6[%swap3A_130, %swap3A_131] : memref<2048x1xf32, #tpu.memory_space<vmem>>, vector<256x1xf32>
        tpu.vector_store %arg6[%swap3A_130, %swap3A_131], %add3A_129 {strides = array<i32>} : memref<2048x1xf32, #tpu.memory_space<vmem>>, vector<256x1xf32>,
        %swap3A_133 = arith.constant 256 : index
        %swap3A_134 = arith.constant 0 : index
        %swap3A_135 = vector.load %arg5[%swap3A_133, %swap3A_134] : memref<2048x1xf32, #tpu.memory_space<vmem>>, vector<256x1xf32>
        tpu.vector_store %arg5[%swap3A_133, %swap3A_134], %max3A {strides = array<i32>} : memref<2048x1xf32, #tpu.memory_space<vmem>>, vector<256x1xf32>,
      } else {
      }
      %add3A_33 = arith.addi %get3A_0, %get3A_2 : i32
      %gt3A_34 = arith.constant 512 : i32
      %gt3A_35 = arith.cmpi sgt, %add3A_33, %gt3A_34 : i32
      %lt3A_36 = arith.constant 768 : i32
      %lt3A_37 = arith.cmpi slt, %get3A_0, %lt3A_36 : i32
      %and3A_38 = arith.andi %gt3A_35, %lt3A_37 : i1
      %convert_element_type3A_39 = arith.extui %and3A_38 : i1 to i32
      %cond3A_40 = arith.constant 0 : i32
      %cond3A_41 = arith.cmpi ne, %convert_element_type3A_39, %cond3A_40 : i32
      scf.if %cond3A_41 {
        %get3A_101 = arith.constant 512 : index
        %get3A_102 = arith.constant 0 : index
        %get3A_103 = vector.load %arg2[%get3A_101, %get3A_102] : memref<2048x64xbf16, #tpu.memory_space<vmem>>, vector<256x64xbf16>
        %dot_general3A = arith.constant dense<0.000000e+00> : vector<256x2048xf32>
        %dot_general3A_104 = tpu.matmul %get3A_103, %convert_element_type3A_17, %dot_general3A {dimension_numbers = #tpu.dot_dimension_numbers<[1], [1], [0], [0], [0, 0, 1, 0], [], []>, transpose_lhs_hint = false} : vector<256x64xbf16>, vector<2048x64xbf16>, vector<256x2048xf32> -> vector<256x2048xf32>
        %mul3A = arith.constant 2048 : i32
        %mul3A_105 = arith.muli %arg0, %mul3A : i32
        %iota3A_106 = tpu.iota {dimensions = array<i32: 1>} : vector<256x2048xi32>
        %add3A_107 = vector.broadcast %mul3A_105 : i32 to vector<256x2048xi32>
        %add3A_108 = arith.addi %add3A_107, %iota3A_106 : vector<256x2048xi32>
        %lt3A_109 = arith.constant 40000 : i32
        %lt3A_110 = vector.broadcast %lt3A_109 : i32 to vector<256x2048xi32>
        %lt3A_111 = arith.cmpi slt, %add3A_108, %lt3A_110 : vector<256x2048xi32>
        %jit3A_112 = arith.constant 0xFF800000 : f32
        %broadcast_in_dim3A_113 = vector.broadcast %jit3A_112 : f32 to vector<256x2048xf32>
        %select_n3A_114 = arith.select %lt3A_111, %dot_general3A_104, %broadcast_in_dim3A_113 : vector<256x2048xi1>, vector<256x2048xf32>
        %reduce_max3A = arith.constant dense<0xFF800000> : vector<256xf32>
        %reduce_max3A_115 = vector.multi_reduction <maximumf>, %select_n3A_114, %reduce_max3A [1] : vector<256x2048xf32> to vector<256xf32>
        %broadcast_in_dim3A_116 = vector.shape_cast %reduce_max3A_115 : vector<256xf32> to vector<256x1xf32>
        %get3A_117 = arith.constant 512 : index
        %get3A_118 = arith.constant 0 : index
        %get3A_119 = vector.load %arg5[%get3A_117, %get3A_118] : memref<2048x1xf32, #tpu.memory_space<vmem>>, vector<256x1xf32>
        %max3A = arith.maximumf %get3A_119, %broadcast_in_dim3A_116 : vector<256x1xf32>
        %get3A_120 = arith.constant 512 : index
        %get3A_121 = arith.constant 0 : index
        %get3A_122 = vector.load %arg6[%get3A_120, %get3A_121] : memref<2048x1xf32, #tpu.memory_space<vmem>>, vector<256x1xf32>
        %sub3A = arith.subf %get3A_119, %max3A : vector<256x1xf32>
        %exp3A = math.exp %sub3A : vector<256x1xf32>
        %mul3A_123 = arith.mulf %get3A_122, %exp3A : vector<256x1xf32>
        %sub3A_124 = vector.broadcast %max3A : vector<256x1xf32> to vector<256x2048xf32>
        %sub3A_125 = arith.subf %select_n3A_114, %sub3A_124 : vector<256x2048xf32>
        %exp3A_126 = math.exp %sub3A_125 : vector<256x2048xf32>
        %reduce_sum3A = arith.constant dense<0.000000e+00> : vector<256xf32>
        %reduce_sum3A_127 = vector.multi_reduction <add>, %exp3A_126, %reduce_sum3A [1] : vector<256x2048xf32> to vector<256xf32>
        %broadcast_in_dim3A_128 = vector.shape_cast %reduce_sum3A_127 : vector<256xf32> to vector<256x1xf32>
        %add3A_129 = arith.addf %mul3A_123, %broadcast_in_dim3A_128 : vector<256x1xf32>
        %swap3A_130 = arith.constant 512 : index
        %swap3A_131 = arith.constant 0 : index
        %swap3A_132 = vector.load %arg6[%swap3A_130, %swap3A_131] : memref<2048x1xf32, #tpu.memory_space<vmem>>, vector<256x1xf32>
        tpu.vector_store %arg6[%swap3A_130, %swap3A_131], %add3A_129 {strides = array<i32>} : memref<2048x1xf32, #tpu.memory_space<vmem>>, vector<256x1xf32>,
        %swap3A_133 = arith.constant 512 : index
        %swap3A_134 = arith.constant 0 : index
        %swap3A_135 = vector.load %arg5[%swap3A_133, %swap3A_134] : memref<2048x1xf32, #tpu.memory_space<vmem>>, vector<256x1xf32>
        tpu.vector_store %arg5[%swap3A_133, %swap3A_134], %max3A {strides = array<i32>} : memref<2048x1xf32, #tpu.memory_space<vmem>>, vector<256x1xf32>,
      } else {
      }
      %add3A_42 = arith.addi %get3A_0, %get3A_2 : i32
      %gt3A_43 = arith.constant 768 : i32
      %gt3A_44 = arith.cmpi sgt, %add3A_42, %gt3A_43 : i32
      %lt3A_45 = arith.constant 1024 : i32
      %lt3A_46 = arith.cmpi slt, %get3A_0, %lt3A_45 : i32
      %and3A_47 = arith.andi %gt3A_44, %lt3A_46 : i1
      %convert_element_type3A_48 = arith.extui %and3A_47 : i1 to i32
      %cond3A_49 = arith.constant 0 : i32
      %cond3A_50 = arith.cmpi ne, %convert_element_type3A_48, %cond3A_49 : i32
      scf.if %cond3A_50 {
        %get3A_101 = arith.constant 768 : index
        %get3A_102 = arith.constant 0 : index
        %get3A_103 = vector.load %arg2[%get3A_101, %get3A_102] : memref<2048x64xbf16, #tpu.memory_space<vmem>>, vector<256x64xbf16>
        %dot_general3A = arith.constant dense<0.000000e+00> : vector<256x2048xf32>
        %dot_general3A_104 = tpu.matmul %get3A_103, %convert_element_type3A_17, %dot_general3A {dimension_numbers = #tpu.dot_dimension_numbers<[1], [1], [0], [0], [0, 0, 1, 0], [], []>, transpose_lhs_hint = false} : vector<256x64xbf16>, vector<2048x64xbf16>, vector<256x2048xf32> -> vector<256x2048xf32>
        %mul3A = arith.constant 2048 : i32
        %mul3A_105 = arith.muli %arg0, %mul3A : i32
        %iota3A_106 = tpu.iota {dimensions = array<i32: 1>} : vector<256x2048xi32>
        %add3A_107 = vector.broadcast %mul3A_105 : i32 to vector<256x2048xi32>
        %add3A_108 = arith.addi %add3A_107, %iota3A_106 : vector<256x2048xi32>
        %lt3A_109 = arith.constant 40000 : i32
        %lt3A_110 = vector.broadcast %lt3A_109 : i32 to vector<256x2048xi32>
        %lt3A_111 = arith.cmpi slt, %add3A_108, %lt3A_110 : vector<256x2048xi32>
        %jit3A_112 = arith.constant 0xFF800000 : f32
        %broadcast_in_dim3A_113 = vector.broadcast %jit3A_112 : f32 to vector<256x2048xf32>
        %select_n3A_114 = arith.select %lt3A_111, %dot_general3A_104, %broadcast_in_dim3A_113 : vector<256x2048xi1>, vector<256x2048xf32>
        %reduce_max3A = arith.constant dense<0xFF800000> : vector<256xf32>
        %reduce_max3A_115 = vector.multi_reduction <maximumf>, %select_n3A_114, %reduce_max3A [1] : vector<256x2048xf32> to vector<256xf32>
        %broadcast_in_dim3A_116 = vector.shape_cast %reduce_max3A_115 : vector<256xf32> to vector<256x1xf32>
        %get3A_117 = arith.constant 768 : index
        %get3A_118 = arith.constant 0 : index
        %get3A_119 = vector.load %arg5[%get3A_117, %get3A_118] : memref<2048x1xf32, #tpu.memory_space<vmem>>, vector<256x1xf32>
        %max3A = arith.maximumf %get3A_119, %broadcast_in_dim3A_116 : vector<256x1xf32>
        %get3A_120 = arith.constant 768 : index
        %get3A_121 = arith.constant 0 : index
        %get3A_122 = vector.load %arg6[%get3A_120, %get3A_121] : memref<2048x1xf32, #tpu.memory_space<vmem>>, vector<256x1xf32>
        %sub3A = arith.subf %get3A_119, %max3A : vector<256x1xf32>
        %exp3A = math.exp %sub3A : vector<256x1xf32>
        %mul3A_123 = arith.mulf %get3A_122, %exp3A : vector<256x1xf32>
        %sub3A_124 = vector.broadcast %max3A : vector<256x1xf32> to vector<256x2048xf32>
        %sub3A_125 = arith.subf %select_n3A_114, %sub3A_124 : vector<256x2048xf32>
        %exp3A_126 = math.exp %sub3A_125 : vector<256x2048xf32>
        %reduce_sum3A = arith.constant dense<0.000000e+00> : vector<256xf32>
        %reduce_sum3A_127 = vector.multi_reduction <add>, %exp3A_126, %reduce_sum3A [1] : vector<256x2048xf32> to vector<256xf32>
        %broadcast_in_dim3A_128 = vector.shape_cast %reduce_sum3A_127 : vector<256xf32> to vector<256x1xf32>
        %add3A_129 = arith.addf %mul3A_123, %broadcast_in_dim3A_128 : vector<256x1xf32>
        %swap3A_130 = arith.constant 768 : index
        %swap3A_131 = arith.constant 0 : index
        %swap3A_132 = vector.load %arg6[%swap3A_130, %swap3A_131] : memref<2048x1xf32, #tpu.memory_space<vmem>>, vector<256x1xf32>
        tpu.vector_store %arg6[%swap3A_130, %swap3A_131], %add3A_129 {strides = array<i32>} : memref<2048x1xf32, #tpu.memory_space<vmem>>, vector<256x1xf32>,
        %swap3A_133 = arith.constant 768 : index
        %swap3A_134 = arith.constant 0 : index
        %swap3A_135 = vector.load %arg5[%swap3A_133, %swap3A_134] : memref<2048x1xf32, #tpu.memory_space<vmem>>, vector<256x1xf32>
        tpu.vector_store %arg5[%swap3A_133, %swap3A_134], %max3A {strides = array<i32>} : memref<2048x1xf32, #tpu.memory_space<vmem>>, vector<256x1xf32>,
      } else {
      }
      %add3A_51 = arith.addi %get3A_0, %get3A_2 : i32
      %gt3A_52 = arith.constant 1024 : i32
      %gt3A_53 = arith.cmpi sgt, %add3A_51, %gt3A_52 : i32
      %lt3A_54 = arith.constant 1280 : i32
      %lt3A_55 = arith.cmpi slt, %get3A_0, %lt3A_54 : i32
      %and3A_56 = arith.andi %gt3A_53, %lt3A_55 : i1
      %convert_element_type3A_57 = arith.extui %and3A_56 : i1 to i32
      %cond3A_58 = arith.constant 0 : i32
      %cond3A_59 = arith.cmpi ne, %convert_element_type3A_57, %cond3A_58 : i32
      scf.if %cond3A_59 {
        %get3A_101 = arith.constant 1024 : index
        %get3A_102 = arith.constant 0 : index
        %get3A_103 = vector.load %arg2[%get3A_101, %get3A_102] : memref<2048x64xbf16, #tpu.memory_space<vmem>>, vector<256x64xbf16>
        %dot_general3A = arith.constant dense<0.000000e+00> : vector<256x2048xf32>
        %dot_general3A_104 = tpu.matmul %get3A_103, %convert_element_type3A_17, %dot_general3A {dimension_numbers = #tpu.dot_dimension_numbers<[1], [1], [0], [0], [0, 0, 1, 0], [], []>, transpose_lhs_hint = false} : vector<256x64xbf16>, vector<2048x64xbf16>, vector<256x2048xf32> -> vector<256x2048xf32>
        %mul3A = arith.constant 2048 : i32
        %mul3A_105 = arith.muli %arg0, %mul3A : i32
        %iota3A_106 = tpu.iota {dimensions = array<i32: 1>} : vector<256x2048xi32>
        %add3A_107 = vector.broadcast %mul3A_105 : i32 to vector<256x2048xi32>
        %add3A_108 = arith.addi %add3A_107, %iota3A_106 : vector<256x2048xi32>
        %lt3A_109 = arith.constant 40000 : i32
        %lt3A_110 = vector.broadcast %lt3A_109 : i32 to vector<256x2048xi32>
        %lt3A_111 = arith.cmpi slt, %add3A_108, %lt3A_110 : vector<256x2048xi32>
        %jit3A_112 = arith.constant 0xFF800000 : f32
        %broadcast_in_dim3A_113 = vector.broadcast %jit3A_112 : f32 to vector<256x2048xf32>
        %select_n3A_114 = arith.select %lt3A_111, %dot_general3A_104, %broadcast_in_dim3A_113 : vector<256x2048xi1>, vector<256x2048xf32>
        %reduce_max3A = arith.constant dense<0xFF800000> : vector<256xf32>
        %reduce_max3A_115 = vector.multi_reduction <maximumf>, %select_n3A_114, %reduce_max3A [1] : vector<256x2048xf32> to vector<256xf32>
        %broadcast_in_dim3A_116 = vector.shape_cast %reduce_max3A_115 : vector<256xf32> to vector<256x1xf32>
        %get3A_117 = arith.constant 1024 : index
        %get3A_118 = arith.constant 0 : index
        %get3A_119 = vector.load %arg5[%get3A_117, %get3A_118] : memref<2048x1xf32, #tpu.memory_space<vmem>>, vector<256x1xf32>
        %max3A = arith.maximumf %get3A_119, %broadcast_in_dim3A_116 : vector<256x1xf32>
        %get3A_120 = arith.constant 1024 : index
        %get3A_121 = arith.constant 0 : index
        %get3A_122 = vector.load %arg6[%get3A_120, %get3A_121] : memref<2048x1xf32, #tpu.memory_space<vmem>>, vector<256x1xf32>
        %sub3A = arith.subf %get3A_119, %max3A : vector<256x1xf32>
        %exp3A = math.exp %sub3A : vector<256x1xf32>
        %mul3A_123 = arith.mulf %get3A_122, %exp3A : vector<256x1xf32>
        %sub3A_124 = vector.broadcast %max3A : vector<256x1xf32> to vector<256x2048xf32>
        %sub3A_125 = arith.subf %select_n3A_114, %sub3A_124 : vector<256x2048xf32>
        %exp3A_126 = math.exp %sub3A_125 : vector<256x2048xf32>
        %reduce_sum3A = arith.constant dense<0.000000e+00> : vector<256xf32>
        %reduce_sum3A_127 = vector.multi_reduction <add>, %exp3A_126, %reduce_sum3A [1] : vector<256x2048xf32> to vector<256xf32>
        %broadcast_in_dim3A_128 = vector.shape_cast %reduce_sum3A_127 : vector<256xf32> to vector<256x1xf32>
        %add3A_129 = arith.addf %mul3A_123, %broadcast_in_dim3A_128 : vector<256x1xf32>
        %swap3A_130 = arith.constant 1024 : index
        %swap3A_131 = arith.constant 0 : index
        %swap3A_132 = vector.load %arg6[%swap3A_130, %swap3A_131] : memref<2048x1xf32, #tpu.memory_space<vmem>>, vector<256x1xf32>
        tpu.vector_store %arg6[%swap3A_130, %swap3A_131], %add3A_129 {strides = array<i32>} : memref<2048x1xf32, #tpu.memory_space<vmem>>, vector<256x1xf32>,
        %swap3A_133 = arith.constant 1024 : index
        %swap3A_134 = arith.constant 0 : index
        %swap3A_135 = vector.load %arg5[%swap3A_133, %swap3A_134] : memref<2048x1xf32, #tpu.memory_space<vmem>>, vector<256x1xf32>
        tpu.vector_store %arg5[%swap3A_133, %swap3A_134], %max3A {strides = array<i32>} : memref<2048x1xf32, #tpu.memory_space<vmem>>, vector<256x1xf32>,
      } else {
      }
      %add3A_60 = arith.addi %get3A_0, %get3A_2 : i32
      %gt3A_61 = arith.constant 1280 : i32
      %gt3A_62 = arith.cmpi sgt, %add3A_60, %gt3A_61 : i32
      %lt3A_63 = arith.constant 1536 : i32
      %lt3A_64 = arith.cmpi slt, %get3A_0, %lt3A_63 : i32
      %and3A_65 = arith.andi %gt3A_62, %lt3A_64 : i1
      %convert_element_type3A_66 = arith.extui %and3A_65 : i1 to i32
      %cond3A_67 = arith.constant 0 : i32
      %cond3A_68 = arith.cmpi ne, %convert_element_type3A_66, %cond3A_67 : i32
      scf.if %cond3A_68 {
        %get3A_101 = arith.constant 1280 : index
        %get3A_102 = arith.constant 0 : index
        %get3A_103 = vector.load %arg2[%get3A_101, %get3A_102] : memref<2048x64xbf16, #tpu.memory_space<vmem>>, vector<256x64xbf16>
        %dot_general3A = arith.constant dense<0.000000e+00> : vector<256x2048xf32>
        %dot_general3A_104 = tpu.matmul %get3A_103, %convert_element_type3A_17, %dot_general3A {dimension_numbers = #tpu.dot_dimension_numbers<[1], [1], [0], [0], [0, 0, 1, 0], [], []>, transpose_lhs_hint = false} : vector<256x64xbf16>, vector<2048x64xbf16>, vector<256x2048xf32> -> vector<256x2048xf32>
        %mul3A = arith.constant 2048 : i32
        %mul3A_105 = arith.muli %arg0, %mul3A : i32
        %iota3A_106 = tpu.iota {dimensions = array<i32: 1>} : vector<256x2048xi32>
        %add3A_107 = vector.broadcast %mul3A_105 : i32 to vector<256x2048xi32>
        %add3A_108 = arith.addi %add3A_107, %iota3A_106 : vector<256x2048xi32>
        %lt3A_109 = arith.constant 40000 : i32
        %lt3A_110 = vector.broadcast %lt3A_109 : i32 to vector<256x2048xi32>
        %lt3A_111 = arith.cmpi slt, %add3A_108, %lt3A_110 : vector<256x2048xi32>
        %jit3A_112 = arith.constant 0xFF800000 : f32
        %broadcast_in_dim3A_113 = vector.broadcast %jit3A_112 : f32 to vector<256x2048xf32>
        %select_n3A_114 = arith.select %lt3A_111, %dot_general3A_104, %broadcast_in_dim3A_113 : vector<256x2048xi1>, vector<256x2048xf32>
        %reduce_max3A = arith.constant dense<0xFF800000> : vector<256xf32>
        %reduce_max3A_115 = vector.multi_reduction <maximumf>, %select_n3A_114, %reduce_max3A [1] : vector<256x2048xf32> to vector<256xf32>
        %broadcast_in_dim3A_116 = vector.shape_cast %reduce_max3A_115 : vector<256xf32> to vector<256x1xf32>
        %get3A_117 = arith.constant 1280 : index
        %get3A_118 = arith.constant 0 : index
        %get3A_119 = vector.load %arg5[%get3A_117, %get3A_118] : memref<2048x1xf32, #tpu.memory_space<vmem>>, vector<256x1xf32>
        %max3A = arith.maximumf %get3A_119, %broadcast_in_dim3A_116 : vector<256x1xf32>
        %get3A_120 = arith.constant 1280 : index
        %get3A_121 = arith.constant 0 : index
        %get3A_122 = vector.load %arg6[%get3A_120, %get3A_121] : memref<2048x1xf32, #tpu.memory_space<vmem>>, vector<256x1xf32>
        %sub3A = arith.subf %get3A_119, %max3A : vector<256x1xf32>
        %exp3A = math.exp %sub3A : vector<256x1xf32>
        %mul3A_123 = arith.mulf %get3A_122, %exp3A : vector<256x1xf32>
        %sub3A_124 = vector.broadcast %max3A : vector<256x1xf32> to vector<256x2048xf32>
        %sub3A_125 = arith.subf %select_n3A_114, %sub3A_124 : vector<256x2048xf32>
        %exp3A_126 = math.exp %sub3A_125 : vector<256x2048xf32>
        %reduce_sum3A = arith.constant dense<0.000000e+00> : vector<256xf32>
        %reduce_sum3A_127 = vector.multi_reduction <add>, %exp3A_126, %reduce_sum3A [1] : vector<256x2048xf32> to vector<256xf32>
        %broadcast_in_dim3A_128 = vector.shape_cast %reduce_sum3A_127 : vector<256xf32> to vector<256x1xf32>
        %add3A_129 = arith.addf %mul3A_123, %broadcast_in_dim3A_128 : vector<256x1xf32>
        %swap3A_130 = arith.constant 1280 : index
        %swap3A_131 = arith.constant 0 : index
        %swap3A_132 = vector.load %arg6[%swap3A_130, %swap3A_131] : memref<2048x1xf32, #tpu.memory_space<vmem>>, vector<256x1xf32>
        tpu.vector_store %arg6[%swap3A_130, %swap3A_131], %add3A_129 {strides = array<i32>} : memref<2048x1xf32, #tpu.memory_space<vmem>>, vector<256x1xf32>,
        %swap3A_133 = arith.constant 1280 : index
        %swap3A_134 = arith.constant 0 : index
        %swap3A_135 = vector.load %arg5[%swap3A_133, %swap3A_134] : memref<2048x1xf32, #tpu.memory_space<vmem>>, vector<256x1xf32>
        tpu.vector_store %arg5[%swap3A_133, %swap3A_134], %max3A {strides = array<i32>} : memref<2048x1xf32, #tpu.memory_space<vmem>>, vector<256x1xf32>,
      } else {
      }
      %add3A_69 = arith.addi %get3A_0, %get3A_2 : i32
      %gt3A_70 = arith.constant 1536 : i32
      %gt3A_71 = arith.cmpi sgt, %add3A_69, %gt3A_70 : i32
      %lt3A_72 = arith.constant 1792 : i32
      %lt3A_73 = arith.cmpi slt, %get3A_0, %lt3A_72 : i32
      %and3A_74 = arith.andi %gt3A_71, %lt3A_73 : i1
      %convert_element_type3A_75 = arith.extui %and3A_74 : i1 to i32
      %cond3A_76 = arith.constant 0 : i32
      %cond3A_77 = arith.cmpi ne, %convert_element_type3A_75, %cond3A_76 : i32
      scf.if %cond3A_77 {
        %get3A_101 = arith.constant 1536 : index
        %get3A_102 = arith.constant 0 : index
        %get3A_103 = vector.load %arg2[%get3A_101, %get3A_102] : memref<2048x64xbf16, #tpu.memory_space<vmem>>, vector<256x64xbf16>
        %dot_general3A = arith.constant dense<0.000000e+00> : vector<256x2048xf32>
        %dot_general3A_104 = tpu.matmul %get3A_103, %convert_element_type3A_17, %dot_general3A {dimension_numbers = #tpu.dot_dimension_numbers<[1], [1], [0], [0], [0, 0, 1, 0], [], []>, transpose_lhs_hint = false} : vector<256x64xbf16>, vector<2048x64xbf16>, vector<256x2048xf32> -> vector<256x2048xf32>
        %mul3A = arith.constant 2048 : i32
        %mul3A_105 = arith.muli %arg0, %mul3A : i32
        %iota3A_106 = tpu.iota {dimensions = array<i32: 1>} : vector<256x2048xi32>
        %add3A_107 = vector.broadcast %mul3A_105 : i32 to vector<256x2048xi32>
        %add3A_108 = arith.addi %add3A_107, %iota3A_106 : vector<256x2048xi32>
        %lt3A_109 = arith.constant 40000 : i32
        %lt3A_110 = vector.broadcast %lt3A_109 : i32 to vector<256x2048xi32>
        %lt3A_111 = arith.cmpi slt, %add3A_108, %lt3A_110 : vector<256x2048xi32>
        %jit3A_112 = arith.constant 0xFF800000 : f32
        %broadcast_in_dim3A_113 = vector.broadcast %jit3A_112 : f32 to vector<256x2048xf32>
        %select_n3A_114 = arith.select %lt3A_111, %dot_general3A_104, %broadcast_in_dim3A_113 : vector<256x2048xi1>, vector<256x2048xf32>
        %reduce_max3A = arith.constant dense<0xFF800000> : vector<256xf32>
        %reduce_max3A_115 = vector.multi_reduction <maximumf>, %select_n3A_114, %reduce_max3A [1] : vector<256x2048xf32> to vector<256xf32>
        %broadcast_in_dim3A_116 = vector.shape_cast %reduce_max3A_115 : vector<256xf32> to vector<256x1xf32>
        %get3A_117 = arith.constant 1536 : index
        %get3A_118 = arith.constant 0 : index
        %get3A_119 = vector.load %arg5[%get3A_117, %get3A_118] : memref<2048x1xf32, #tpu.memory_space<vmem>>, vector<256x1xf32>
        %max3A = arith.maximumf %get3A_119, %broadcast_in_dim3A_116 : vector<256x1xf32>
        %get3A_120 = arith.constant 1536 : index
        %get3A_121 = arith.constant 0 : index
        %get3A_122 = vector.load %arg6[%get3A_120, %get3A_121] : memref<2048x1xf32, #tpu.memory_space<vmem>>, vector<256x1xf32>
        %sub3A = arith.subf %get3A_119, %max3A : vector<256x1xf32>
        %exp3A = math.exp %sub3A : vector<256x1xf32>
        %mul3A_123 = arith.mulf %get3A_122, %exp3A : vector<256x1xf32>
        %sub3A_124 = vector.broadcast %max3A : vector<256x1xf32> to vector<256x2048xf32>
        %sub3A_125 = arith.subf %select_n3A_114, %sub3A_124 : vector<256x2048xf32>
        %exp3A_126 = math.exp %sub3A_125 : vector<256x2048xf32>
        %reduce_sum3A = arith.constant dense<0.000000e+00> : vector<256xf32>
        %reduce_sum3A_127 = vector.multi_reduction <add>, %exp3A_126, %reduce_sum3A [1] : vector<256x2048xf32> to vector<256xf32>
        %broadcast_in_dim3A_128 = vector.shape_cast %reduce_sum3A_127 : vector<256xf32> to vector<256x1xf32>
        %add3A_129 = arith.addf %mul3A_123, %broadcast_in_dim3A_128 : vector<256x1xf32>
        %swap3A_130 = arith.constant 1536 : index
        %swap3A_131 = arith.constant 0 : index
        %swap3A_132 = vector.load %arg6[%swap3A_130, %swap3A_131] : memref<2048x1xf32, #tpu.memory_space<vmem>>, vector<256x1xf32>
        tpu.vector_store %arg6[%swap3A_130, %swap3A_131], %add3A_129 {strides = array<i32>} : memref<2048x1xf32, #tpu.memory_space<vmem>>, vector<256x1xf32>,
        %swap3A_133 = arith.constant 1536 : index
        %swap3A_134 = arith.constant 0 : index
        %swap3A_135 = vector.load %arg5[%swap3A_133, %swap3A_134] : memref<2048x1xf32, #tpu.memory_space<vmem>>, vector<256x1xf32>
        tpu.vector_store %arg5[%swap3A_133, %swap3A_134], %max3A {strides = array<i32>} : memref<2048x1xf32, #tpu.memory_space<vmem>>, vector<256x1xf32>,
      } else {
      }
      %add3A_78 = arith.addi %get3A_0, %get3A_2 : i32
      %gt3A_79 = arith.constant 1792 : i32
      %gt3A_80 = arith.cmpi sgt, %add3A_78, %gt3A_79 : i32
      %lt3A_81 = arith.constant 2048 : i32
      %lt3A_82 = arith.cmpi slt, %get3A_0, %lt3A_81 : i32
      %and3A_83 = arith.andi %gt3A_80, %lt3A_82 : i1
      %convert_element_type3A_84 = arith.extui %and3A_83 : i1 to i32
      %cond3A_85 = arith.constant 0 : i32
      %cond3A_86 = arith.cmpi ne, %convert_element_type3A_84, %cond3A_85 : i32
      scf.if %cond3A_86 {
        %get3A_101 = arith.constant 1792 : index
        %get3A_102 = arith.constant 0 : index
        %get3A_103 = vector.load %arg2[%get3A_101, %get3A_102] : memref<2048x64xbf16, #tpu.memory_space<vmem>>, vector<256x64xbf16>
        %dot_general3A = arith.constant dense<0.000000e+00> : vector<256x2048xf32>
        %dot_general3A_104 = tpu.matmul %get3A_103, %convert_element_type3A_17, %dot_general3A {dimension_numbers = #tpu.dot_dimension_numbers<[1], [1], [0], [0], [0, 0, 1, 0], [], []>, transpose_lhs_hint = false} : vector<256x64xbf16>, vector<2048x64xbf16>, vector<256x2048xf32> -> vector<256x2048xf32>
        %mul3A = arith.constant 2048 : i32
        %mul3A_105 = arith.muli %arg0, %mul3A : i32
        %iota3A_106 = tpu.iota {dimensions = array<i32: 1>} : vector<256x2048xi32>
        %add3A_107 = vector.broadcast %mul3A_105 : i32 to vector<256x2048xi32>
        %add3A_108 = arith.addi %add3A_107, %iota3A_106 : vector<256x2048xi32>
        %lt3A_109 = arith.constant 40000 : i32
        %lt3A_110 = vector.broadcast %lt3A_109 : i32 to vector<256x2048xi32>
        %lt3A_111 = arith.cmpi slt, %add3A_108, %lt3A_110 : vector<256x2048xi32>
        %jit3A_112 = arith.constant 0xFF800000 : f32
        %broadcast_in_dim3A_113 = vector.broadcast %jit3A_112 : f32 to vector<256x2048xf32>
        %select_n3A_114 = arith.select %lt3A_111, %dot_general3A_104, %broadcast_in_dim3A_113 : vector<256x2048xi1>, vector<256x2048xf32>
        %reduce_max3A = arith.constant dense<0xFF800000> : vector<256xf32>
        %reduce_max3A_115 = vector.multi_reduction <maximumf>, %select_n3A_114, %reduce_max3A [1] : vector<256x2048xf32> to vector<256xf32>
        %broadcast_in_dim3A_116 = vector.shape_cast %reduce_max3A_115 : vector<256xf32> to vector<256x1xf32>
        %get3A_117 = arith.constant 1792 : index
        %get3A_118 = arith.constant 0 : index
        %get3A_119 = vector.load %arg5[%get3A_117, %get3A_118] : memref<2048x1xf32, #tpu.memory_space<vmem>>, vector<256x1xf32>
        %max3A = arith.maximumf %get3A_119, %broadcast_in_dim3A_116 : vector<256x1xf32>
        %get3A_120 = arith.constant 1792 : index
        %get3A_121 = arith.constant 0 : index
        %get3A_122 = vector.load %arg6[%get3A_120, %get3A_121] : memref<2048x1xf32, #tpu.memory_space<vmem>>, vector<256x1xf32>
        %sub3A = arith.subf %get3A_119, %max3A : vector<256x1xf32>
        %exp3A = math.exp %sub3A : vector<256x1xf32>
        %mul3A_123 = arith.mulf %get3A_122, %exp3A : vector<256x1xf32>
        %sub3A_124 = vector.broadcast %max3A : vector<256x1xf32> to vector<256x2048xf32>
        %sub3A_125 = arith.subf %select_n3A_114, %sub3A_124 : vector<256x2048xf32>
        %exp3A_126 = math.exp %sub3A_125 : vector<256x2048xf32>
        %reduce_sum3A = arith.constant dense<0.000000e+00> : vector<256xf32>
        %reduce_sum3A_127 = vector.multi_reduction <add>, %exp3A_126, %reduce_sum3A [1] : vector<256x2048xf32> to vector<256xf32>
        %broadcast_in_dim3A_128 = vector.shape_cast %reduce_sum3A_127 : vector<256xf32> to vector<256x1xf32>
        %add3A_129 = arith.addf %mul3A_123, %broadcast_in_dim3A_128 : vector<256x1xf32>
        %swap3A_130 = arith.constant 1792 : index
        %swap3A_131 = arith.constant 0 : index
        %swap3A_132 = vector.load %arg6[%swap3A_130, %swap3A_131] : memref<2048x1xf32, #tpu.memory_space<vmem>>, vector<256x1xf32>
        tpu.vector_store %arg6[%swap3A_130, %swap3A_131], %add3A_129 {strides = array<i32>} : memref<2048x1xf32, #tpu.memory_space<vmem>>, vector<256x1xf32>,
        %swap3A_133 = arith.constant 1792 : index
        %swap3A_134 = arith.constant 0 : index
        %swap3A_135 = vector.load %arg5[%swap3A_133, %swap3A_134] : memref<2048x1xf32, #tpu.memory_space<vmem>>, vector<256x1xf32>
        tpu.vector_store %arg5[%swap3A_133, %swap3A_134], %max3A {strides = array<i32>} : memref<2048x1xf32, #tpu.memory_space<vmem>>, vector<256x1xf32>,
      } else {
      }
      %iota3A = tpu.iota {dimensions = array<i32: 0>} : vector<2048x1xi32>
      %ge3A = vector.broadcast %get3A_0 : i32 to vector<2048x1xi32>
      %ge3A_87 = arith.cmpi sge, %iota3A, %ge3A : vector<2048x1xi32>
      %add3A_88 = arith.addi %get3A_0, %get3A_2 : i32
      %lt3A_89 = vector.broadcast %add3A_88 : i32 to vector<2048x1xi32>
      %lt3A_90 = arith.cmpi slt, %iota3A, %lt3A_89 : vector<2048x1xi32>
      %and3A_91 = arith.andi %ge3A_87, %lt3A_90 : vector<2048x1xi1>
      %get3A_92 = arith.constant 0 : index
      %get3A_93 = arith.constant 0 : index
      %get3A_94 = vector.load %arg5[%get3A_92, %get3A_93] : memref<2048x1xf32, #tpu.memory_space<vmem>>, vector<2048x1xf32>
      %get3A_95 = arith.constant 0 : index
      %get3A_96 = arith.constant 0 : index
      %get3A_97 = vector.load %arg6[%get3A_95, %get3A_96] : memref<2048x1xf32, #tpu.memory_space<vmem>>, vector<2048x1xf32>
      %log3A = math.log %get3A_97 : vector<2048x1xf32>
      %add3A_98 = arith.addf %get3A_94, %log3A : vector<2048x1xf32>
      %jit3A = arith.constant 0.000000e+00 : f32
      %broadcast_in_dim3A = vector.broadcast %jit3A : f32 to vector<2048x1xf32>
      %select_n3A = arith.select %and3A_91, %add3A_98, %broadcast_in_dim3A : vector<2048x1xi1>, vector<2048x1xf32>
      %swap3A = arith.constant 0 : index
      %swap3A_99 = arith.constant 0 : index
      %swap3A_100 = vector.load %arg4[%swap3A, %swap3A_99] : memref<2048x1xf32, #tpu.memory_space<vmem>>, vector<2048x1xf32>
      tpu.vector_store %arg4[%swap3A, %swap3A_99], %select_n3A {strides = array<i32>} : memref<2048x1xf32, #tpu.memory_space<vmem>>, vector<2048x1xf32>,
    } else {
    }
    return
  }
  func.func @transform_0(%arg0: i32, %arg1: memref<2xi32, #tpu.memory_space<smem>>) -> (i32, i32) {
    %c0_i32 = arith.constant 0 : i32
    %c0_i32_0 = arith.constant 0 : i32
    %c0_i32_1 = arith.constant 0 : i32
    return %c0_i32, %c0_i32_0 : i32, i32
  }
  func.func @transform_1(%arg0: i32, %arg1: memref<2xi32, #tpu.memory_space<smem>>) -> (i32, i32) {
    %c0_i32 = arith.constant 0 : i32
    %c0_i32_0 = arith.constant 0 : i32
    return %arg0, %c0_i32 : i32, i32
  }
  func.func @transform_2(%arg0: i32, %arg1: memref<2xi32, #tpu.memory_space<smem>>) -> (i32, i32) {
    %c0_i32 = arith.constant 0 : i32
    %c0_i32_0 = arith.constant 0 : i32
    %c0_i32_1 = arith.constant 0 : i32
    return %c0_i32, %c0_i32_0 : i32, i32
  }
}

module attributes {stable_mosaic.version = 14 : i64} {
  func.func @_tail_body(%arg0: i32, %arg1: memref<2xi32, #tpu.memory_space<smem>>, %arg2: memref<2048x16xbf16, #tpu.memory_space<vmem>>, %arg3: memref<2048x16xf32, #tpu.memory_space<vmem>>, %arg4: memref<2048x1xf32, #tpu.memory_space<vmem>>, %arg5: memref<2048x1xf32, #tpu.memory_space<vmem>>, %arg6: memref<2048x1xf32, #tpu.memory_space<vmem>>) attributes {dimension_semantics = [#tpu.dimension_semantics<arbitrary>], iteration_bounds = array<i64: 25>, scalar_prefetch = 1 : i64, scratch_operands = 2 : i64, tpu.core_type = #tpu.core_type<tc>, window_params = [{pipeline_mode = #tpu.pipeline_mode<synchronous>, transform_indices = @transform_0, window_bounds = array<i64: 2048, 16>}, {transform_indices = @transform_1, window_bounds = array<i64: 2048, 16>}, {pipeline_mode = #tpu.pipeline_mode<synchronous>, transform_indices = @transform_2, window_bounds = array<i64: 2048, 1>}]} {
    %get3A = arith.constant 0 : index
    %get3A_0 = memref.load %arg1[%get3A] : memref<2xi32, #tpu.memory_space<smem>>
    %get3A_1 = arith.constant 1 : index
    %get3A_2 = memref.load %arg1[%get3A_1] : memref<2xi32, #tpu.memory_space<smem>>
    %eq3A = arith.constant 0 : i32
    %eq3A_3 = arith.cmpi eq, %arg0, %eq3A : i32
    %convert_element_type3A = arith.extui %eq3A_3 : i1 to i32
    %cond3A = arith.constant 0 : i32
    %cond3A_4 = arith.cmpi ne, %convert_element_type3A, %cond3A : i32
    scf.if %cond3A_4 {
      %broadcast_in_dim3A = arith.constant 0xFF800000 : f32
      %broadcast_in_dim3A_14 = vector.broadcast %broadcast_in_dim3A : f32 to vector<2048x1xf32>
      %swap3A = arith.constant 0 : index
      %swap3A_15 = arith.constant 0 : index
      %swap3A_16 = vector.load %arg5[%swap3A, %swap3A_15] : memref<2048x1xf32, #tpu.memory_space<vmem>>, vector<2048x1xf32>
      tpu.vector_store %arg5[%swap3A, %swap3A_15], %broadcast_in_dim3A_14 {strides = array<i32>} : memref<2048x1xf32, #tpu.memory_space<vmem>>, vector<2048x1xf32>,
      %broadcast_in_dim3A_17 = arith.constant 0.000000e+00 : f32
      %broadcast_in_dim3A_18 = vector.broadcast %broadcast_in_dim3A_17 : f32 to vector<2048x1xf32>
      %swap3A_19 = arith.constant 0 : index
      %swap3A_20 = arith.constant 0 : index
      %swap3A_21 = vector.load %arg6[%swap3A_19, %swap3A_20] : memref<2048x1xf32, #tpu.memory_space<vmem>>, vector<2048x1xf32>
      tpu.vector_store %arg6[%swap3A_19, %swap3A_20], %broadcast_in_dim3A_18 {strides = array<i32>} : memref<2048x1xf32, #tpu.memory_space<vmem>>, vector<2048x1xf32>,
    } else {
    }
    %lt3A = arith.constant 24 : i32
    %lt3A_5 = arith.cmpi slt, %arg0, %lt3A : i32
    %convert_element_type3A_6 = arith.extui %lt3A_5 : i1 to i32
    %cond3A_7 = arith.constant 0 : i32
    %cond3A_8 = arith.cmpi ne, %convert_element_type3A_6, %cond3A_7 : i32
    scf.if %cond3A_8 {
      %get3A_14 = arith.constant 0 : index
      %get3A_15 = arith.constant 0 : index
      %get3A_16 = vector.load %arg3[%get3A_14, %get3A_15] : memref<2048x16xf32, #tpu.memory_space<vmem>>, vector<2048x16xf32>
      %convert_element_type3A_17 = arith.truncf %get3A_16 : vector<2048x16xf32> to vector<2048x16xbf16>
      %add3A = arith.addi %get3A_0, %get3A_2 : i32
      %gt3A = arith.constant 0 : i32
      %gt3A_18 = arith.cmpi sgt, %add3A, %gt3A : i32
      %lt3A_19 = arith.constant 256 : i32
      %lt3A_20 = arith.cmpi slt, %get3A_0, %lt3A_19 : i32
      %and3A = arith.andi %gt3A_18, %lt3A_20 : i1
      %convert_element_type3A_21 = arith.extui %and3A : i1 to i32
      %cond3A_22 = arith.constant 0 : i32
      %cond3A_23 = arith.cmpi ne, %convert_element_type3A_21, %cond3A_22 : i32
      scf.if %cond3A_23 {
        %get3A_87 = arith.constant 0 : index
        %get3A_88 = arith.constant 0 : index
        %get3A_89 = vector.load %arg2[%get3A_87, %get3A_88] : memref<2048x16xbf16, #tpu.memory_space<vmem>>, vector<256x16xbf16>
        %dot_general3A = arith.constant dense<0.000000e+00> : vector<256x2048xf32>
        %dot_general3A_90 = tpu.matmul %get3A_89, %convert_element_type3A_17, %dot_general3A {dimension_numbers = #tpu.dot_dimension_numbers<[1], [1], [0], [0], [0, 0, 1, 0], [], []>, transpose_lhs_hint = false} : vector<256x16xbf16>, vector<2048x16xbf16>, vector<256x2048xf32> -> vector<256x2048xf32>
        %reduce_max3A = arith.constant dense<0xFF800000> : vector<256xf32>
        %reduce_max3A_91 = vector.multi_reduction <maximumf>, %dot_general3A_90, %reduce_max3A [1] : vector<256x2048xf32> to vector<256xf32>
        %broadcast_in_dim3A = vector.shape_cast %reduce_max3A_91 : vector<256xf32> to vector<256x1xf32>
        %get3A_92 = arith.constant 0 : index
        %get3A_93 = arith.constant 0 : index
        %get3A_94 = vector.load %arg5[%get3A_92, %get3A_93] : memref<2048x1xf32, #tpu.memory_space<vmem>>, vector<256x1xf32>
        %max3A = arith.maximumf %get3A_94, %broadcast_in_dim3A : vector<256x1xf32>
        %get3A_95 = arith.constant 0 : index
        %get3A_96 = arith.constant 0 : index
        %get3A_97 = vector.load %arg6[%get3A_95, %get3A_96] : memref<2048x1xf32, #tpu.memory_space<vmem>>, vector<256x1xf32>
        %sub3A = arith.subf %get3A_94, %max3A : vector<256x1xf32>
        %exp3A = math.exp %sub3A : vector<256x1xf32>
        %mul3A = arith.mulf %get3A_97, %exp3A : vector<256x1xf32>
        %sub3A_98 = vector.broadcast %max3A : vector<256x1xf32> to vector<256x2048xf32>
        %sub3A_99 = arith.subf %dot_general3A_90, %sub3A_98 : vector<256x2048xf32>
        %exp3A_100 = math.exp %sub3A_99 : vector<256x2048xf32>
        %reduce_sum3A = arith.constant dense<0.000000e+00> : vector<256xf32>
        %reduce_sum3A_101 = vector.multi_reduction <add>, %exp3A_100, %reduce_sum3A [1] : vector<256x2048xf32> to vector<256xf32>
        %broadcast_in_dim3A_102 = vector.shape_cast %reduce_sum3A_101 : vector<256xf32> to vector<256x1xf32>
        %add3A_103 = arith.addf %mul3A, %broadcast_in_dim3A_102 : vector<256x1xf32>
        %swap3A = arith.constant 0 : index
        %swap3A_104 = arith.constant 0 : index
        %swap3A_105 = vector.load %arg6[%swap3A, %swap3A_104] : memref<2048x1xf32, #tpu.memory_space<vmem>>, vector<256x1xf32>
        tpu.vector_store %arg6[%swap3A, %swap3A_104], %add3A_103 {strides = array<i32>} : memref<2048x1xf32, #tpu.memory_space<vmem>>, vector<256x1xf32>,
        %swap3A_106 = arith.constant 0 : index
        %swap3A_107 = arith.constant 0 : index
        %swap3A_108 = vector.load %arg5[%swap3A_106, %swap3A_107] : memref<2048x1xf32, #tpu.memory_space<vmem>>, vector<256x1xf32>
        tpu.vector_store %arg5[%swap3A_106, %swap3A_107], %max3A {strides = array<i32>} : memref<2048x1xf32, #tpu.memory_space<vmem>>, vector<256x1xf32>,
      } else {
      }
      %add3A_24 = arith.addi %get3A_0, %get3A_2 : i32
      %gt3A_25 = arith.constant 256 : i32
      %gt3A_26 = arith.cmpi sgt, %add3A_24, %gt3A_25 : i32
      %lt3A_27 = arith.constant 512 : i32
      %lt3A_28 = arith.cmpi slt, %get3A_0, %lt3A_27 : i32
      %and3A_29 = arith.andi %gt3A_26, %lt3A_28 : i1
      %convert_element_type3A_30 = arith.extui %and3A_29 : i1 to i32
      %cond3A_31 = arith.constant 0 : i32
      %cond3A_32 = arith.cmpi ne, %convert_element_type3A_30, %cond3A_31 : i32
      scf.if %cond3A_32 {
        %get3A_87 = arith.constant 256 : index
        %get3A_88 = arith.constant 0 : index
        %get3A_89 = vector.load %arg2[%get3A_87, %get3A_88] : memref<2048x16xbf16, #tpu.memory_space<vmem>>, vector<256x16xbf16>
        %dot_general3A = arith.constant dense<0.000000e+00> : vector<256x2048xf32>
        %dot_general3A_90 = tpu.matmul %get3A_89, %convert_element_type3A_17, %dot_general3A {dimension_numbers = #tpu.dot_dimension_numbers<[1], [1], [0], [0], [0, 0, 1, 0], [], []>, transpose_lhs_hint = false} : vector<256x16xbf16>, vector<2048x16xbf16>, vector<256x2048xf32> -> vector<256x2048xf32>
        %reduce_max3A = arith.constant dense<0xFF800000> : vector<256xf32>
        %reduce_max3A_91 = vector.multi_reduction <maximumf>, %dot_general3A_90, %reduce_max3A [1] : vector<256x2048xf32> to vector<256xf32>
        %broadcast_in_dim3A = vector.shape_cast %reduce_max3A_91 : vector<256xf32> to vector<256x1xf32>
        %get3A_92 = arith.constant 256 : index
        %get3A_93 = arith.constant 0 : index
        %get3A_94 = vector.load %arg5[%get3A_92, %get3A_93] : memref<2048x1xf32, #tpu.memory_space<vmem>>, vector<256x1xf32>
        %max3A = arith.maximumf %get3A_94, %broadcast_in_dim3A : vector<256x1xf32>
        %get3A_95 = arith.constant 256 : index
        %get3A_96 = arith.constant 0 : index
        %get3A_97 = vector.load %arg6[%get3A_95, %get3A_96] : memref<2048x1xf32, #tpu.memory_space<vmem>>, vector<256x1xf32>
        %sub3A = arith.subf %get3A_94, %max3A : vector<256x1xf32>
        %exp3A = math.exp %sub3A : vector<256x1xf32>
        %mul3A = arith.mulf %get3A_97, %exp3A : vector<256x1xf32>
        %sub3A_98 = vector.broadcast %max3A : vector<256x1xf32> to vector<256x2048xf32>
        %sub3A_99 = arith.subf %dot_general3A_90, %sub3A_98 : vector<256x2048xf32>
        %exp3A_100 = math.exp %sub3A_99 : vector<256x2048xf32>
        %reduce_sum3A = arith.constant dense<0.000000e+00> : vector<256xf32>
        %reduce_sum3A_101 = vector.multi_reduction <add>, %exp3A_100, %reduce_sum3A [1] : vector<256x2048xf32> to vector<256xf32>
        %broadcast_in_dim3A_102 = vector.shape_cast %reduce_sum3A_101 : vector<256xf32> to vector<256x1xf32>
        %add3A_103 = arith.addf %mul3A, %broadcast_in_dim3A_102 : vector<256x1xf32>
        %swap3A = arith.constant 256 : index
        %swap3A_104 = arith.constant 0 : index
        %swap3A_105 = vector.load %arg6[%swap3A, %swap3A_104] : memref<2048x1xf32, #tpu.memory_space<vmem>>, vector<256x1xf32>
        tpu.vector_store %arg6[%swap3A, %swap3A_104], %add3A_103 {strides = array<i32>} : memref<2048x1xf32, #tpu.memory_space<vmem>>, vector<256x1xf32>,
        %swap3A_106 = arith.constant 256 : index
        %swap3A_107 = arith.constant 0 : index
        %swap3A_108 = vector.load %arg5[%swap3A_106, %swap3A_107] : memref<2048x1xf32, #tpu.memory_space<vmem>>, vector<256x1xf32>
        tpu.vector_store %arg5[%swap3A_106, %swap3A_107], %max3A {strides = array<i32>} : memref<2048x1xf32, #tpu.memory_space<vmem>>, vector<256x1xf32>,
      } else {
      }
      %add3A_33 = arith.addi %get3A_0, %get3A_2 : i32
      %gt3A_34 = arith.constant 512 : i32
      %gt3A_35 = arith.cmpi sgt, %add3A_33, %gt3A_34 : i32
      %lt3A_36 = arith.constant 768 : i32
      %lt3A_37 = arith.cmpi slt, %get3A_0, %lt3A_36 : i32
      %and3A_38 = arith.andi %gt3A_35, %lt3A_37 : i1
      %convert_element_type3A_39 = arith.extui %and3A_38 : i1 to i32
      %cond3A_40 = arith.constant 0 : i32
      %cond3A_41 = arith.cmpi ne, %convert_element_type3A_39, %cond3A_40 : i32
      scf.if %cond3A_41 {
        %get3A_87 = arith.constant 512 : index
        %get3A_88 = arith.constant 0 : index
        %get3A_89 = vector.load %arg2[%get3A_87, %get3A_88] : memref<2048x16xbf16, #tpu.memory_space<vmem>>, vector<256x16xbf16>
        %dot_general3A = arith.constant dense<0.000000e+00> : vector<256x2048xf32>
        %dot_general3A_90 = tpu.matmul %get3A_89, %convert_element_type3A_17, %dot_general3A {dimension_numbers = #tpu.dot_dimension_numbers<[1], [1], [0], [0], [0, 0, 1, 0], [], []>, transpose_lhs_hint = false} : vector<256x16xbf16>, vector<2048x16xbf16>, vector<256x2048xf32> -> vector<256x2048xf32>
        %reduce_max3A = arith.constant dense<0xFF800000> : vector<256xf32>
        %reduce_max3A_91 = vector.multi_reduction <maximumf>, %dot_general3A_90, %reduce_max3A [1] : vector<256x2048xf32> to vector<256xf32>
        %broadcast_in_dim3A = vector.shape_cast %reduce_max3A_91 : vector<256xf32> to vector<256x1xf32>
        %get3A_92 = arith.constant 512 : index
        %get3A_93 = arith.constant 0 : index
        %get3A_94 = vector.load %arg5[%get3A_92, %get3A_93] : memref<2048x1xf32, #tpu.memory_space<vmem>>, vector<256x1xf32>
        %max3A = arith.maximumf %get3A_94, %broadcast_in_dim3A : vector<256x1xf32>
        %get3A_95 = arith.constant 512 : index
        %get3A_96 = arith.constant 0 : index
        %get3A_97 = vector.load %arg6[%get3A_95, %get3A_96] : memref<2048x1xf32, #tpu.memory_space<vmem>>, vector<256x1xf32>
        %sub3A = arith.subf %get3A_94, %max3A : vector<256x1xf32>
        %exp3A = math.exp %sub3A : vector<256x1xf32>
        %mul3A = arith.mulf %get3A_97, %exp3A : vector<256x1xf32>
        %sub3A_98 = vector.broadcast %max3A : vector<256x1xf32> to vector<256x2048xf32>
        %sub3A_99 = arith.subf %dot_general3A_90, %sub3A_98 : vector<256x2048xf32>
        %exp3A_100 = math.exp %sub3A_99 : vector<256x2048xf32>
        %reduce_sum3A = arith.constant dense<0.000000e+00> : vector<256xf32>
        %reduce_sum3A_101 = vector.multi_reduction <add>, %exp3A_100, %reduce_sum3A [1] : vector<256x2048xf32> to vector<256xf32>
        %broadcast_in_dim3A_102 = vector.shape_cast %reduce_sum3A_101 : vector<256xf32> to vector<256x1xf32>
        %add3A_103 = arith.addf %mul3A, %broadcast_in_dim3A_102 : vector<256x1xf32>
        %swap3A = arith.constant 512 : index
        %swap3A_104 = arith.constant 0 : index
        %swap3A_105 = vector.load %arg6[%swap3A, %swap3A_104] : memref<2048x1xf32, #tpu.memory_space<vmem>>, vector<256x1xf32>
        tpu.vector_store %arg6[%swap3A, %swap3A_104], %add3A_103 {strides = array<i32>} : memref<2048x1xf32, #tpu.memory_space<vmem>>, vector<256x1xf32>,
        %swap3A_106 = arith.constant 512 : index
        %swap3A_107 = arith.constant 0 : index
        %swap3A_108 = vector.load %arg5[%swap3A_106, %swap3A_107] : memref<2048x1xf32, #tpu.memory_space<vmem>>, vector<256x1xf32>
        tpu.vector_store %arg5[%swap3A_106, %swap3A_107], %max3A {strides = array<i32>} : memref<2048x1xf32, #tpu.memory_space<vmem>>, vector<256x1xf32>,
      } else {
      }
      %add3A_42 = arith.addi %get3A_0, %get3A_2 : i32
      %gt3A_43 = arith.constant 768 : i32
      %gt3A_44 = arith.cmpi sgt, %add3A_42, %gt3A_43 : i32
      %lt3A_45 = arith.constant 1024 : i32
      %lt3A_46 = arith.cmpi slt, %get3A_0, %lt3A_45 : i32
      %and3A_47 = arith.andi %gt3A_44, %lt3A_46 : i1
      %convert_element_type3A_48 = arith.extui %and3A_47 : i1 to i32
      %cond3A_49 = arith.constant 0 : i32
      %cond3A_50 = arith.cmpi ne, %convert_element_type3A_48, %cond3A_49 : i32
      scf.if %cond3A_50 {
        %get3A_87 = arith.constant 768 : index
        %get3A_88 = arith.constant 0 : index
        %get3A_89 = vector.load %arg2[%get3A_87, %get3A_88] : memref<2048x16xbf16, #tpu.memory_space<vmem>>, vector<256x16xbf16>
        %dot_general3A = arith.constant dense<0.000000e+00> : vector<256x2048xf32>
        %dot_general3A_90 = tpu.matmul %get3A_89, %convert_element_type3A_17, %dot_general3A {dimension_numbers = #tpu.dot_dimension_numbers<[1], [1], [0], [0], [0, 0, 1, 0], [], []>, transpose_lhs_hint = false} : vector<256x16xbf16>, vector<2048x16xbf16>, vector<256x2048xf32> -> vector<256x2048xf32>
        %reduce_max3A = arith.constant dense<0xFF800000> : vector<256xf32>
        %reduce_max3A_91 = vector.multi_reduction <maximumf>, %dot_general3A_90, %reduce_max3A [1] : vector<256x2048xf32> to vector<256xf32>
        %broadcast_in_dim3A = vector.shape_cast %reduce_max3A_91 : vector<256xf32> to vector<256x1xf32>
        %get3A_92 = arith.constant 768 : index
        %get3A_93 = arith.constant 0 : index
        %get3A_94 = vector.load %arg5[%get3A_92, %get3A_93] : memref<2048x1xf32, #tpu.memory_space<vmem>>, vector<256x1xf32>
        %max3A = arith.maximumf %get3A_94, %broadcast_in_dim3A : vector<256x1xf32>
        %get3A_95 = arith.constant 768 : index
        %get3A_96 = arith.constant 0 : index
        %get3A_97 = vector.load %arg6[%get3A_95, %get3A_96] : memref<2048x1xf32, #tpu.memory_space<vmem>>, vector<256x1xf32>
        %sub3A = arith.subf %get3A_94, %max3A : vector<256x1xf32>
        %exp3A = math.exp %sub3A : vector<256x1xf32>
        %mul3A = arith.mulf %get3A_97, %exp3A : vector<256x1xf32>
        %sub3A_98 = vector.broadcast %max3A : vector<256x1xf32> to vector<256x2048xf32>
        %sub3A_99 = arith.subf %dot_general3A_90, %sub3A_98 : vector<256x2048xf32>
        %exp3A_100 = math.exp %sub3A_99 : vector<256x2048xf32>
        %reduce_sum3A = arith.constant dense<0.000000e+00> : vector<256xf32>
        %reduce_sum3A_101 = vector.multi_reduction <add>, %exp3A_100, %reduce_sum3A [1] : vector<256x2048xf32> to vector<256xf32>
        %broadcast_in_dim3A_102 = vector.shape_cast %reduce_sum3A_101 : vector<256xf32> to vector<256x1xf32>
        %add3A_103 = arith.addf %mul3A, %broadcast_in_dim3A_102 : vector<256x1xf32>
        %swap3A = arith.constant 768 : index
        %swap3A_104 = arith.constant 0 : index
        %swap3A_105 = vector.load %arg6[%swap3A, %swap3A_104] : memref<2048x1xf32, #tpu.memory_space<vmem>>, vector<256x1xf32>
        tpu.vector_store %arg6[%swap3A, %swap3A_104], %add3A_103 {strides = array<i32>} : memref<2048x1xf32, #tpu.memory_space<vmem>>, vector<256x1xf32>,
        %swap3A_106 = arith.constant 768 : index
        %swap3A_107 = arith.constant 0 : index
        %swap3A_108 = vector.load %arg5[%swap3A_106, %swap3A_107] : memref<2048x1xf32, #tpu.memory_space<vmem>>, vector<256x1xf32>
        tpu.vector_store %arg5[%swap3A_106, %swap3A_107], %max3A {strides = array<i32>} : memref<2048x1xf32, #tpu.memory_space<vmem>>, vector<256x1xf32>,
      } else {
      }
      %add3A_51 = arith.addi %get3A_0, %get3A_2 : i32
      %gt3A_52 = arith.constant 1024 : i32
      %gt3A_53 = arith.cmpi sgt, %add3A_51, %gt3A_52 : i32
      %lt3A_54 = arith.constant 1280 : i32
      %lt3A_55 = arith.cmpi slt, %get3A_0, %lt3A_54 : i32
      %and3A_56 = arith.andi %gt3A_53, %lt3A_55 : i1
      %convert_element_type3A_57 = arith.extui %and3A_56 : i1 to i32
      %cond3A_58 = arith.constant 0 : i32
      %cond3A_59 = arith.cmpi ne, %convert_element_type3A_57, %cond3A_58 : i32
      scf.if %cond3A_59 {
        %get3A_87 = arith.constant 1024 : index
        %get3A_88 = arith.constant 0 : index
        %get3A_89 = vector.load %arg2[%get3A_87, %get3A_88] : memref<2048x16xbf16, #tpu.memory_space<vmem>>, vector<256x16xbf16>
        %dot_general3A = arith.constant dense<0.000000e+00> : vector<256x2048xf32>
        %dot_general3A_90 = tpu.matmul %get3A_89, %convert_element_type3A_17, %dot_general3A {dimension_numbers = #tpu.dot_dimension_numbers<[1], [1], [0], [0], [0, 0, 1, 0], [], []>, transpose_lhs_hint = false} : vector<256x16xbf16>, vector<2048x16xbf16>, vector<256x2048xf32> -> vector<256x2048xf32>
        %reduce_max3A = arith.constant dense<0xFF800000> : vector<256xf32>
        %reduce_max3A_91 = vector.multi_reduction <maximumf>, %dot_general3A_90, %reduce_max3A [1] : vector<256x2048xf32> to vector<256xf32>
        %broadcast_in_dim3A = vector.shape_cast %reduce_max3A_91 : vector<256xf32> to vector<256x1xf32>
        %get3A_92 = arith.constant 1024 : index
        %get3A_93 = arith.constant 0 : index
        %get3A_94 = vector.load %arg5[%get3A_92, %get3A_93] : memref<2048x1xf32, #tpu.memory_space<vmem>>, vector<256x1xf32>
        %max3A = arith.maximumf %get3A_94, %broadcast_in_dim3A : vector<256x1xf32>
        %get3A_95 = arith.constant 1024 : index
        %get3A_96 = arith.constant 0 : index
        %get3A_97 = vector.load %arg6[%get3A_95, %get3A_96] : memref<2048x1xf32, #tpu.memory_space<vmem>>, vector<256x1xf32>
        %sub3A = arith.subf %get3A_94, %max3A : vector<256x1xf32>
        %exp3A = math.exp %sub3A : vector<256x1xf32>
        %mul3A = arith.mulf %get3A_97, %exp3A : vector<256x1xf32>
        %sub3A_98 = vector.broadcast %max3A : vector<256x1xf32> to vector<256x2048xf32>
        %sub3A_99 = arith.subf %dot_general3A_90, %sub3A_98 : vector<256x2048xf32>
        %exp3A_100 = math.exp %sub3A_99 : vector<256x2048xf32>
        %reduce_sum3A = arith.constant dense<0.000000e+00> : vector<256xf32>
        %reduce_sum3A_101 = vector.multi_reduction <add>, %exp3A_100, %reduce_sum3A [1] : vector<256x2048xf32> to vector<256xf32>
        %broadcast_in_dim3A_102 = vector.shape_cast %reduce_sum3A_101 : vector<256xf32> to vector<256x1xf32>
        %add3A_103 = arith.addf %mul3A, %broadcast_in_dim3A_102 : vector<256x1xf32>
        %swap3A = arith.constant 1024 : index
        %swap3A_104 = arith.constant 0 : index
        %swap3A_105 = vector.load %arg6[%swap3A, %swap3A_104] : memref<2048x1xf32, #tpu.memory_space<vmem>>, vector<256x1xf32>
        tpu.vector_store %arg6[%swap3A, %swap3A_104], %add3A_103 {strides = array<i32>} : memref<2048x1xf32, #tpu.memory_space<vmem>>, vector<256x1xf32>,
        %swap3A_106 = arith.constant 1024 : index
        %swap3A_107 = arith.constant 0 : index
        %swap3A_108 = vector.load %arg5[%swap3A_106, %swap3A_107] : memref<2048x1xf32, #tpu.memory_space<vmem>>, vector<256x1xf32>
        tpu.vector_store %arg5[%swap3A_106, %swap3A_107], %max3A {strides = array<i32>} : memref<2048x1xf32, #tpu.memory_space<vmem>>, vector<256x1xf32>,
      } else {
      }
      %add3A_60 = arith.addi %get3A_0, %get3A_2 : i32
      %gt3A_61 = arith.constant 1280 : i32
      %gt3A_62 = arith.cmpi sgt, %add3A_60, %gt3A_61 : i32
      %lt3A_63 = arith.constant 1536 : i32
      %lt3A_64 = arith.cmpi slt, %get3A_0, %lt3A_63 : i32
      %and3A_65 = arith.andi %gt3A_62, %lt3A_64 : i1
      %convert_element_type3A_66 = arith.extui %and3A_65 : i1 to i32
      %cond3A_67 = arith.constant 0 : i32
      %cond3A_68 = arith.cmpi ne, %convert_element_type3A_66, %cond3A_67 : i32
      scf.if %cond3A_68 {
        %get3A_87 = arith.constant 1280 : index
        %get3A_88 = arith.constant 0 : index
        %get3A_89 = vector.load %arg2[%get3A_87, %get3A_88] : memref<2048x16xbf16, #tpu.memory_space<vmem>>, vector<256x16xbf16>
        %dot_general3A = arith.constant dense<0.000000e+00> : vector<256x2048xf32>
        %dot_general3A_90 = tpu.matmul %get3A_89, %convert_element_type3A_17, %dot_general3A {dimension_numbers = #tpu.dot_dimension_numbers<[1], [1], [0], [0], [0, 0, 1, 0], [], []>, transpose_lhs_hint = false} : vector<256x16xbf16>, vector<2048x16xbf16>, vector<256x2048xf32> -> vector<256x2048xf32>
        %reduce_max3A = arith.constant dense<0xFF800000> : vector<256xf32>
        %reduce_max3A_91 = vector.multi_reduction <maximumf>, %dot_general3A_90, %reduce_max3A [1] : vector<256x2048xf32> to vector<256xf32>
        %broadcast_in_dim3A = vector.shape_cast %reduce_max3A_91 : vector<256xf32> to vector<256x1xf32>
        %get3A_92 = arith.constant 1280 : index
        %get3A_93 = arith.constant 0 : index
        %get3A_94 = vector.load %arg5[%get3A_92, %get3A_93] : memref<2048x1xf32, #tpu.memory_space<vmem>>, vector<256x1xf32>
        %max3A = arith.maximumf %get3A_94, %broadcast_in_dim3A : vector<256x1xf32>
        %get3A_95 = arith.constant 1280 : index
        %get3A_96 = arith.constant 0 : index
        %get3A_97 = vector.load %arg6[%get3A_95, %get3A_96] : memref<2048x1xf32, #tpu.memory_space<vmem>>, vector<256x1xf32>
        %sub3A = arith.subf %get3A_94, %max3A : vector<256x1xf32>
        %exp3A = math.exp %sub3A : vector<256x1xf32>
        %mul3A = arith.mulf %get3A_97, %exp3A : vector<256x1xf32>
        %sub3A_98 = vector.broadcast %max3A : vector<256x1xf32> to vector<256x2048xf32>
        %sub3A_99 = arith.subf %dot_general3A_90, %sub3A_98 : vector<256x2048xf32>
        %exp3A_100 = math.exp %sub3A_99 : vector<256x2048xf32>
        %reduce_sum3A = arith.constant dense<0.000000e+00> : vector<256xf32>
        %reduce_sum3A_101 = vector.multi_reduction <add>, %exp3A_100, %reduce_sum3A [1] : vector<256x2048xf32> to vector<256xf32>
        %broadcast_in_dim3A_102 = vector.shape_cast %reduce_sum3A_101 : vector<256xf32> to vector<256x1xf32>
        %add3A_103 = arith.addf %mul3A, %broadcast_in_dim3A_102 : vector<256x1xf32>
        %swap3A = arith.constant 1280 : index
        %swap3A_104 = arith.constant 0 : index
        %swap3A_105 = vector.load %arg6[%swap3A, %swap3A_104] : memref<2048x1xf32, #tpu.memory_space<vmem>>, vector<256x1xf32>
        tpu.vector_store %arg6[%swap3A, %swap3A_104], %add3A_103 {strides = array<i32>} : memref<2048x1xf32, #tpu.memory_space<vmem>>, vector<256x1xf32>,
        %swap3A_106 = arith.constant 1280 : index
        %swap3A_107 = arith.constant 0 : index
        %swap3A_108 = vector.load %arg5[%swap3A_106, %swap3A_107] : memref<2048x1xf32, #tpu.memory_space<vmem>>, vector<256x1xf32>
        tpu.vector_store %arg5[%swap3A_106, %swap3A_107], %max3A {strides = array<i32>} : memref<2048x1xf32, #tpu.memory_space<vmem>>, vector<256x1xf32>,
      } else {
      }
      %add3A_69 = arith.addi %get3A_0, %get3A_2 : i32
      %gt3A_70 = arith.constant 1536 : i32
      %gt3A_71 = arith.cmpi sgt, %add3A_69, %gt3A_70 : i32
      %lt3A_72 = arith.constant 1792 : i32
      %lt3A_73 = arith.cmpi slt, %get3A_0, %lt3A_72 : i32
      %and3A_74 = arith.andi %gt3A_71, %lt3A_73 : i1
      %convert_element_type3A_75 = arith.extui %and3A_74 : i1 to i32
      %cond3A_76 = arith.constant 0 : i32
      %cond3A_77 = arith.cmpi ne, %convert_element_type3A_75, %cond3A_76 : i32
      scf.if %cond3A_77 {
        %get3A_87 = arith.constant 1536 : index
        %get3A_88 = arith.constant 0 : index
        %get3A_89 = vector.load %arg2[%get3A_87, %get3A_88] : memref<2048x16xbf16, #tpu.memory_space<vmem>>, vector<256x16xbf16>
        %dot_general3A = arith.constant dense<0.000000e+00> : vector<256x2048xf32>
        %dot_general3A_90 = tpu.matmul %get3A_89, %convert_element_type3A_17, %dot_general3A {dimension_numbers = #tpu.dot_dimension_numbers<[1], [1], [0], [0], [0, 0, 1, 0], [], []>, transpose_lhs_hint = false} : vector<256x16xbf16>, vector<2048x16xbf16>, vector<256x2048xf32> -> vector<256x2048xf32>
        %reduce_max3A = arith.constant dense<0xFF800000> : vector<256xf32>
        %reduce_max3A_91 = vector.multi_reduction <maximumf>, %dot_general3A_90, %reduce_max3A [1] : vector<256x2048xf32> to vector<256xf32>
        %broadcast_in_dim3A = vector.shape_cast %reduce_max3A_91 : vector<256xf32> to vector<256x1xf32>
        %get3A_92 = arith.constant 1536 : index
        %get3A_93 = arith.constant 0 : index
        %get3A_94 = vector.load %arg5[%get3A_92, %get3A_93] : memref<2048x1xf32, #tpu.memory_space<vmem>>, vector<256x1xf32>
        %max3A = arith.maximumf %get3A_94, %broadcast_in_dim3A : vector<256x1xf32>
        %get3A_95 = arith.constant 1536 : index
        %get3A_96 = arith.constant 0 : index
        %get3A_97 = vector.load %arg6[%get3A_95, %get3A_96] : memref<2048x1xf32, #tpu.memory_space<vmem>>, vector<256x1xf32>
        %sub3A = arith.subf %get3A_94, %max3A : vector<256x1xf32>
        %exp3A = math.exp %sub3A : vector<256x1xf32>
        %mul3A = arith.mulf %get3A_97, %exp3A : vector<256x1xf32>
        %sub3A_98 = vector.broadcast %max3A : vector<256x1xf32> to vector<256x2048xf32>
        %sub3A_99 = arith.subf %dot_general3A_90, %sub3A_98 : vector<256x2048xf32>
        %exp3A_100 = math.exp %sub3A_99 : vector<256x2048xf32>
        %reduce_sum3A = arith.constant dense<0.000000e+00> : vector<256xf32>
        %reduce_sum3A_101 = vector.multi_reduction <add>, %exp3A_100, %reduce_sum3A [1] : vector<256x2048xf32> to vector<256xf32>
        %broadcast_in_dim3A_102 = vector.shape_cast %reduce_sum3A_101 : vector<256xf32> to vector<256x1xf32>
        %add3A_103 = arith.addf %mul3A, %broadcast_in_dim3A_102 : vector<256x1xf32>
        %swap3A = arith.constant 1536 : index
        %swap3A_104 = arith.constant 0 : index
        %swap3A_105 = vector.load %arg6[%swap3A, %swap3A_104] : memref<2048x1xf32, #tpu.memory_space<vmem>>, vector<256x1xf32>
        tpu.vector_store %arg6[%swap3A, %swap3A_104], %add3A_103 {strides = array<i32>} : memref<2048x1xf32, #tpu.memory_space<vmem>>, vector<256x1xf32>,
        %swap3A_106 = arith.constant 1536 : index
        %swap3A_107 = arith.constant 0 : index
        %swap3A_108 = vector.load %arg5[%swap3A_106, %swap3A_107] : memref<2048x1xf32, #tpu.memory_space<vmem>>, vector<256x1xf32>
        tpu.vector_store %arg5[%swap3A_106, %swap3A_107], %max3A {strides = array<i32>} : memref<2048x1xf32, #tpu.memory_space<vmem>>, vector<256x1xf32>,
      } else {
      }
      %add3A_78 = arith.addi %get3A_0, %get3A_2 : i32
      %gt3A_79 = arith.constant 1792 : i32
      %gt3A_80 = arith.cmpi sgt, %add3A_78, %gt3A_79 : i32
      %lt3A_81 = arith.constant 2048 : i32
      %lt3A_82 = arith.cmpi slt, %get3A_0, %lt3A_81 : i32
      %and3A_83 = arith.andi %gt3A_80, %lt3A_82 : i1
      %convert_element_type3A_84 = arith.extui %and3A_83 : i1 to i32
      %cond3A_85 = arith.constant 0 : i32
      %cond3A_86 = arith.cmpi ne, %convert_element_type3A_84, %cond3A_85 : i32
      scf.if %cond3A_86 {
        %get3A_87 = arith.constant 1792 : index
        %get3A_88 = arith.constant 0 : index
        %get3A_89 = vector.load %arg2[%get3A_87, %get3A_88] : memref<2048x16xbf16, #tpu.memory_space<vmem>>, vector<256x16xbf16>
        %dot_general3A = arith.constant dense<0.000000e+00> : vector<256x2048xf32>
        %dot_general3A_90 = tpu.matmul %get3A_89, %convert_element_type3A_17, %dot_general3A {dimension_numbers = #tpu.dot_dimension_numbers<[1], [1], [0], [0], [0, 0, 1, 0], [], []>, transpose_lhs_hint = false} : vector<256x16xbf16>, vector<2048x16xbf16>, vector<256x2048xf32> -> vector<256x2048xf32>
        %reduce_max3A = arith.constant dense<0xFF800000> : vector<256xf32>
        %reduce_max3A_91 = vector.multi_reduction <maximumf>, %dot_general3A_90, %reduce_max3A [1] : vector<256x2048xf32> to vector<256xf32>
        %broadcast_in_dim3A = vector.shape_cast %reduce_max3A_91 : vector<256xf32> to vector<256x1xf32>
        %get3A_92 = arith.constant 1792 : index
        %get3A_93 = arith.constant 0 : index
        %get3A_94 = vector.load %arg5[%get3A_92, %get3A_93] : memref<2048x1xf32, #tpu.memory_space<vmem>>, vector<256x1xf32>
        %max3A = arith.maximumf %get3A_94, %broadcast_in_dim3A : vector<256x1xf32>
        %get3A_95 = arith.constant 1792 : index
        %get3A_96 = arith.constant 0 : index
        %get3A_97 = vector.load %arg6[%get3A_95, %get3A_96] : memref<2048x1xf32, #tpu.memory_space<vmem>>, vector<256x1xf32>
        %sub3A = arith.subf %get3A_94, %max3A : vector<256x1xf32>
        %exp3A = math.exp %sub3A : vector<256x1xf32>
        %mul3A = arith.mulf %get3A_97, %exp3A : vector<256x1xf32>
        %sub3A_98 = vector.broadcast %max3A : vector<256x1xf32> to vector<256x2048xf32>
        %sub3A_99 = arith.subf %dot_general3A_90, %sub3A_98 : vector<256x2048xf32>
        %exp3A_100 = math.exp %sub3A_99 : vector<256x2048xf32>
        %reduce_sum3A = arith.constant dense<0.000000e+00> : vector<256xf32>
        %reduce_sum3A_101 = vector.multi_reduction <add>, %exp3A_100, %reduce_sum3A [1] : vector<256x2048xf32> to vector<256xf32>
        %broadcast_in_dim3A_102 = vector.shape_cast %reduce_sum3A_101 : vector<256xf32> to vector<256x1xf32>
        %add3A_103 = arith.addf %mul3A, %broadcast_in_dim3A_102 : vector<256x1xf32>
        %swap3A = arith.constant 1792 : index
        %swap3A_104 = arith.constant 0 : index
        %swap3A_105 = vector.load %arg6[%swap3A, %swap3A_104] : memref<2048x1xf32, #tpu.memory_space<vmem>>, vector<256x1xf32>
        tpu.vector_store %arg6[%swap3A, %swap3A_104], %add3A_103 {strides = array<i32>} : memref<2048x1xf32, #tpu.memory_space<vmem>>, vector<256x1xf32>,
        %swap3A_106 = arith.constant 1792 : index
        %swap3A_107 = arith.constant 0 : index
        %swap3A_108 = vector.load %arg5[%swap3A_106, %swap3A_107] : memref<2048x1xf32, #tpu.memory_space<vmem>>, vector<256x1xf32>
        tpu.vector_store %arg5[%swap3A_106, %swap3A_107], %max3A {strides = array<i32>} : memref<2048x1xf32, #tpu.memory_space<vmem>>, vector<256x1xf32>,
      } else {
      }
    } else {
    }
    %eq3A_9 = arith.constant 24 : i32
    %eq3A_10 = arith.cmpi eq, %arg0, %eq3A_9 : i32
    %convert_element_type3A_11 = arith.extui %eq3A_10 : i1 to i32
    %cond3A_12 = arith.constant 0 : i32
    %cond3A_13 = arith.cmpi ne, %convert_element_type3A_11, %cond3A_12 : i32
    scf.if %cond3A_13 {
      %get3A_14 = arith.constant 0 : index
      %get3A_15 = arith.constant 0 : index
      %get3A_16 = vector.load %arg3[%get3A_14, %get3A_15] : memref<2048x16xf32, #tpu.memory_space<vmem>>, vector<2048x16xf32>
      %convert_element_type3A_17 = arith.truncf %get3A_16 : vector<2048x16xf32> to vector<2048x16xbf16>
      %add3A = arith.addi %get3A_0, %get3A_2 : i32
      %gt3A = arith.constant 0 : i32
      %gt3A_18 = arith.cmpi sgt, %add3A, %gt3A : i32
      %lt3A_19 = arith.constant 256 : i32
      %lt3A_20 = arith.cmpi slt, %get3A_0, %lt3A_19 : i32
      %and3A = arith.andi %gt3A_18, %lt3A_20 : i1
      %convert_element_type3A_21 = arith.extui %and3A : i1 to i32
      %cond3A_22 = arith.constant 0 : i32
      %cond3A_23 = arith.cmpi ne, %convert_element_type3A_21, %cond3A_22 : i32
      scf.if %cond3A_23 {
        %get3A_101 = arith.constant 0 : index
        %get3A_102 = arith.constant 0 : index
        %get3A_103 = vector.load %arg2[%get3A_101, %get3A_102] : memref<2048x16xbf16, #tpu.memory_space<vmem>>, vector<256x16xbf16>
        %dot_general3A = arith.constant dense<0.000000e+00> : vector<256x2048xf32>
        %dot_general3A_104 = tpu.matmul %get3A_103, %convert_element_type3A_17, %dot_general3A {dimension_numbers = #tpu.dot_dimension_numbers<[1], [1], [0], [0], [0, 0, 1, 0], [], []>, transpose_lhs_hint = false} : vector<256x16xbf16>, vector<2048x16xbf16>, vector<256x2048xf32> -> vector<256x2048xf32>
        %mul3A = arith.constant 2048 : i32
        %mul3A_105 = arith.muli %arg0, %mul3A : i32
        %iota3A_106 = tpu.iota {dimensions = array<i32: 1>} : vector<256x2048xi32>
        %add3A_107 = vector.broadcast %mul3A_105 : i32 to vector<256x2048xi32>
        %add3A_108 = arith.addi %add3A_107, %iota3A_106 : vector<256x2048xi32>
        %lt3A_109 = arith.constant 50000 : i32
        %lt3A_110 = vector.broadcast %lt3A_109 : i32 to vector<256x2048xi32>
        %lt3A_111 = arith.cmpi slt, %add3A_108, %lt3A_110 : vector<256x2048xi32>
        %jit3A_112 = arith.constant 0xFF800000 : f32
        %broadcast_in_dim3A_113 = vector.broadcast %jit3A_112 : f32 to vector<256x2048xf32>
        %select_n3A_114 = arith.select %lt3A_111, %dot_general3A_104, %broadcast_in_dim3A_113 : vector<256x2048xi1>, vector<256x2048xf32>
        %reduce_max3A = arith.constant dense<0xFF800000> : vector<256xf32>
        %reduce_max3A_115 = vector.multi_reduction <maximumf>, %select_n3A_114, %reduce_max3A [1] : vector<256x2048xf32> to vector<256xf32>
        %broadcast_in_dim3A_116 = vector.shape_cast %reduce_max3A_115 : vector<256xf32> to vector<256x1xf32>
        %get3A_117 = arith.constant 0 : index
        %get3A_118 = arith.constant 0 : index
        %get3A_119 = vector.load %arg5[%get3A_117, %get3A_118] : memref<2048x1xf32, #tpu.memory_space<vmem>>, vector<256x1xf32>
        %max3A = arith.maximumf %get3A_119, %broadcast_in_dim3A_116 : vector<256x1xf32>
        %get3A_120 = arith.constant 0 : index
        %get3A_121 = arith.constant 0 : index
        %get3A_122 = vector.load %arg6[%get3A_120, %get3A_121] : memref<2048x1xf32, #tpu.memory_space<vmem>>, vector<256x1xf32>
        %sub3A = arith.subf %get3A_119, %max3A : vector<256x1xf32>
        %exp3A = math.exp %sub3A : vector<256x1xf32>
        %mul3A_123 = arith.mulf %get3A_122, %exp3A : vector<256x1xf32>
        %sub3A_124 = vector.broadcast %max3A : vector<256x1xf32> to vector<256x2048xf32>
        %sub3A_125 = arith.subf %select_n3A_114, %sub3A_124 : vector<256x2048xf32>
        %exp3A_126 = math.exp %sub3A_125 : vector<256x2048xf32>
        %reduce_sum3A = arith.constant dense<0.000000e+00> : vector<256xf32>
        %reduce_sum3A_127 = vector.multi_reduction <add>, %exp3A_126, %reduce_sum3A [1] : vector<256x2048xf32> to vector<256xf32>
        %broadcast_in_dim3A_128 = vector.shape_cast %reduce_sum3A_127 : vector<256xf32> to vector<256x1xf32>
        %add3A_129 = arith.addf %mul3A_123, %broadcast_in_dim3A_128 : vector<256x1xf32>
        %swap3A_130 = arith.constant 0 : index
        %swap3A_131 = arith.constant 0 : index
        %swap3A_132 = vector.load %arg6[%swap3A_130, %swap3A_131] : memref<2048x1xf32, #tpu.memory_space<vmem>>, vector<256x1xf32>
        tpu.vector_store %arg6[%swap3A_130, %swap3A_131], %add3A_129 {strides = array<i32>} : memref<2048x1xf32, #tpu.memory_space<vmem>>, vector<256x1xf32>,
        %swap3A_133 = arith.constant 0 : index
        %swap3A_134 = arith.constant 0 : index
        %swap3A_135 = vector.load %arg5[%swap3A_133, %swap3A_134] : memref<2048x1xf32, #tpu.memory_space<vmem>>, vector<256x1xf32>
        tpu.vector_store %arg5[%swap3A_133, %swap3A_134], %max3A {strides = array<i32>} : memref<2048x1xf32, #tpu.memory_space<vmem>>, vector<256x1xf32>,
      } else {
      }
      %add3A_24 = arith.addi %get3A_0, %get3A_2 : i32
      %gt3A_25 = arith.constant 256 : i32
      %gt3A_26 = arith.cmpi sgt, %add3A_24, %gt3A_25 : i32
      %lt3A_27 = arith.constant 512 : i32
      %lt3A_28 = arith.cmpi slt, %get3A_0, %lt3A_27 : i32
      %and3A_29 = arith.andi %gt3A_26, %lt3A_28 : i1
      %convert_element_type3A_30 = arith.extui %and3A_29 : i1 to i32
      %cond3A_31 = arith.constant 0 : i32
      %cond3A_32 = arith.cmpi ne, %convert_element_type3A_30, %cond3A_31 : i32
      scf.if %cond3A_32 {
        %get3A_101 = arith.constant 256 : index
        %get3A_102 = arith.constant 0 : index
        %get3A_103 = vector.load %arg2[%get3A_101, %get3A_102] : memref<2048x16xbf16, #tpu.memory_space<vmem>>, vector<256x16xbf16>
        %dot_general3A = arith.constant dense<0.000000e+00> : vector<256x2048xf32>
        %dot_general3A_104 = tpu.matmul %get3A_103, %convert_element_type3A_17, %dot_general3A {dimension_numbers = #tpu.dot_dimension_numbers<[1], [1], [0], [0], [0, 0, 1, 0], [], []>, transpose_lhs_hint = false} : vector<256x16xbf16>, vector<2048x16xbf16>, vector<256x2048xf32> -> vector<256x2048xf32>
        %mul3A = arith.constant 2048 : i32
        %mul3A_105 = arith.muli %arg0, %mul3A : i32
        %iota3A_106 = tpu.iota {dimensions = array<i32: 1>} : vector<256x2048xi32>
        %add3A_107 = vector.broadcast %mul3A_105 : i32 to vector<256x2048xi32>
        %add3A_108 = arith.addi %add3A_107, %iota3A_106 : vector<256x2048xi32>
        %lt3A_109 = arith.constant 50000 : i32
        %lt3A_110 = vector.broadcast %lt3A_109 : i32 to vector<256x2048xi32>
        %lt3A_111 = arith.cmpi slt, %add3A_108, %lt3A_110 : vector<256x2048xi32>
        %jit3A_112 = arith.constant 0xFF800000 : f32
        %broadcast_in_dim3A_113 = vector.broadcast %jit3A_112 : f32 to vector<256x2048xf32>
        %select_n3A_114 = arith.select %lt3A_111, %dot_general3A_104, %broadcast_in_dim3A_113 : vector<256x2048xi1>, vector<256x2048xf32>
        %reduce_max3A = arith.constant dense<0xFF800000> : vector<256xf32>
        %reduce_max3A_115 = vector.multi_reduction <maximumf>, %select_n3A_114, %reduce_max3A [1] : vector<256x2048xf32> to vector<256xf32>
        %broadcast_in_dim3A_116 = vector.shape_cast %reduce_max3A_115 : vector<256xf32> to vector<256x1xf32>
        %get3A_117 = arith.constant 256 : index
        %get3A_118 = arith.constant 0 : index
        %get3A_119 = vector.load %arg5[%get3A_117, %get3A_118] : memref<2048x1xf32, #tpu.memory_space<vmem>>, vector<256x1xf32>
        %max3A = arith.maximumf %get3A_119, %broadcast_in_dim3A_116 : vector<256x1xf32>
        %get3A_120 = arith.constant 256 : index
        %get3A_121 = arith.constant 0 : index
        %get3A_122 = vector.load %arg6[%get3A_120, %get3A_121] : memref<2048x1xf32, #tpu.memory_space<vmem>>, vector<256x1xf32>
        %sub3A = arith.subf %get3A_119, %max3A : vector<256x1xf32>
        %exp3A = math.exp %sub3A : vector<256x1xf32>
        %mul3A_123 = arith.mulf %get3A_122, %exp3A : vector<256x1xf32>
        %sub3A_124 = vector.broadcast %max3A : vector<256x1xf32> to vector<256x2048xf32>
        %sub3A_125 = arith.subf %select_n3A_114, %sub3A_124 : vector<256x2048xf32>
        %exp3A_126 = math.exp %sub3A_125 : vector<256x2048xf32>
        %reduce_sum3A = arith.constant dense<0.000000e+00> : vector<256xf32>
        %reduce_sum3A_127 = vector.multi_reduction <add>, %exp3A_126, %reduce_sum3A [1] : vector<256x2048xf32> to vector<256xf32>
        %broadcast_in_dim3A_128 = vector.shape_cast %reduce_sum3A_127 : vector<256xf32> to vector<256x1xf32>
        %add3A_129 = arith.addf %mul3A_123, %broadcast_in_dim3A_128 : vector<256x1xf32>
        %swap3A_130 = arith.constant 256 : index
        %swap3A_131 = arith.constant 0 : index
        %swap3A_132 = vector.load %arg6[%swap3A_130, %swap3A_131] : memref<2048x1xf32, #tpu.memory_space<vmem>>, vector<256x1xf32>
        tpu.vector_store %arg6[%swap3A_130, %swap3A_131], %add3A_129 {strides = array<i32>} : memref<2048x1xf32, #tpu.memory_space<vmem>>, vector<256x1xf32>,
        %swap3A_133 = arith.constant 256 : index
        %swap3A_134 = arith.constant 0 : index
        %swap3A_135 = vector.load %arg5[%swap3A_133, %swap3A_134] : memref<2048x1xf32, #tpu.memory_space<vmem>>, vector<256x1xf32>
        tpu.vector_store %arg5[%swap3A_133, %swap3A_134], %max3A {strides = array<i32>} : memref<2048x1xf32, #tpu.memory_space<vmem>>, vector<256x1xf32>,
      } else {
      }
      %add3A_33 = arith.addi %get3A_0, %get3A_2 : i32
      %gt3A_34 = arith.constant 512 : i32
      %gt3A_35 = arith.cmpi sgt, %add3A_33, %gt3A_34 : i32
      %lt3A_36 = arith.constant 768 : i32
      %lt3A_37 = arith.cmpi slt, %get3A_0, %lt3A_36 : i32
      %and3A_38 = arith.andi %gt3A_35, %lt3A_37 : i1
      %convert_element_type3A_39 = arith.extui %and3A_38 : i1 to i32
      %cond3A_40 = arith.constant 0 : i32
      %cond3A_41 = arith.cmpi ne, %convert_element_type3A_39, %cond3A_40 : i32
      scf.if %cond3A_41 {
        %get3A_101 = arith.constant 512 : index
        %get3A_102 = arith.constant 0 : index
        %get3A_103 = vector.load %arg2[%get3A_101, %get3A_102] : memref<2048x16xbf16, #tpu.memory_space<vmem>>, vector<256x16xbf16>
        %dot_general3A = arith.constant dense<0.000000e+00> : vector<256x2048xf32>
        %dot_general3A_104 = tpu.matmul %get3A_103, %convert_element_type3A_17, %dot_general3A {dimension_numbers = #tpu.dot_dimension_numbers<[1], [1], [0], [0], [0, 0, 1, 0], [], []>, transpose_lhs_hint = false} : vector<256x16xbf16>, vector<2048x16xbf16>, vector<256x2048xf32> -> vector<256x2048xf32>
        %mul3A = arith.constant 2048 : i32
        %mul3A_105 = arith.muli %arg0, %mul3A : i32
        %iota3A_106 = tpu.iota {dimensions = array<i32: 1>} : vector<256x2048xi32>
        %add3A_107 = vector.broadcast %mul3A_105 : i32 to vector<256x2048xi32>
        %add3A_108 = arith.addi %add3A_107, %iota3A_106 : vector<256x2048xi32>
        %lt3A_109 = arith.constant 50000 : i32
        %lt3A_110 = vector.broadcast %lt3A_109 : i32 to vector<256x2048xi32>
        %lt3A_111 = arith.cmpi slt, %add3A_108, %lt3A_110 : vector<256x2048xi32>
        %jit3A_112 = arith.constant 0xFF800000 : f32
        %broadcast_in_dim3A_113 = vector.broadcast %jit3A_112 : f32 to vector<256x2048xf32>
        %select_n3A_114 = arith.select %lt3A_111, %dot_general3A_104, %broadcast_in_dim3A_113 : vector<256x2048xi1>, vector<256x2048xf32>
        %reduce_max3A = arith.constant dense<0xFF800000> : vector<256xf32>
        %reduce_max3A_115 = vector.multi_reduction <maximumf>, %select_n3A_114, %reduce_max3A [1] : vector<256x2048xf32> to vector<256xf32>
        %broadcast_in_dim3A_116 = vector.shape_cast %reduce_max3A_115 : vector<256xf32> to vector<256x1xf32>
        %get3A_117 = arith.constant 512 : index
        %get3A_118 = arith.constant 0 : index
        %get3A_119 = vector.load %arg5[%get3A_117, %get3A_118] : memref<2048x1xf32, #tpu.memory_space<vmem>>, vector<256x1xf32>
        %max3A = arith.maximumf %get3A_119, %broadcast_in_dim3A_116 : vector<256x1xf32>
        %get3A_120 = arith.constant 512 : index
        %get3A_121 = arith.constant 0 : index
        %get3A_122 = vector.load %arg6[%get3A_120, %get3A_121] : memref<2048x1xf32, #tpu.memory_space<vmem>>, vector<256x1xf32>
        %sub3A = arith.subf %get3A_119, %max3A : vector<256x1xf32>
        %exp3A = math.exp %sub3A : vector<256x1xf32>
        %mul3A_123 = arith.mulf %get3A_122, %exp3A : vector<256x1xf32>
        %sub3A_124 = vector.broadcast %max3A : vector<256x1xf32> to vector<256x2048xf32>
        %sub3A_125 = arith.subf %select_n3A_114, %sub3A_124 : vector<256x2048xf32>
        %exp3A_126 = math.exp %sub3A_125 : vector<256x2048xf32>
        %reduce_sum3A = arith.constant dense<0.000000e+00> : vector<256xf32>
        %reduce_sum3A_127 = vector.multi_reduction <add>, %exp3A_126, %reduce_sum3A [1] : vector<256x2048xf32> to vector<256xf32>
        %broadcast_in_dim3A_128 = vector.shape_cast %reduce_sum3A_127 : vector<256xf32> to vector<256x1xf32>
        %add3A_129 = arith.addf %mul3A_123, %broadcast_in_dim3A_128 : vector<256x1xf32>
        %swap3A_130 = arith.constant 512 : index
        %swap3A_131 = arith.constant 0 : index
        %swap3A_132 = vector.load %arg6[%swap3A_130, %swap3A_131] : memref<2048x1xf32, #tpu.memory_space<vmem>>, vector<256x1xf32>
        tpu.vector_store %arg6[%swap3A_130, %swap3A_131], %add3A_129 {strides = array<i32>} : memref<2048x1xf32, #tpu.memory_space<vmem>>, vector<256x1xf32>,
        %swap3A_133 = arith.constant 512 : index
        %swap3A_134 = arith.constant 0 : index
        %swap3A_135 = vector.load %arg5[%swap3A_133, %swap3A_134] : memref<2048x1xf32, #tpu.memory_space<vmem>>, vector<256x1xf32>
        tpu.vector_store %arg5[%swap3A_133, %swap3A_134], %max3A {strides = array<i32>} : memref<2048x1xf32, #tpu.memory_space<vmem>>, vector<256x1xf32>,
      } else {
      }
      %add3A_42 = arith.addi %get3A_0, %get3A_2 : i32
      %gt3A_43 = arith.constant 768 : i32
      %gt3A_44 = arith.cmpi sgt, %add3A_42, %gt3A_43 : i32
      %lt3A_45 = arith.constant 1024 : i32
      %lt3A_46 = arith.cmpi slt, %get3A_0, %lt3A_45 : i32
      %and3A_47 = arith.andi %gt3A_44, %lt3A_46 : i1
      %convert_element_type3A_48 = arith.extui %and3A_47 : i1 to i32
      %cond3A_49 = arith.constant 0 : i32
      %cond3A_50 = arith.cmpi ne, %convert_element_type3A_48, %cond3A_49 : i32
      scf.if %cond3A_50 {
        %get3A_101 = arith.constant 768 : index
        %get3A_102 = arith.constant 0 : index
        %get3A_103 = vector.load %arg2[%get3A_101, %get3A_102] : memref<2048x16xbf16, #tpu.memory_space<vmem>>, vector<256x16xbf16>
        %dot_general3A = arith.constant dense<0.000000e+00> : vector<256x2048xf32>
        %dot_general3A_104 = tpu.matmul %get3A_103, %convert_element_type3A_17, %dot_general3A {dimension_numbers = #tpu.dot_dimension_numbers<[1], [1], [0], [0], [0, 0, 1, 0], [], []>, transpose_lhs_hint = false} : vector<256x16xbf16>, vector<2048x16xbf16>, vector<256x2048xf32> -> vector<256x2048xf32>
        %mul3A = arith.constant 2048 : i32
        %mul3A_105 = arith.muli %arg0, %mul3A : i32
        %iota3A_106 = tpu.iota {dimensions = array<i32: 1>} : vector<256x2048xi32>
        %add3A_107 = vector.broadcast %mul3A_105 : i32 to vector<256x2048xi32>
        %add3A_108 = arith.addi %add3A_107, %iota3A_106 : vector<256x2048xi32>
        %lt3A_109 = arith.constant 50000 : i32
        %lt3A_110 = vector.broadcast %lt3A_109 : i32 to vector<256x2048xi32>
        %lt3A_111 = arith.cmpi slt, %add3A_108, %lt3A_110 : vector<256x2048xi32>
        %jit3A_112 = arith.constant 0xFF800000 : f32
        %broadcast_in_dim3A_113 = vector.broadcast %jit3A_112 : f32 to vector<256x2048xf32>
        %select_n3A_114 = arith.select %lt3A_111, %dot_general3A_104, %broadcast_in_dim3A_113 : vector<256x2048xi1>, vector<256x2048xf32>
        %reduce_max3A = arith.constant dense<0xFF800000> : vector<256xf32>
        %reduce_max3A_115 = vector.multi_reduction <maximumf>, %select_n3A_114, %reduce_max3A [1] : vector<256x2048xf32> to vector<256xf32>
        %broadcast_in_dim3A_116 = vector.shape_cast %reduce_max3A_115 : vector<256xf32> to vector<256x1xf32>
        %get3A_117 = arith.constant 768 : index
        %get3A_118 = arith.constant 0 : index
        %get3A_119 = vector.load %arg5[%get3A_117, %get3A_118] : memref<2048x1xf32, #tpu.memory_space<vmem>>, vector<256x1xf32>
        %max3A = arith.maximumf %get3A_119, %broadcast_in_dim3A_116 : vector<256x1xf32>
        %get3A_120 = arith.constant 768 : index
        %get3A_121 = arith.constant 0 : index
        %get3A_122 = vector.load %arg6[%get3A_120, %get3A_121] : memref<2048x1xf32, #tpu.memory_space<vmem>>, vector<256x1xf32>
        %sub3A = arith.subf %get3A_119, %max3A : vector<256x1xf32>
        %exp3A = math.exp %sub3A : vector<256x1xf32>
        %mul3A_123 = arith.mulf %get3A_122, %exp3A : vector<256x1xf32>
        %sub3A_124 = vector.broadcast %max3A : vector<256x1xf32> to vector<256x2048xf32>
        %sub3A_125 = arith.subf %select_n3A_114, %sub3A_124 : vector<256x2048xf32>
        %exp3A_126 = math.exp %sub3A_125 : vector<256x2048xf32>
        %reduce_sum3A = arith.constant dense<0.000000e+00> : vector<256xf32>
        %reduce_sum3A_127 = vector.multi_reduction <add>, %exp3A_126, %reduce_sum3A [1] : vector<256x2048xf32> to vector<256xf32>
        %broadcast_in_dim3A_128 = vector.shape_cast %reduce_sum3A_127 : vector<256xf32> to vector<256x1xf32>
        %add3A_129 = arith.addf %mul3A_123, %broadcast_in_dim3A_128 : vector<256x1xf32>
        %swap3A_130 = arith.constant 768 : index
        %swap3A_131 = arith.constant 0 : index
        %swap3A_132 = vector.load %arg6[%swap3A_130, %swap3A_131] : memref<2048x1xf32, #tpu.memory_space<vmem>>, vector<256x1xf32>
        tpu.vector_store %arg6[%swap3A_130, %swap3A_131], %add3A_129 {strides = array<i32>} : memref<2048x1xf32, #tpu.memory_space<vmem>>, vector<256x1xf32>,
        %swap3A_133 = arith.constant 768 : index
        %swap3A_134 = arith.constant 0 : index
        %swap3A_135 = vector.load %arg5[%swap3A_133, %swap3A_134] : memref<2048x1xf32, #tpu.memory_space<vmem>>, vector<256x1xf32>
        tpu.vector_store %arg5[%swap3A_133, %swap3A_134], %max3A {strides = array<i32>} : memref<2048x1xf32, #tpu.memory_space<vmem>>, vector<256x1xf32>,
      } else {
      }
      %add3A_51 = arith.addi %get3A_0, %get3A_2 : i32
      %gt3A_52 = arith.constant 1024 : i32
      %gt3A_53 = arith.cmpi sgt, %add3A_51, %gt3A_52 : i32
      %lt3A_54 = arith.constant 1280 : i32
      %lt3A_55 = arith.cmpi slt, %get3A_0, %lt3A_54 : i32
      %and3A_56 = arith.andi %gt3A_53, %lt3A_55 : i1
      %convert_element_type3A_57 = arith.extui %and3A_56 : i1 to i32
      %cond3A_58 = arith.constant 0 : i32
      %cond3A_59 = arith.cmpi ne, %convert_element_type3A_57, %cond3A_58 : i32
      scf.if %cond3A_59 {
        %get3A_101 = arith.constant 1024 : index
        %get3A_102 = arith.constant 0 : index
        %get3A_103 = vector.load %arg2[%get3A_101, %get3A_102] : memref<2048x16xbf16, #tpu.memory_space<vmem>>, vector<256x16xbf16>
        %dot_general3A = arith.constant dense<0.000000e+00> : vector<256x2048xf32>
        %dot_general3A_104 = tpu.matmul %get3A_103, %convert_element_type3A_17, %dot_general3A {dimension_numbers = #tpu.dot_dimension_numbers<[1], [1], [0], [0], [0, 0, 1, 0], [], []>, transpose_lhs_hint = false} : vector<256x16xbf16>, vector<2048x16xbf16>, vector<256x2048xf32> -> vector<256x2048xf32>
        %mul3A = arith.constant 2048 : i32
        %mul3A_105 = arith.muli %arg0, %mul3A : i32
        %iota3A_106 = tpu.iota {dimensions = array<i32: 1>} : vector<256x2048xi32>
        %add3A_107 = vector.broadcast %mul3A_105 : i32 to vector<256x2048xi32>
        %add3A_108 = arith.addi %add3A_107, %iota3A_106 : vector<256x2048xi32>
        %lt3A_109 = arith.constant 50000 : i32
        %lt3A_110 = vector.broadcast %lt3A_109 : i32 to vector<256x2048xi32>
        %lt3A_111 = arith.cmpi slt, %add3A_108, %lt3A_110 : vector<256x2048xi32>
        %jit3A_112 = arith.constant 0xFF800000 : f32
        %broadcast_in_dim3A_113 = vector.broadcast %jit3A_112 : f32 to vector<256x2048xf32>
        %select_n3A_114 = arith.select %lt3A_111, %dot_general3A_104, %broadcast_in_dim3A_113 : vector<256x2048xi1>, vector<256x2048xf32>
        %reduce_max3A = arith.constant dense<0xFF800000> : vector<256xf32>
        %reduce_max3A_115 = vector.multi_reduction <maximumf>, %select_n3A_114, %reduce_max3A [1] : vector<256x2048xf32> to vector<256xf32>
        %broadcast_in_dim3A_116 = vector.shape_cast %reduce_max3A_115 : vector<256xf32> to vector<256x1xf32>
        %get3A_117 = arith.constant 1024 : index
        %get3A_118 = arith.constant 0 : index
        %get3A_119 = vector.load %arg5[%get3A_117, %get3A_118] : memref<2048x1xf32, #tpu.memory_space<vmem>>, vector<256x1xf32>
        %max3A = arith.maximumf %get3A_119, %broadcast_in_dim3A_116 : vector<256x1xf32>
        %get3A_120 = arith.constant 1024 : index
        %get3A_121 = arith.constant 0 : index
        %get3A_122 = vector.load %arg6[%get3A_120, %get3A_121] : memref<2048x1xf32, #tpu.memory_space<vmem>>, vector<256x1xf32>
        %sub3A = arith.subf %get3A_119, %max3A : vector<256x1xf32>
        %exp3A = math.exp %sub3A : vector<256x1xf32>
        %mul3A_123 = arith.mulf %get3A_122, %exp3A : vector<256x1xf32>
        %sub3A_124 = vector.broadcast %max3A : vector<256x1xf32> to vector<256x2048xf32>
        %sub3A_125 = arith.subf %select_n3A_114, %sub3A_124 : vector<256x2048xf32>
        %exp3A_126 = math.exp %sub3A_125 : vector<256x2048xf32>
        %reduce_sum3A = arith.constant dense<0.000000e+00> : vector<256xf32>
        %reduce_sum3A_127 = vector.multi_reduction <add>, %exp3A_126, %reduce_sum3A [1] : vector<256x2048xf32> to vector<256xf32>
        %broadcast_in_dim3A_128 = vector.shape_cast %reduce_sum3A_127 : vector<256xf32> to vector<256x1xf32>
        %add3A_129 = arith.addf %mul3A_123, %broadcast_in_dim3A_128 : vector<256x1xf32>
        %swap3A_130 = arith.constant 1024 : index
        %swap3A_131 = arith.constant 0 : index
        %swap3A_132 = vector.load %arg6[%swap3A_130, %swap3A_131] : memref<2048x1xf32, #tpu.memory_space<vmem>>, vector<256x1xf32>
        tpu.vector_store %arg6[%swap3A_130, %swap3A_131], %add3A_129 {strides = array<i32>} : memref<2048x1xf32, #tpu.memory_space<vmem>>, vector<256x1xf32>,
        %swap3A_133 = arith.constant 1024 : index
        %swap3A_134 = arith.constant 0 : index
        %swap3A_135 = vector.load %arg5[%swap3A_133, %swap3A_134] : memref<2048x1xf32, #tpu.memory_space<vmem>>, vector<256x1xf32>
        tpu.vector_store %arg5[%swap3A_133, %swap3A_134], %max3A {strides = array<i32>} : memref<2048x1xf32, #tpu.memory_space<vmem>>, vector<256x1xf32>,
      } else {
      }
      %add3A_60 = arith.addi %get3A_0, %get3A_2 : i32
      %gt3A_61 = arith.constant 1280 : i32
      %gt3A_62 = arith.cmpi sgt, %add3A_60, %gt3A_61 : i32
      %lt3A_63 = arith.constant 1536 : i32
      %lt3A_64 = arith.cmpi slt, %get3A_0, %lt3A_63 : i32
      %and3A_65 = arith.andi %gt3A_62, %lt3A_64 : i1
      %convert_element_type3A_66 = arith.extui %and3A_65 : i1 to i32
      %cond3A_67 = arith.constant 0 : i32
      %cond3A_68 = arith.cmpi ne, %convert_element_type3A_66, %cond3A_67 : i32
      scf.if %cond3A_68 {
        %get3A_101 = arith.constant 1280 : index
        %get3A_102 = arith.constant 0 : index
        %get3A_103 = vector.load %arg2[%get3A_101, %get3A_102] : memref<2048x16xbf16, #tpu.memory_space<vmem>>, vector<256x16xbf16>
        %dot_general3A = arith.constant dense<0.000000e+00> : vector<256x2048xf32>
        %dot_general3A_104 = tpu.matmul %get3A_103, %convert_element_type3A_17, %dot_general3A {dimension_numbers = #tpu.dot_dimension_numbers<[1], [1], [0], [0], [0, 0, 1, 0], [], []>, transpose_lhs_hint = false} : vector<256x16xbf16>, vector<2048x16xbf16>, vector<256x2048xf32> -> vector<256x2048xf32>
        %mul3A = arith.constant 2048 : i32
        %mul3A_105 = arith.muli %arg0, %mul3A : i32
        %iota3A_106 = tpu.iota {dimensions = array<i32: 1>} : vector<256x2048xi32>
        %add3A_107 = vector.broadcast %mul3A_105 : i32 to vector<256x2048xi32>
        %add3A_108 = arith.addi %add3A_107, %iota3A_106 : vector<256x2048xi32>
        %lt3A_109 = arith.constant 50000 : i32
        %lt3A_110 = vector.broadcast %lt3A_109 : i32 to vector<256x2048xi32>
        %lt3A_111 = arith.cmpi slt, %add3A_108, %lt3A_110 : vector<256x2048xi32>
        %jit3A_112 = arith.constant 0xFF800000 : f32
        %broadcast_in_dim3A_113 = vector.broadcast %jit3A_112 : f32 to vector<256x2048xf32>
        %select_n3A_114 = arith.select %lt3A_111, %dot_general3A_104, %broadcast_in_dim3A_113 : vector<256x2048xi1>, vector<256x2048xf32>
        %reduce_max3A = arith.constant dense<0xFF800000> : vector<256xf32>
        %reduce_max3A_115 = vector.multi_reduction <maximumf>, %select_n3A_114, %reduce_max3A [1] : vector<256x2048xf32> to vector<256xf32>
        %broadcast_in_dim3A_116 = vector.shape_cast %reduce_max3A_115 : vector<256xf32> to vector<256x1xf32>
        %get3A_117 = arith.constant 1280 : index
        %get3A_118 = arith.constant 0 : index
        %get3A_119 = vector.load %arg5[%get3A_117, %get3A_118] : memref<2048x1xf32, #tpu.memory_space<vmem>>, vector<256x1xf32>
        %max3A = arith.maximumf %get3A_119, %broadcast_in_dim3A_116 : vector<256x1xf32>
        %get3A_120 = arith.constant 1280 : index
        %get3A_121 = arith.constant 0 : index
        %get3A_122 = vector.load %arg6[%get3A_120, %get3A_121] : memref<2048x1xf32, #tpu.memory_space<vmem>>, vector<256x1xf32>
        %sub3A = arith.subf %get3A_119, %max3A : vector<256x1xf32>
        %exp3A = math.exp %sub3A : vector<256x1xf32>
        %mul3A_123 = arith.mulf %get3A_122, %exp3A : vector<256x1xf32>
        %sub3A_124 = vector.broadcast %max3A : vector<256x1xf32> to vector<256x2048xf32>
        %sub3A_125 = arith.subf %select_n3A_114, %sub3A_124 : vector<256x2048xf32>
        %exp3A_126 = math.exp %sub3A_125 : vector<256x2048xf32>
        %reduce_sum3A = arith.constant dense<0.000000e+00> : vector<256xf32>
        %reduce_sum3A_127 = vector.multi_reduction <add>, %exp3A_126, %reduce_sum3A [1] : vector<256x2048xf32> to vector<256xf32>
        %broadcast_in_dim3A_128 = vector.shape_cast %reduce_sum3A_127 : vector<256xf32> to vector<256x1xf32>
        %add3A_129 = arith.addf %mul3A_123, %broadcast_in_dim3A_128 : vector<256x1xf32>
        %swap3A_130 = arith.constant 1280 : index
        %swap3A_131 = arith.constant 0 : index
        %swap3A_132 = vector.load %arg6[%swap3A_130, %swap3A_131] : memref<2048x1xf32, #tpu.memory_space<vmem>>, vector<256x1xf32>
        tpu.vector_store %arg6[%swap3A_130, %swap3A_131], %add3A_129 {strides = array<i32>} : memref<2048x1xf32, #tpu.memory_space<vmem>>, vector<256x1xf32>,
        %swap3A_133 = arith.constant 1280 : index
        %swap3A_134 = arith.constant 0 : index
        %swap3A_135 = vector.load %arg5[%swap3A_133, %swap3A_134] : memref<2048x1xf32, #tpu.memory_space<vmem>>, vector<256x1xf32>
        tpu.vector_store %arg5[%swap3A_133, %swap3A_134], %max3A {strides = array<i32>} : memref<2048x1xf32, #tpu.memory_space<vmem>>, vector<256x1xf32>,
      } else {
      }
      %add3A_69 = arith.addi %get3A_0, %get3A_2 : i32
      %gt3A_70 = arith.constant 1536 : i32
      %gt3A_71 = arith.cmpi sgt, %add3A_69, %gt3A_70 : i32
      %lt3A_72 = arith.constant 1792 : i32
      %lt3A_73 = arith.cmpi slt, %get3A_0, %lt3A_72 : i32
      %and3A_74 = arith.andi %gt3A_71, %lt3A_73 : i1
      %convert_element_type3A_75 = arith.extui %and3A_74 : i1 to i32
      %cond3A_76 = arith.constant 0 : i32
      %cond3A_77 = arith.cmpi ne, %convert_element_type3A_75, %cond3A_76 : i32
      scf.if %cond3A_77 {
        %get3A_101 = arith.constant 1536 : index
        %get3A_102 = arith.constant 0 : index
        %get3A_103 = vector.load %arg2[%get3A_101, %get3A_102] : memref<2048x16xbf16, #tpu.memory_space<vmem>>, vector<256x16xbf16>
        %dot_general3A = arith.constant dense<0.000000e+00> : vector<256x2048xf32>
        %dot_general3A_104 = tpu.matmul %get3A_103, %convert_element_type3A_17, %dot_general3A {dimension_numbers = #tpu.dot_dimension_numbers<[1], [1], [0], [0], [0, 0, 1, 0], [], []>, transpose_lhs_hint = false} : vector<256x16xbf16>, vector<2048x16xbf16>, vector<256x2048xf32> -> vector<256x2048xf32>
        %mul3A = arith.constant 2048 : i32
        %mul3A_105 = arith.muli %arg0, %mul3A : i32
        %iota3A_106 = tpu.iota {dimensions = array<i32: 1>} : vector<256x2048xi32>
        %add3A_107 = vector.broadcast %mul3A_105 : i32 to vector<256x2048xi32>
        %add3A_108 = arith.addi %add3A_107, %iota3A_106 : vector<256x2048xi32>
        %lt3A_109 = arith.constant 50000 : i32
        %lt3A_110 = vector.broadcast %lt3A_109 : i32 to vector<256x2048xi32>
        %lt3A_111 = arith.cmpi slt, %add3A_108, %lt3A_110 : vector<256x2048xi32>
        %jit3A_112 = arith.constant 0xFF800000 : f32
        %broadcast_in_dim3A_113 = vector.broadcast %jit3A_112 : f32 to vector<256x2048xf32>
        %select_n3A_114 = arith.select %lt3A_111, %dot_general3A_104, %broadcast_in_dim3A_113 : vector<256x2048xi1>, vector<256x2048xf32>
        %reduce_max3A = arith.constant dense<0xFF800000> : vector<256xf32>
        %reduce_max3A_115 = vector.multi_reduction <maximumf>, %select_n3A_114, %reduce_max3A [1] : vector<256x2048xf32> to vector<256xf32>
        %broadcast_in_dim3A_116 = vector.shape_cast %reduce_max3A_115 : vector<256xf32> to vector<256x1xf32>
        %get3A_117 = arith.constant 1536 : index
        %get3A_118 = arith.constant 0 : index
        %get3A_119 = vector.load %arg5[%get3A_117, %get3A_118] : memref<2048x1xf32, #tpu.memory_space<vmem>>, vector<256x1xf32>
        %max3A = arith.maximumf %get3A_119, %broadcast_in_dim3A_116 : vector<256x1xf32>
        %get3A_120 = arith.constant 1536 : index
        %get3A_121 = arith.constant 0 : index
        %get3A_122 = vector.load %arg6[%get3A_120, %get3A_121] : memref<2048x1xf32, #tpu.memory_space<vmem>>, vector<256x1xf32>
        %sub3A = arith.subf %get3A_119, %max3A : vector<256x1xf32>
        %exp3A = math.exp %sub3A : vector<256x1xf32>
        %mul3A_123 = arith.mulf %get3A_122, %exp3A : vector<256x1xf32>
        %sub3A_124 = vector.broadcast %max3A : vector<256x1xf32> to vector<256x2048xf32>
        %sub3A_125 = arith.subf %select_n3A_114, %sub3A_124 : vector<256x2048xf32>
        %exp3A_126 = math.exp %sub3A_125 : vector<256x2048xf32>
        %reduce_sum3A = arith.constant dense<0.000000e+00> : vector<256xf32>
        %reduce_sum3A_127 = vector.multi_reduction <add>, %exp3A_126, %reduce_sum3A [1] : vector<256x2048xf32> to vector<256xf32>
        %broadcast_in_dim3A_128 = vector.shape_cast %reduce_sum3A_127 : vector<256xf32> to vector<256x1xf32>
        %add3A_129 = arith.addf %mul3A_123, %broadcast_in_dim3A_128 : vector<256x1xf32>
        %swap3A_130 = arith.constant 1536 : index
        %swap3A_131 = arith.constant 0 : index
        %swap3A_132 = vector.load %arg6[%swap3A_130, %swap3A_131] : memref<2048x1xf32, #tpu.memory_space<vmem>>, vector<256x1xf32>
        tpu.vector_store %arg6[%swap3A_130, %swap3A_131], %add3A_129 {strides = array<i32>} : memref<2048x1xf32, #tpu.memory_space<vmem>>, vector<256x1xf32>,
        %swap3A_133 = arith.constant 1536 : index
        %swap3A_134 = arith.constant 0 : index
        %swap3A_135 = vector.load %arg5[%swap3A_133, %swap3A_134] : memref<2048x1xf32, #tpu.memory_space<vmem>>, vector<256x1xf32>
        tpu.vector_store %arg5[%swap3A_133, %swap3A_134], %max3A {strides = array<i32>} : memref<2048x1xf32, #tpu.memory_space<vmem>>, vector<256x1xf32>,
      } else {
      }
      %add3A_78 = arith.addi %get3A_0, %get3A_2 : i32
      %gt3A_79 = arith.constant 1792 : i32
      %gt3A_80 = arith.cmpi sgt, %add3A_78, %gt3A_79 : i32
      %lt3A_81 = arith.constant 2048 : i32
      %lt3A_82 = arith.cmpi slt, %get3A_0, %lt3A_81 : i32
      %and3A_83 = arith.andi %gt3A_80, %lt3A_82 : i1
      %convert_element_type3A_84 = arith.extui %and3A_83 : i1 to i32
      %cond3A_85 = arith.constant 0 : i32
      %cond3A_86 = arith.cmpi ne, %convert_element_type3A_84, %cond3A_85 : i32
      scf.if %cond3A_86 {
        %get3A_101 = arith.constant 1792 : index
        %get3A_102 = arith.constant 0 : index
        %get3A_103 = vector.load %arg2[%get3A_101, %get3A_102] : memref<2048x16xbf16, #tpu.memory_space<vmem>>, vector<256x16xbf16>
        %dot_general3A = arith.constant dense<0.000000e+00> : vector<256x2048xf32>
        %dot_general3A_104 = tpu.matmul %get3A_103, %convert_element_type3A_17, %dot_general3A {dimension_numbers = #tpu.dot_dimension_numbers<[1], [1], [0], [0], [0, 0, 1, 0], [], []>, transpose_lhs_hint = false} : vector<256x16xbf16>, vector<2048x16xbf16>, vector<256x2048xf32> -> vector<256x2048xf32>
        %mul3A = arith.constant 2048 : i32
        %mul3A_105 = arith.muli %arg0, %mul3A : i32
        %iota3A_106 = tpu.iota {dimensions = array<i32: 1>} : vector<256x2048xi32>
        %add3A_107 = vector.broadcast %mul3A_105 : i32 to vector<256x2048xi32>
        %add3A_108 = arith.addi %add3A_107, %iota3A_106 : vector<256x2048xi32>
        %lt3A_109 = arith.constant 50000 : i32
        %lt3A_110 = vector.broadcast %lt3A_109 : i32 to vector<256x2048xi32>
        %lt3A_111 = arith.cmpi slt, %add3A_108, %lt3A_110 : vector<256x2048xi32>
        %jit3A_112 = arith.constant 0xFF800000 : f32
        %broadcast_in_dim3A_113 = vector.broadcast %jit3A_112 : f32 to vector<256x2048xf32>
        %select_n3A_114 = arith.select %lt3A_111, %dot_general3A_104, %broadcast_in_dim3A_113 : vector<256x2048xi1>, vector<256x2048xf32>
        %reduce_max3A = arith.constant dense<0xFF800000> : vector<256xf32>
        %reduce_max3A_115 = vector.multi_reduction <maximumf>, %select_n3A_114, %reduce_max3A [1] : vector<256x2048xf32> to vector<256xf32>
        %broadcast_in_dim3A_116 = vector.shape_cast %reduce_max3A_115 : vector<256xf32> to vector<256x1xf32>
        %get3A_117 = arith.constant 1792 : index
        %get3A_118 = arith.constant 0 : index
        %get3A_119 = vector.load %arg5[%get3A_117, %get3A_118] : memref<2048x1xf32, #tpu.memory_space<vmem>>, vector<256x1xf32>
        %max3A = arith.maximumf %get3A_119, %broadcast_in_dim3A_116 : vector<256x1xf32>
        %get3A_120 = arith.constant 1792 : index
        %get3A_121 = arith.constant 0 : index
        %get3A_122 = vector.load %arg6[%get3A_120, %get3A_121] : memref<2048x1xf32, #tpu.memory_space<vmem>>, vector<256x1xf32>
        %sub3A = arith.subf %get3A_119, %max3A : vector<256x1xf32>
        %exp3A = math.exp %sub3A : vector<256x1xf32>
        %mul3A_123 = arith.mulf %get3A_122, %exp3A : vector<256x1xf32>
        %sub3A_124 = vector.broadcast %max3A : vector<256x1xf32> to vector<256x2048xf32>
        %sub3A_125 = arith.subf %select_n3A_114, %sub3A_124 : vector<256x2048xf32>
        %exp3A_126 = math.exp %sub3A_125 : vector<256x2048xf32>
        %reduce_sum3A = arith.constant dense<0.000000e+00> : vector<256xf32>
        %reduce_sum3A_127 = vector.multi_reduction <add>, %exp3A_126, %reduce_sum3A [1] : vector<256x2048xf32> to vector<256xf32>
        %broadcast_in_dim3A_128 = vector.shape_cast %reduce_sum3A_127 : vector<256xf32> to vector<256x1xf32>
        %add3A_129 = arith.addf %mul3A_123, %broadcast_in_dim3A_128 : vector<256x1xf32>
        %swap3A_130 = arith.constant 1792 : index
        %swap3A_131 = arith.constant 0 : index
        %swap3A_132 = vector.load %arg6[%swap3A_130, %swap3A_131] : memref<2048x1xf32, #tpu.memory_space<vmem>>, vector<256x1xf32>
        tpu.vector_store %arg6[%swap3A_130, %swap3A_131], %add3A_129 {strides = array<i32>} : memref<2048x1xf32, #tpu.memory_space<vmem>>, vector<256x1xf32>,
        %swap3A_133 = arith.constant 1792 : index
        %swap3A_134 = arith.constant 0 : index
        %swap3A_135 = vector.load %arg5[%swap3A_133, %swap3A_134] : memref<2048x1xf32, #tpu.memory_space<vmem>>, vector<256x1xf32>
        tpu.vector_store %arg5[%swap3A_133, %swap3A_134], %max3A {strides = array<i32>} : memref<2048x1xf32, #tpu.memory_space<vmem>>, vector<256x1xf32>,
      } else {
      }
      %iota3A = tpu.iota {dimensions = array<i32: 0>} : vector<2048x1xi32>
      %ge3A = vector.broadcast %get3A_0 : i32 to vector<2048x1xi32>
      %ge3A_87 = arith.cmpi sge, %iota3A, %ge3A : vector<2048x1xi32>
      %add3A_88 = arith.addi %get3A_0, %get3A_2 : i32
      %lt3A_89 = vector.broadcast %add3A_88 : i32 to vector<2048x1xi32>
      %lt3A_90 = arith.cmpi slt, %iota3A, %lt3A_89 : vector<2048x1xi32>
      %and3A_91 = arith.andi %ge3A_87, %lt3A_90 : vector<2048x1xi1>
      %get3A_92 = arith.constant 0 : index
      %get3A_93 = arith.constant 0 : index
      %get3A_94 = vector.load %arg5[%get3A_92, %get3A_93] : memref<2048x1xf32, #tpu.memory_space<vmem>>, vector<2048x1xf32>
      %get3A_95 = arith.constant 0 : index
      %get3A_96 = arith.constant 0 : index
      %get3A_97 = vector.load %arg6[%get3A_95, %get3A_96] : memref<2048x1xf32, #tpu.memory_space<vmem>>, vector<2048x1xf32>
      %log3A = math.log %get3A_97 : vector<2048x1xf32>
      %add3A_98 = arith.addf %get3A_94, %log3A : vector<2048x1xf32>
      %jit3A = arith.constant 0.000000e+00 : f32
      %broadcast_in_dim3A = vector.broadcast %jit3A : f32 to vector<2048x1xf32>
      %select_n3A = arith.select %and3A_91, %add3A_98, %broadcast_in_dim3A : vector<2048x1xi1>, vector<2048x1xf32>
      %swap3A = arith.constant 0 : index
      %swap3A_99 = arith.constant 0 : index
      %swap3A_100 = vector.load %arg4[%swap3A, %swap3A_99] : memref<2048x1xf32, #tpu.memory_space<vmem>>, vector<2048x1xf32>
      tpu.vector_store %arg4[%swap3A, %swap3A_99], %select_n3A {strides = array<i32>} : memref<2048x1xf32, #tpu.memory_space<vmem>>, vector<2048x1xf32>,
    } else {
    }
    return
  }
  func.func @transform_0(%arg0: i32, %arg1: memref<2xi32, #tpu.memory_space<smem>>) -> (i32, i32) {
    %c0_i32 = arith.constant 0 : i32
    %c0_i32_0 = arith.constant 0 : i32
    %c0_i32_1 = arith.constant 0 : i32
    return %c0_i32, %c0_i32_0 : i32, i32
  }
  func.func @transform_1(%arg0: i32, %arg1: memref<2xi32, #tpu.memory_space<smem>>) -> (i32, i32) {
    %c0_i32 = arith.constant 0 : i32
    %c0_i32_0 = arith.constant 0 : i32
    return %arg0, %c0_i32 : i32, i32
  }
  func.func @transform_2(%arg0: i32, %arg1: memref<2xi32, #tpu.memory_space<smem>>) -> (i32, i32) {
    %c0_i32 = arith.constant 0 : i32
    %c0_i32_0 = arith.constant 0 : i32
    %c0_i32_1 = arith.constant 0 : i32
    return %c0_i32, %c0_i32_0 : i32, i32
  }
}

module attributes {stable_mosaic.version = 14 : i64} {
  func.func @_tgt_body(%arg0: i32, %arg1: memref<6xi32, #tpu.memory_space<smem>>, %arg2: memref<2048x256xbf16, #tpu.memory_space<vmem>>, %arg3: memref<2048x64xbf16, #tpu.memory_space<vmem>>, %arg4: memref<2048x16xbf16, #tpu.memory_space<vmem>>, %arg5: memref<2048x256xf32, #tpu.memory_space<vmem>>, %arg6: memref<2048x128xf32, #tpu.memory_space<vmem>>, %arg7: memref<2048x128xf32, #tpu.memory_space<vmem>>, %arg8: memref<2048x1xi32, #tpu.memory_space<vmem>>, %arg9: memref<2048x1xi32, #tpu.memory_space<vmem>>, %arg10: memref<2048x1xf32, #tpu.memory_space<vmem>>) attributes {dimension_semantics = [#tpu.dimension_semantics<arbitrary>], iteration_bounds = array<i64: 1>, scalar_prefetch = 1 : i64, scratch_operands = 0 : i64, tpu.core_type = #tpu.core_type<tc>, window_params = [{pipeline_mode = #tpu.pipeline_mode<synchronous>, transform_indices = @transform_0, window_bounds = array<i64: 2048, 256>}, {pipeline_mode = #tpu.pipeline_mode<synchronous>, transform_indices = @transform_1, window_bounds = array<i64: 2048, 64>}, {pipeline_mode = #tpu.pipeline_mode<synchronous>, transform_indices = @transform_2, window_bounds = array<i64: 2048, 16>}, {pipeline_mode = #tpu.pipeline_mode<synchronous>, transform_indices = @transform_3, window_bounds = array<i64: 2048, 256>}, {pipeline_mode = #tpu.pipeline_mode<synchronous>, transform_indices = @transform_4, window_bounds = array<i64: 2048, 128>}, {pipeline_mode = #tpu.pipeline_mode<synchronous>, transform_indices = @transform_5, window_bounds = array<i64: 2048, 128>}, {pipeline_mode = #tpu.pipeline_mode<synchronous>, transform_indices = @transform_6, window_bounds = array<i64: 2048, 1>}, {pipeline_mode = #tpu.pipeline_mode<synchronous>, transform_indices = @transform_7, window_bounds = array<i64: 2048, 1>}, {pipeline_mode = #tpu.pipeline_mode<synchronous>, transform_indices = @transform_8, window_bounds = array<i64: 2048, 1>}]} {
    %iota3A = tpu.iota {dimensions = array<i32: 0>} : vector<2048x1xi32>
    %broadcast_in_dim3A = arith.constant 0.000000e+00 : f32
    %broadcast_in_dim3A_0 = vector.broadcast %broadcast_in_dim3A : f32 to vector<2048x1xf32>
    %get3A = arith.constant 0 : index
    %get3A_1 = arith.constant 0 : index
    %get3A_2 = vector.load %arg2[%get3A, %get3A_1] : memref<2048x256xbf16, #tpu.memory_space<vmem>>, vector<2048x256xbf16>
    %convert_element_type3A = arith.extf %get3A_2 : vector<2048x256xbf16> to vector<2048x256xf32>
    %get3A_3 = arith.constant 0 : index
    %get3A_4 = arith.constant 0 : index
    %get3A_5 = vector.load %arg5[%get3A_3, %get3A_4] : memref<2048x256xf32, #tpu.memory_space<vmem>>, vector<2048x256xf32>
    %mul3A = arith.mulf %get3A_5, %convert_element_type3A : vector<2048x256xf32>
    %reduce_sum3A = arith.constant dense<0.000000e+00> : vector<2048xf32>
    %reduce_sum3A_6 = vector.multi_reduction <add>, %mul3A, %reduce_sum3A [1] : vector<2048x256xf32> to vector<2048xf32>
    %broadcast_in_dim3A_7 = vector.shape_cast %reduce_sum3A_6 : vector<2048xf32> to vector<2048x1xf32>
    %get3A_8 = arith.constant 0 : index
    %get3A_9 = arith.constant 0 : index
    %get3A_10 = vector.load %arg3[%get3A_8, %get3A_9] : memref<2048x64xbf16, #tpu.memory_space<vmem>>, vector<2048x64xbf16>
    %convert_element_type3A_11 = arith.extf %get3A_10 : vector<2048x64xbf16> to vector<2048x64xf32>
    %concatenate3A = tpu.concatenate %convert_element_type3A_11, %convert_element_type3A_11 in 1 : vector<2048x64xf32>, vector<2048x64xf32> -> vector<2048x128xf32>
    %iota3A_12 = tpu.iota {dimensions = array<i32: 1>} : vector<2048x128xi32>
    %jit3A = arith.constant 64 : i32
    %div3A = vector.broadcast %jit3A : i32 to vector<2048x128xi32>
    %div3A_13 = arith.divsi %iota3A_12, %div3A : vector<2048x128xi32>
    %sign3A = arith.constant 0 : i32
    %sign3A_14 = vector.broadcast %sign3A : i32 to vector<2048x128xi32>
    %sign3A_15 = arith.cmpi sgt, %iota3A_12, %sign3A_14 : vector<2048x128xi32>
    %sign3A_16 = arith.extui %sign3A_15 : vector<2048x128xi1> to vector<2048x128xi32>
    %sign3A_17 = arith.constant 0 : i32
    %sign3A_18 = vector.broadcast %sign3A_17 : i32 to vector<2048x128xi32>
    %sign3A_19 = arith.cmpi slt, %iota3A_12, %sign3A_18 : vector<2048x128xi32>
    %sign3A_20 = arith.extui %sign3A_19 : vector<2048x128xi1> to vector<2048x128xi32>
    %sign3A_21 = arith.subi %sign3A_16, %sign3A_20 : vector<2048x128xi32>
    %sign3A_22 = arith.constant 0 : i32
    %sign3A_23 = arith.cmpi sgt, %jit3A, %sign3A_22 : i32
    %sign3A_24 = arith.extui %sign3A_23 : i1 to i32
    %sign3A_25 = arith.constant 0 : i32
    %sign3A_26 = arith.cmpi slt, %jit3A, %sign3A_25 : i32
    %sign3A_27 = arith.extui %sign3A_26 : i1 to i32
    %sign3A_28 = arith.subi %sign3A_24, %sign3A_27 : i32
    %ne3A = vector.broadcast %sign3A_28 : i32 to vector<2048x128xi32>
    %ne3A_29 = arith.cmpi ne, %sign3A_21, %ne3A : vector<2048x128xi32>
    %rem3A = vector.broadcast %jit3A : i32 to vector<2048x128xi32>
    %rem3A_30 = arith.remsi %iota3A_12, %rem3A : vector<2048x128xi32>
    %ne3A_31 = arith.constant 0 : i32
    %ne3A_32 = vector.broadcast %ne3A_31 : i32 to vector<2048x128xi32>
    %ne3A_33 = arith.cmpi ne, %rem3A_30, %ne3A_32 : vector<2048x128xi32>
    %and3A = arith.andi %ne3A_29, %ne3A_33 : vector<2048x128xi1>
    %sub3A = arith.constant 1 : i32
    %sub3A_34 = vector.broadcast %sub3A : i32 to vector<2048x128xi32>
    %sub3A_35 = arith.subi %div3A_13, %sub3A_34 : vector<2048x128xi32>
    %select_n3A = arith.select %and3A, %sub3A_35, %div3A_13 : vector<2048x128xi1>, vector<2048x128xi32>
    %get3A_36 = arith.constant 0 : index
    %get3A_37 = arith.constant 0 : index
    %get3A_38 = vector.load %arg8[%get3A_36, %get3A_37] : memref<2048x1xi32, #tpu.memory_space<vmem>>, vector<2048x1xi32>
    %eq3A = vector.broadcast %get3A_38 : vector<2048x1xi32> to vector<2048x128xi32>
    %eq3A_39 = arith.cmpi eq, %select_n3A, %eq3A : vector<2048x128xi32>
    %get3A_40 = arith.constant 0 : index
    %get3A_41 = arith.constant 0 : index
    %get3A_42 = vector.load %arg6[%get3A_40, %get3A_41] : memref<2048x128xf32, #tpu.memory_space<vmem>>, vector<2048x128xf32>
    %mul3A_43 = arith.mulf %get3A_42, %concatenate3A : vector<2048x128xf32>
    %jit3A_44 = arith.constant 0.000000e+00 : f32
    %broadcast_in_dim3A_45 = vector.broadcast %jit3A_44 : f32 to vector<2048x128xf32>
    %select_n3A_46 = arith.select %eq3A_39, %mul3A_43, %broadcast_in_dim3A_45 : vector<2048x128xi1>, vector<2048x128xf32>
    %reduce_sum3A_47 = arith.constant dense<0.000000e+00> : vector<2048xf32>
    %reduce_sum3A_48 = vector.multi_reduction <add>, %select_n3A_46, %reduce_sum3A_47 [1] : vector<2048x128xf32> to vector<2048xf32>
    %broadcast_in_dim3A_49 = vector.shape_cast %reduce_sum3A_48 : vector<2048xf32> to vector<2048x1xf32>
    %get3A_50 = arith.constant 0 : index
    %get3A_51 = arith.constant 0 : index
    %get3A_52 = vector.load %arg4[%get3A_50, %get3A_51] : memref<2048x16xbf16, #tpu.memory_space<vmem>>, vector<2048x16xbf16>
    %convert_element_type3A_53 = arith.extf %get3A_52 : vector<2048x16xbf16> to vector<2048x16xf32>
    %concatenate3A_54 = tpu.concatenate %convert_element_type3A_53, %convert_element_type3A_53, %convert_element_type3A_53, %convert_element_type3A_53, %convert_element_type3A_53, %convert_element_type3A_53, %convert_element_type3A_53, %convert_element_type3A_53 in 1 : vector<2048x16xf32>, vector<2048x16xf32>, vector<2048x16xf32>, vector<2048x16xf32>, vector<2048x16xf32>, vector<2048x16xf32>, vector<2048x16xf32>, vector<2048x16xf32> -> vector<2048x128xf32>
    %iota3A_55 = tpu.iota {dimensions = array<i32: 1>} : vector<2048x128xi32>
    %jit3A_56 = arith.constant 16 : i32
    %div3A_57 = vector.broadcast %jit3A_56 : i32 to vector<2048x128xi32>
    %div3A_58 = arith.divsi %iota3A_55, %div3A_57 : vector<2048x128xi32>
    %sign3A_59 = arith.constant 0 : i32
    %sign3A_60 = vector.broadcast %sign3A_59 : i32 to vector<2048x128xi32>
    %sign3A_61 = arith.cmpi sgt, %iota3A_55, %sign3A_60 : vector<2048x128xi32>
    %sign3A_62 = arith.extui %sign3A_61 : vector<2048x128xi1> to vector<2048x128xi32>
    %sign3A_63 = arith.constant 0 : i32
    %sign3A_64 = vector.broadcast %sign3A_63 : i32 to vector<2048x128xi32>
    %sign3A_65 = arith.cmpi slt, %iota3A_55, %sign3A_64 : vector<2048x128xi32>
    %sign3A_66 = arith.extui %sign3A_65 : vector<2048x128xi1> to vector<2048x128xi32>
    %sign3A_67 = arith.subi %sign3A_62, %sign3A_66 : vector<2048x128xi32>
    %sign3A_68 = arith.constant 0 : i32
    %sign3A_69 = arith.cmpi sgt, %jit3A_56, %sign3A_68 : i32
    %sign3A_70 = arith.extui %sign3A_69 : i1 to i32
    %sign3A_71 = arith.constant 0 : i32
    %sign3A_72 = arith.cmpi slt, %jit3A_56, %sign3A_71 : i32
    %sign3A_73 = arith.extui %sign3A_72 : i1 to i32
    %sign3A_74 = arith.subi %sign3A_70, %sign3A_73 : i32
    %ne3A_75 = vector.broadcast %sign3A_74 : i32 to vector<2048x128xi32>
    %ne3A_76 = arith.cmpi ne, %sign3A_67, %ne3A_75 : vector<2048x128xi32>
    %rem3A_77 = vector.broadcast %jit3A_56 : i32 to vector<2048x128xi32>
    %rem3A_78 = arith.remsi %iota3A_55, %rem3A_77 : vector<2048x128xi32>
    %ne3A_79 = arith.constant 0 : i32
    %ne3A_80 = vector.broadcast %ne3A_79 : i32 to vector<2048x128xi32>
    %ne3A_81 = arith.cmpi ne, %rem3A_78, %ne3A_80 : vector<2048x128xi32>
    %and3A_82 = arith.andi %ne3A_76, %ne3A_81 : vector<2048x128xi1>
    %sub3A_83 = arith.constant 1 : i32
    %sub3A_84 = vector.broadcast %sub3A_83 : i32 to vector<2048x128xi32>
    %sub3A_85 = arith.subi %div3A_58, %sub3A_84 : vector<2048x128xi32>
    %select_n3A_86 = arith.select %and3A_82, %sub3A_85, %div3A_58 : vector<2048x128xi1>, vector<2048x128xi32>
    %get3A_87 = arith.constant 0 : index
    %get3A_88 = arith.constant 0 : index
    %get3A_89 = vector.load %arg9[%get3A_87, %get3A_88] : memref<2048x1xi32, #tpu.memory_space<vmem>>, vector<2048x1xi32>
    %eq3A_90 = vector.broadcast %get3A_89 : vector<2048x1xi32> to vector<2048x128xi32>
    %eq3A_91 = arith.cmpi eq, %select_n3A_86, %eq3A_90 : vector<2048x128xi32>
    %get3A_92 = arith.constant 0 : index
    %get3A_93 = arith.constant 0 : index
    %get3A_94 = vector.load %arg7[%get3A_92, %get3A_93] : memref<2048x128xf32, #tpu.memory_space<vmem>>, vector<2048x128xf32>
    %mul3A_95 = arith.mulf %get3A_94, %concatenate3A_54 : vector<2048x128xf32>
    %jit3A_96 = arith.constant 0.000000e+00 : f32
    %broadcast_in_dim3A_97 = vector.broadcast %jit3A_96 : f32 to vector<2048x128xf32>
    %select_n3A_98 = arith.select %eq3A_91, %mul3A_95, %broadcast_in_dim3A_97 : vector<2048x128xi1>, vector<2048x128xf32>
    %reduce_sum3A_99 = arith.constant dense<0.000000e+00> : vector<2048xf32>
    %reduce_sum3A_100 = vector.multi_reduction <add>, %select_n3A_98, %reduce_sum3A_99 [1] : vector<2048x128xf32> to vector<2048xf32>
    %broadcast_in_dim3A_101 = vector.shape_cast %reduce_sum3A_100 : vector<2048xf32> to vector<2048x1xf32>
    %get3A_102 = arith.constant 0 : index
    %get3A_103 = memref.load %arg1[%get3A_102] : memref<6xi32, #tpu.memory_space<smem>>
    %get3A_104 = arith.constant 1 : index
    %get3A_105 = memref.load %arg1[%get3A_104] : memref<6xi32, #tpu.memory_space<smem>>
    %ge3A = vector.broadcast %get3A_103 : i32 to vector<2048x1xi32>
    %ge3A_106 = arith.cmpi sge, %iota3A, %ge3A : vector<2048x1xi32>
    %add3A = arith.addi %get3A_103, %get3A_105 : i32
    %lt3A = vector.broadcast %add3A : i32 to vector<2048x1xi32>
    %lt3A_107 = arith.cmpi slt, %iota3A, %lt3A : vector<2048x1xi32>
    %and3A_108 = arith.andi %ge3A_106, %lt3A_107 : vector<2048x1xi1>
    %jit3A_109 = arith.constant 0.000000e+00 : f32
    %broadcast_in_dim3A_110 = vector.broadcast %jit3A_109 : f32 to vector<2048x1xf32>
    %select_n3A_111 = arith.select %and3A_108, %broadcast_in_dim3A_7, %broadcast_in_dim3A_110 : vector<2048x1xi1>, vector<2048x1xf32>
    %add3A_112 = arith.addf %broadcast_in_dim3A_0, %select_n3A_111 : vector<2048x1xf32>
    %get3A_113 = arith.constant 2 : index
    %get3A_114 = memref.load %arg1[%get3A_113] : memref<6xi32, #tpu.memory_space<smem>>
    %get3A_115 = arith.constant 3 : index
    %get3A_116 = memref.load %arg1[%get3A_115] : memref<6xi32, #tpu.memory_space<smem>>
    %ge3A_117 = vector.broadcast %get3A_114 : i32 to vector<2048x1xi32>
    %ge3A_118 = arith.cmpi sge, %iota3A, %ge3A_117 : vector<2048x1xi32>
    %add3A_119 = arith.addi %get3A_114, %get3A_116 : i32
    %lt3A_120 = vector.broadcast %add3A_119 : i32 to vector<2048x1xi32>
    %lt3A_121 = arith.cmpi slt, %iota3A, %lt3A_120 : vector<2048x1xi32>
    %and3A_122 = arith.andi %ge3A_118, %lt3A_121 : vector<2048x1xi1>
    %jit3A_123 = arith.constant 0.000000e+00 : f32
    %broadcast_in_dim3A_124 = vector.broadcast %jit3A_123 : f32 to vector<2048x1xf32>
    %select_n3A_125 = arith.select %and3A_122, %broadcast_in_dim3A_49, %broadcast_in_dim3A_124 : vector<2048x1xi1>, vector<2048x1xf32>
    %add3A_126 = arith.addf %add3A_112, %select_n3A_125 : vector<2048x1xf32>
    %get3A_127 = arith.constant 4 : index
    %get3A_128 = memref.load %arg1[%get3A_127] : memref<6xi32, #tpu.memory_space<smem>>
    %get3A_129 = arith.constant 5 : index
    %get3A_130 = memref.load %arg1[%get3A_129] : memref<6xi32, #tpu.memory_space<smem>>
    %ge3A_131 = vector.broadcast %get3A_128 : i32 to vector<2048x1xi32>
    %ge3A_132 = arith.cmpi sge, %iota3A, %ge3A_131 : vector<2048x1xi32>
    %add3A_133 = arith.addi %get3A_128, %get3A_130 : i32
    %lt3A_134 = vector.broadcast %add3A_133 : i32 to vector<2048x1xi32>
    %lt3A_135 = arith.cmpi slt, %iota3A, %lt3A_134 : vector<2048x1xi32>
    %and3A_136 = arith.andi %ge3A_132, %lt3A_135 : vector<2048x1xi1>
    %jit3A_137 = arith.constant 0.000000e+00 : f32
    %broadcast_in_dim3A_138 = vector.broadcast %jit3A_137 : f32 to vector<2048x1xf32>
    %select_n3A_139 = arith.select %and3A_136, %broadcast_in_dim3A_101, %broadcast_in_dim3A_138 : vector<2048x1xi1>, vector<2048x1xf32>
    %add3A_140 = arith.addf %add3A_126, %select_n3A_139 : vector<2048x1xf32>
    %swap3A = arith.constant 0 : index
    %swap3A_141 = arith.constant 0 : index
    %swap3A_142 = vector.load %arg10[%swap3A, %swap3A_141] : memref<2048x1xf32, #tpu.memory_space<vmem>>, vector<2048x1xf32>
    tpu.vector_store %arg10[%swap3A, %swap3A_141], %add3A_140 {strides = array<i32>} : memref<2048x1xf32, #tpu.memory_space<vmem>>, vector<2048x1xf32>,
    return
  }
  func.func @transform_0(%arg0: i32, %arg1: memref<6xi32, #tpu.memory_space<smem>>) -> (i32, i32) {
    %c0_i32 = arith.constant 0 : i32
    %c0_i32_0 = arith.constant 0 : i32
    %c0_i32_1 = arith.constant 0 : i32
    return %c0_i32, %c0_i32_0 : i32, i32
  }
  func.func @transform_1(%arg0: i32, %arg1: memref<6xi32, #tpu.memory_space<smem>>) -> (i32, i32) {
    %c0_i32 = arith.constant 0 : i32
    %c0_i32_0 = arith.constant 0 : i32
    %c0_i32_1 = arith.constant 0 : i32
    return %c0_i32, %c0_i32_0 : i32, i32
  }
  func.func @transform_2(%arg0: i32, %arg1: memref<6xi32, #tpu.memory_space<smem>>) -> (i32, i32) {
    %c0_i32 = arith.constant 0 : i32
    %c0_i32_0 = arith.constant 0 : i32
    %c0_i32_1 = arith.constant 0 : i32
    return %c0_i32, %c0_i32_0 : i32, i32
  }
  func.func @transform_3(%arg0: i32, %arg1: memref<6xi32, #tpu.memory_space<smem>>) -> (i32, i32) {
    %c0_i32 = arith.constant 0 : i32
    %c0_i32_0 = arith.constant 0 : i32
    %c0_i32_1 = arith.constant 0 : i32
    return %c0_i32, %c0_i32_0 : i32, i32
  }
  func.func @transform_4(%arg0: i32, %arg1: memref<6xi32, #tpu.memory_space<smem>>) -> (i32, i32) {
    %c0_i32 = arith.constant 0 : i32
    %c0_i32_0 = arith.constant 0 : i32
    %c0_i32_1 = arith.constant 0 : i32
    return %c0_i32, %c0_i32_0 : i32, i32
  }
  func.func @transform_5(%arg0: i32, %arg1: memref<6xi32, #tpu.memory_space<smem>>) -> (i32, i32) {
    %c0_i32 = arith.constant 0 : i32
    %c0_i32_0 = arith.constant 0 : i32
    %c0_i32_1 = arith.constant 0 : i32
    return %c0_i32, %c0_i32_0 : i32, i32
  }
  func.func @transform_6(%arg0: i32, %arg1: memref<6xi32, #tpu.memory_space<smem>>) -> (i32, i32) {
    %c0_i32 = arith.constant 0 : i32
    %c0_i32_0 = arith.constant 0 : i32
    %c0_i32_1 = arith.constant 0 : i32
    return %c0_i32, %c0_i32_0 : i32, i32
  }
  func.func @transform_7(%arg0: i32, %arg1: memref<6xi32, #tpu.memory_space<smem>>) -> (i32, i32) {
    %c0_i32 = arith.constant 0 : i32
    %c0_i32_0 = arith.constant 0 : i32
    %c0_i32_1 = arith.constant 0 : i32
    return %c0_i32, %c0_i32_0 : i32, i32
  }
  func.func @transform_8(%arg0: i32, %arg1: memref<6xi32, #tpu.memory_space<smem>>) -> (i32, i32) {
    %c0_i32 = arith.constant 0 : i32
    %c0_i32_0 = arith.constant 0 : i32
    %c0_i32_1 = arith.constant 0 : i32
    return %c0_i32, %c0_i32_0 : i32, i32
  }
}

module attributes {stable_mosaic.version = 14 : i64} {
  func.func @_head_body(%arg0: i32, %arg1: memref<256x1024xf32, #tpu.memory_space<vmem>>, %arg2: memref<2003x1024xf32, #tpu.memory_space<vmem>>, %arg3: memref<256x1xi32, #tpu.memory_space<vmem>>, %arg4: memref<256x1xi32, #tpu.memory_space<vmem>>, %arg5: memref<2048x1xf32, #tpu.memory_space<vmem>>, %arg6: memref<2048x1xf32, #tpu.memory_space<vmem>>, %arg7: memref<2048x1xf32, #tpu.memory_space<vmem>>, %arg8: memref<2048x1xf32, #tpu.memory_space<vmem>>, %arg9: memref<256x1xf32, #tpu.memory_space<vmem>>, %arg10: memref<1x1xf32, #tpu.memory_space<vmem>>, %arg11: memref<1xf32, #tpu.memory_space<smem>>) attributes {dimension_semantics = [#tpu.dimension_semantics<arbitrary>], iteration_bounds = array<i64: 8>, scalar_prefetch = 0 : i64, scratch_operands = 1 : i64, tpu.core_type = #tpu.core_type<tc>, window_params = [{transform_indices = @transform_0, window_bounds = array<i64: 256, 1024>}, {pipeline_mode = #tpu.pipeline_mode<synchronous>, transform_indices = @transform_1, window_bounds = array<i64: 2003, 1024>}, {transform_indices = @transform_2, window_bounds = array<i64: 256, 1>}, {transform_indices = @transform_3, window_bounds = array<i64: 256, 1>}, {pipeline_mode = #tpu.pipeline_mode<synchronous>, transform_indices = @transform_4, window_bounds = array<i64: 2048, 1>}, {pipeline_mode = #tpu.pipeline_mode<synchronous>, transform_indices = @transform_5, window_bounds = array<i64: 2048, 1>}, {pipeline_mode = #tpu.pipeline_mode<synchronous>, transform_indices = @transform_6, window_bounds = array<i64: 2048, 1>}, {pipeline_mode = #tpu.pipeline_mode<synchronous>, transform_indices = @transform_7, window_bounds = array<i64: 2048, 1>}, {transform_indices = @transform_8, window_bounds = array<i64: 256, 1>}, {pipeline_mode = #tpu.pipeline_mode<synchronous>, transform_indices = @transform_9, window_bounds = array<i64: 1, 1>}]} {
    %get3A = arith.constant 0 : index
    %get3A_0 = arith.constant 0 : index
    %get3A_1 = vector.load %arg1[%get3A, %get3A_0] : memref<256x1024xf32, #tpu.memory_space<vmem>>, vector<256x1024xf32>
    %convert_element_type3A = arith.truncf %get3A_1 : vector<256x1024xf32> to vector<256x1024xbf16>
    %get3A_2 = arith.constant 0 : index
    %get3A_3 = arith.constant 0 : index
    %get3A_4 = vector.load %arg2[%get3A_2, %get3A_3] : memref<2003x1024xf32, #tpu.memory_space<vmem>>, vector<2003x1024xf32>
    %convert_element_type3A_5 = arith.truncf %get3A_4 : vector<2003x1024xf32> to vector<2003x1024xbf16>
    %dot_general3A = arith.constant dense<0.000000e+00> : vector<256x2003xf32>
    %dot_general3A_6 = tpu.matmul %convert_element_type3A, %convert_element_type3A_5, %dot_general3A {dimension_numbers = #tpu.dot_dimension_numbers<[1], [1], [0], [0], [0, 0, 1, 0], [], []>, transpose_lhs_hint = false} : vector<256x1024xbf16>, vector<2003x1024xbf16>, vector<256x2003xf32> -> vector<256x2003xf32>
    %iota3A = tpu.iota {dimensions = array<i32: 1>} : vector<256x2003xi32>
    %reduce_max3A = arith.constant dense<0xFF800000> : vector<256xf32>
    %reduce_max3A_7 = vector.multi_reduction <maximumf>, %dot_general3A_6, %reduce_max3A [1] : vector<256x2003xf32> to vector<256xf32>
    %broadcast_in_dim3A = vector.shape_cast %reduce_max3A_7 : vector<256xf32> to vector<256x1xf32>
    %sub3A = vector.broadcast %broadcast_in_dim3A : vector<256x1xf32> to vector<256x2003xf32>
    %sub3A_8 = arith.subf %dot_general3A_6, %sub3A : vector<256x2003xf32>
    %exp3A = math.exp %sub3A_8 : vector<256x2003xf32>
    %reduce_sum3A = arith.constant dense<0.000000e+00> : vector<256xf32>
    %reduce_sum3A_9 = vector.multi_reduction <add>, %exp3A, %reduce_sum3A [1] : vector<256x2003xf32> to vector<256xf32>
    %broadcast_in_dim3A_10 = vector.shape_cast %reduce_sum3A_9 : vector<256xf32> to vector<256x1xf32>
    %get3A_11 = arith.constant 0 : index
    %get3A_12 = arith.constant 0 : index
    %get3A_13 = vector.load %arg3[%get3A_11, %get3A_12] : memref<256x1xi32, #tpu.memory_space<vmem>>, vector<256x1xi32>
    %ge3A = arith.constant 2000 : i32
    %ge3A_14 = vector.broadcast %ge3A : i32 to vector<256x1xi32>
    %ge3A_15 = arith.cmpi sge, %get3A_13, %ge3A_14 : vector<256x1xi32>
    %convert_element_type3A_16 = arith.extui %ge3A_15 : vector<256x1xi1> to vector<256x1xi32>
    %ge3A_17 = arith.constant 10000 : i32
    %ge3A_18 = vector.broadcast %ge3A_17 : i32 to vector<256x1xi32>
    %ge3A_19 = arith.cmpi sge, %get3A_13, %ge3A_18 : vector<256x1xi32>
    %convert_element_type3A_20 = arith.extui %ge3A_19 : vector<256x1xi1> to vector<256x1xi32>
    %add3A = arith.addi %convert_element_type3A_16, %convert_element_type3A_20 : vector<256x1xi32>
    %ge3A_21 = arith.constant 50000 : i32
    %ge3A_22 = vector.broadcast %ge3A_21 : i32 to vector<256x1xi32>
    %ge3A_23 = arith.cmpi sge, %get3A_13, %ge3A_22 : vector<256x1xi32>
    %convert_element_type3A_24 = arith.extui %ge3A_23 : vector<256x1xi1> to vector<256x1xi32>
    %add3A_25 = arith.addi %add3A, %convert_element_type3A_24 : vector<256x1xi32>
    %eq3A = arith.constant 0 : i32
    %eq3A_26 = vector.broadcast %eq3A : i32 to vector<256x1xi32>
    %eq3A_27 = arith.cmpi eq, %add3A_25, %eq3A_26 : vector<256x1xi32>
    %add3A_28 = arith.constant 2000 : i32
    %add3A_29 = vector.broadcast %add3A_28 : i32 to vector<256x1xi32>
    %add3A_30 = arith.addi %add3A_29, %add3A_25 : vector<256x1xi32>
    %sub3A_31 = arith.constant 1 : i32
    %sub3A_32 = vector.broadcast %sub3A_31 : i32 to vector<256x1xi32>
    %sub3A_33 = arith.subi %add3A_30, %sub3A_32 : vector<256x1xi32>
    %select_n3A = arith.select %eq3A_27, %get3A_13, %sub3A_33 : vector<256x1xi1>, vector<256x1xi32>
    %eq3A_34 = vector.broadcast %select_n3A : vector<256x1xi32> to vector<256x2003xi32>
    %eq3A_35 = arith.cmpi eq, %iota3A, %eq3A_34 : vector<256x2003xi32>
    %jit3A = arith.constant 0.000000e+00 : f32
    %broadcast_in_dim3A_36 = vector.broadcast %jit3A : f32 to vector<256x2003xf32>
    %select_n3A_37 = arith.select %eq3A_35, %dot_general3A_6, %broadcast_in_dim3A_36 : vector<256x2003xi1>, vector<256x2003xf32>
    %reduce_sum3A_38 = arith.constant dense<0.000000e+00> : vector<256xf32>
    %reduce_sum3A_39 = vector.multi_reduction <add>, %select_n3A_37, %reduce_sum3A_38 [1] : vector<256x2003xf32> to vector<256xf32>
    %broadcast_in_dim3A_40 = vector.shape_cast %reduce_sum3A_39 : vector<256xf32> to vector<256x1xf32>
    %sub3A_41 = arith.subf %broadcast_in_dim3A_40, %broadcast_in_dim3A : vector<256x1xf32>
    %log3A = math.log %broadcast_in_dim3A_10 : vector<256x1xf32>
    %sub3A_42 = arith.subf %sub3A_41, %log3A : vector<256x1xf32>
    %get3A_43 = arith.constant 0 : index
    %get3A_44 = arith.constant 0 : index
    %get3A_45 = vector.load %arg8[%get3A_43, %get3A_44] : memref<2048x1xf32, #tpu.memory_space<vmem>>, vector<2048x1xf32>
    %get3A_46 = arith.constant 0 : index
    %get3A_47 = arith.constant 0 : index
    %get3A_48 = vector.load %arg5[%get3A_46, %get3A_47] : memref<2048x1xf32, #tpu.memory_space<vmem>>, vector<2048x1xf32>
    %get3A_49 = arith.constant 0 : index
    %get3A_50 = arith.constant 0 : index
    %get3A_51 = vector.load %arg6[%get3A_49, %get3A_50] : memref<2048x1xf32, #tpu.memory_space<vmem>>, vector<2048x1xf32>
    %add3A_52 = arith.addf %get3A_48, %get3A_51 : vector<2048x1xf32>
    %get3A_53 = arith.constant 0 : index
    %get3A_54 = arith.constant 0 : index
    %get3A_55 = vector.load %arg7[%get3A_53, %get3A_54] : memref<2048x1xf32, #tpu.memory_space<vmem>>, vector<2048x1xf32>
    %add3A_56 = arith.addf %add3A_52, %get3A_55 : vector<2048x1xf32>
    %sub3A_57 = arith.subf %get3A_45, %add3A_56 : vector<2048x1xf32>
    %iota3A_58 = tpu.iota {dimensions = array<i32: 0>} : vector<2048x256xi32>
    %get3A_59 = arith.constant 0 : index
    %get3A_60 = arith.constant 0 : index
    %get3A_61 = vector.load %arg4[%get3A_59, %get3A_60] : memref<256x1xi32, #tpu.memory_space<vmem>>, vector<256x1xi32>
    %transpose3A = tpu.transpose %get3A_61, [1, 0] : vector<256x1xi32> -> vector<1x256xi32>
    %eq3A_62 = vector.broadcast %transpose3A : vector<1x256xi32> to vector<2048x256xi32>
    %eq3A_63 = arith.cmpi eq, %eq3A_62, %iota3A_58 : vector<2048x256xi32>
    %convert_element_type3A_64 = arith.extui %eq3A_63 : vector<2048x256xi1> to vector<2048x256xi32>
    %convert_element_type3A_65 = arith.sitofp %convert_element_type3A_64 : vector<2048x256xi32> to vector<2048x256xf32>
    %dot_general3A_66 = arith.constant dense<0.000000e+00> : vector<256x1xf32>
    %dot_general3A_67 = tpu.matmul %convert_element_type3A_65, %sub3A_57, %dot_general3A_66 {dimension_numbers = #tpu.dot_dimension_numbers<[0], [0], [1], [1], [0, 1, 1, 1], [], []>, transpose_lhs_hint = false} : vector<2048x256xf32>, vector<2048x1xf32>, vector<256x1xf32> -> vector<256x1xf32>
    %add3A_68 = arith.addf %dot_general3A_67, %sub3A_42 : vector<256x1xf32>
    %swap3A = arith.constant 0 : index
    %swap3A_69 = arith.constant 0 : index
    %swap3A_70 = vector.load %arg9[%swap3A, %swap3A_69] : memref<256x1xf32, #tpu.memory_space<vmem>>, vector<256x1xf32>
    tpu.vector_store %arg9[%swap3A, %swap3A_69], %add3A_68 {strides = array<i32>} : memref<256x1xf32, #tpu.memory_space<vmem>>, vector<256x1xf32>,
    %eq3A_71 = arith.constant 0 : i32
    %eq3A_72 = arith.cmpi eq, %arg0, %eq3A_71 : i32
    %convert_element_type3A_73 = arith.extui %eq3A_72 : i1 to i32
    %cond3A = arith.constant 0 : i32
    %cond3A_74 = arith.cmpi ne, %convert_element_type3A_73, %cond3A : i32
    scf.if %cond3A_74 {
      %swap3A_93 = arith.constant 0.000000e+00 : f32
      %swap3A_94 = arith.constant 0 : index
      %swap3A_95 = memref.load %arg11[%swap3A_94] : memref<1xf32, #tpu.memory_space<smem>>
      memref.store %swap3A_93, %arg11[%swap3A_94] : memref<1xf32, #tpu.memory_space<smem>>
    } else {
    }
    %get3A_75 = arith.constant 0 : index
    %get3A_76 = memref.load %arg11[%get3A_75] : memref<1xf32, #tpu.memory_space<smem>>
    %neg3A = arith.constant 0.000000e+00 : f32
    %neg3A_77 = vector.broadcast %neg3A : f32 to vector<256x1xf32>
    %neg3A_78 = arith.subf %neg3A_77, %add3A_68 : vector<256x1xf32>
    %reduce_sum3A_79 = vector.shape_cast %neg3A_78 : vector<256x1xf32> to vector<1x256x1xf32>
    %reduce_sum3A_80 = arith.constant dense<0.000000e+00> : vector<1xf32>
    %reduce_sum3A_81 = vector.multi_reduction <add>, %reduce_sum3A_79, %reduce_sum3A_80 [1, 2] : vector<1x256x1xf32> to vector<1xf32>
    %reduce_sum3A_82 = vector.shape_cast %reduce_sum3A_81 : vector<1xf32> to vector<1x1x1xf32>
    %reduce_sum3A_83 = vector.extract %reduce_sum3A_82[0, 0, 0] : f32 from vector<1x1x1xf32>
    %div3A = arith.constant 2.048000e+03 : f32
    %div3A_84 = arith.divf %reduce_sum3A_83, %div3A : f32
    %add3A_85 = arith.addf %get3A_76, %div3A_84 : f32
    %swap3A_86 = arith.constant 0 : index
    %swap3A_87 = memref.load %arg11[%swap3A_86] : memref<1xf32, #tpu.memory_space<smem>>
    memref.store %add3A_85, %arg11[%swap3A_86] : memref<1xf32, #tpu.memory_space<smem>>
    %eq3A_88 = arith.constant 7 : i32
    %eq3A_89 = arith.cmpi eq, %arg0, %eq3A_88 : i32
    %convert_element_type3A_90 = arith.extui %eq3A_89 : i1 to i32
    %cond3A_91 = arith.constant 0 : i32
    %cond3A_92 = arith.cmpi ne, %convert_element_type3A_90, %cond3A_91 : i32
    scf.if %cond3A_92 {
      %get3A_93 = arith.constant 0 : index
      %get3A_94 = memref.load %arg11[%get3A_93] : memref<1xf32, #tpu.memory_space<smem>>
      %broadcast_in_dim3A_95 = vector.broadcast %get3A_94 : f32 to vector<1x1xf32>
      %swap3A_96 = arith.constant 0 : index
      %swap3A_97 = arith.constant 0 : index
      %swap3A_98 = vector.load %arg10[%swap3A_96, %swap3A_97] : memref<1x1xf32, #tpu.memory_space<vmem>>, vector<1x1xf32>
      tpu.vector_store %arg10[%swap3A_96, %swap3A_97], %broadcast_in_dim3A_95 {strides = array<i32>} : memref<1x1xf32, #tpu.memory_space<vmem>>, vector<1x1xf32>,
    } else {
    }
    return
  }
  func.func @transform_0(%arg0: i32) -> (i32, i32) {
    %c0_i32 = arith.constant 0 : i32
    %c0_i32_0 = arith.constant 0 : i32
    return %arg0, %c0_i32 : i32, i32
  }
  func.func @transform_1(%arg0: i32) -> (i32, i32) {
    %c0_i32 = arith.constant 0 : i32
    %c0_i32_0 = arith.constant 0 : i32
    %c0_i32_1 = arith.constant 0 : i32
    return %c0_i32, %c0_i32_0 : i32, i32
  }
  func.func @transform_2(%arg0: i32) -> (i32, i32) {
    %c0_i32 = arith.constant 0 : i32
    %c0_i32_0 = arith.constant 0 : i32
    return %arg0, %c0_i32 : i32, i32
  }
  func.func @transform_3(%arg0: i32) -> (i32, i32) {
    %c0_i32 = arith.constant 0 : i32
    %c0_i32_0 = arith.constant 0 : i32
    return %arg0, %c0_i32 : i32, i32
  }
  func.func @transform_4(%arg0: i32) -> (i32, i32) {
    %c0_i32 = arith.constant 0 : i32
    %c0_i32_0 = arith.constant 0 : i32
    %c0_i32_1 = arith.constant 0 : i32
    return %c0_i32, %c0_i32_0 : i32, i32
  }
  func.func @transform_5(%arg0: i32) -> (i32, i32) {
    %c0_i32 = arith.constant 0 : i32
    %c0_i32_0 = arith.constant 0 : i32
    %c0_i32_1 = arith.constant 0 : i32
    return %c0_i32, %c0_i32_0 : i32, i32
  }
  func.func @transform_6(%arg0: i32) -> (i32, i32) {
    %c0_i32 = arith.constant 0 : i32
    %c0_i32_0 = arith.constant 0 : i32
    %c0_i32_1 = arith.constant 0 : i32
    return %c0_i32, %c0_i32_0 : i32, i32
  }
  func.func @transform_7(%arg0: i32) -> (i32, i32) {
    %c0_i32 = arith.constant 0 : i32
    %c0_i32_0 = arith.constant 0 : i32
    %c0_i32_1 = arith.constant 0 : i32
    return %c0_i32, %c0_i32_0 : i32, i32
  }
  func.func @transform_8(%arg0: i32) -> (i32, i32) {
    %c0_i32 = arith.constant 0 : i32
    %c0_i32_0 = arith.constant 0 : i32
    return %arg0, %c0_i32 : i32, i32
  }
  func.func @transform_9(%arg0: i32) -> (i32, i32) {
    %c0_i32 = arith.constant 0 : i32
    %c0_i32_0 = arith.constant 0 : i32
    %c0_i32_1 = arith.constant 0 : i32
    return %c0_i32, %c0_i32_0 : i32, i32
  }
}

</mosaic_0001>

<sc_bundles>
// kernel: kernel.10.cloned.1.call-start
scs
__scs_entry_jumppad:
0x0: {  	(pc) =	sbr.rel $0x88, $3  }
0x1: {  	(tag) =	ssettag $0x0;
	lr =	simm.s32 $0x1  }
0x2: {  	[smem:$0x3F98] =	sst lr;
	_ =	strace $0xD0000000  }
0x3: {  	_ = 	snop  }
0x4: {  	_ = 	snop  }
0x5: {  	_ = 	snop  }
0x6: {  	_ = 	snop  }
0x7: {  	_ = 	snop  }
__scs_overlays_trampoline_lowered:
0x8: {  	[smem:$0x3FA7] =	sst s0  }
0x9: {  	[smem:$0x3FA8] =	sst s1  }
0xa: {  	[smem:$0x3FA9] =	sst s2  }
0xb: {  	[smem:$0x3FAA] =	sst s3  }
0xc: {  	[smem:$0x3FAB] =	sst s4  }
0xd: {  	[smem:$0x3FAC] =	sst s5  }
0xe: {  	[smem:$0x3FAD] =	sst s6  }
0xf: {  	[smem:$0x3FAE] =	sst s7  }
0x10: {  	[smem:$0x3FAF] =	sst s8  }
0x11: {  	[smem:$0x3FB0] =	sst s9;
	s0 =	simm.s32 @!p0 $0x0  }
0x12: {  	s1 =	sld [smem:$0x3F96];
	s0 =	simm.s32 @p0 $0x1  }
0x13: {  	[smem:$0x3FB1] =	sst s0;
	s0 =	simm.s32 @!p1 $0x0  }
0x14: {  	s2 =	sld [smem:$0x3F95];
	s0 =	simm.s32 @p1 $0x1  }
0x15: {  	[smem:$0x3FB2] =	sst s0;
	s0 =	simm.s32 @!p2 $0x0  }
0x16: {  	s3 =	sld [smem:$0x3FDB];
	s0 =	simm.s32 @p2 $0x1  }
0x17: {  	s4 =	simm.s32 $0x1BF5;
	[smem:$0x3FB4] =	sst s0  }
0x18: {  	s0 =	sld [smem:$0x3F97];
	_ =	swait.ge [sflag:s4], $0x0  }
0x19: {  	s7 =	sld [smem:$0x3F98]  }
0x1a: {  	s8 =	sadd.s32 $0xFFFFE003, lr  }
0x1b: {  	s9 =	sadd.s32 $0xFFFFFEF7, lr;
	s5 =	simm.s32 $0xFFFFFFFF;
	p2 =	slt.u32 s8, $0xFFFFF086  }
0x1c: {  	p1 =	slt.u32 s9, $0xF7A;
	s5 =	simm.s32 @!p2 $0x0  }
0x1d: {  	s5 =	simm.s32 @p1 $0x1;
	p0 =	seq.s32 s7, s2  }
0x1e: {  	s7 =	smul.u32 @!p0 $0xF7A, s2;
	p2 =	seq.s32 @!p0 s5, $0x0  }
0x1f: {  	s9 =	smul.u32 $0xF7A, s1;
	s8 =	simm.s32 @!p0 $0x1BF5;
	p2 =	por !p2, p0  }
0x20: {  	[sflag:s8] =	ssyncset.s32 @!p0 $0xFFFFF086;
	s6 =	sadd.s32 @!p0 s3, s7;
	s7 =	simm.s32 @!p0 $0x108  }
0x21: {  	s3 =	sadd.s32 s3, s9;
	s6 =	sadd.s32 @!p0 $0x88, s6;
	s7 =	simm.s32 @p2 $0x1082  }
0x22: {  	[simem:s7], [sflag:s8] =	dma.local @!p0 [hbm:s6], $0xF7A  }
0x23: {  	s9 =	sor.u32 $0xD0000000, s2;
	s6 =	simm.s32 $0x108;
	_ =	swait.ge @!p0 [sflag:s8], $0x0  }
0x24: {  	s3 =	sadd.s32 $0x88, s3;
	s6 =	simm.s32 @!p1 $0x1082;
	[sflag:s4] =	ssyncset.s32 $0xFFFFF086  }
0x25: {  	[simem:s6], [sflag:s4] =	dma.local [hbm:s3], $0xF7A  }
0x26: {  	[smem:$0x3F98] =	sst s1;
	(tag) =	ssettag s2;
	_ =	strace s9  }
0x27: {  	s1 =	sld [smem:$0x3FA8]  }
0x28: {  	s2 =	sld [smem:$0x3FA9]  }
0x29: {  	s4 =	sld [smem:$0x3FAB]  }
0x2a: {  	p0 =	seq.s32 s5, $0x0;
	s5 =	sld [smem:$0x3FAC]  }
0x2b: {  	s6 =	sld [smem:$0x3FAD]  }
0x2c: {  	s7 =	sld [smem:$0x3FAE]  }
0x2d: {  	s3 =	simm.s32 $0x108;
	s8 =	sld [smem:$0x3FAF]  }
0x2e: {  	s3 =	simm.s32 @!p0 $0x1082;
	s9 =	sld [smem:$0x3FB0]  }
0x2f: {  	lr =	sadd.s32 s0, s3;
	s0 =	sld [smem:$0x3FA7]  }
0x30: {  	s3 =	sld [smem:$0x3FAA]  }
0x31: {  	[smem:$0x3FB3] =	sst s10  }
0x32: {  	s10 =	sld [smem:$0x3FB1];
	_ =	sdelay $0x3  }
0x33: {  	p0 =	seq.s32 s10, $0x1;
	s10 =	sld [smem:$0x3FB3];
	_ =	sdelay $0x3  }
0x34: {  	[smem:$0x3FB3] =	sst s10  }
0x35: {  	s10 =	sld [smem:$0x3FB2];
	_ =	sdelay $0x3  }
0x36: {  	p1 =	seq.s32 s10, $0x1;
	s10 =	sld [smem:$0x3FB3];
	_ =	sdelay $0x3  }
0x37: {  	[smem:$0x3FB3] =	sst s10  }
0x38: {  	s10 =	sld [smem:$0x3FB4]  }
0x39: {  	_ = 	snop;
	(pc) =	sbr.ind lr, $3  }
0x3a: {  	_ = 	snop  }
0x3b: {  	_ = 	snop  }
0x3c: {  	p2 =	seq.s32 s10, $0x1;
	s10 =	sld [smem:$0x3FB3]  }
0x3d: {  	_ =	shalt  }
0x3e: {  	_ =	shalt  }
0x3f: {  	_ =	shalt  }
0x40: {  	_ =	shalt  }
0x41: {  	_ =	shalt  }
0x42: {  	_ =	shalt  }
0x43: {  	_ =	shalt  }
0x44: {  	_ =	shalt  }
0x45: {  	_ =	shalt  }
0x46: {  	_ =	shalt  }
0x47: {  	_ =	shalt  }
0x48: {  	_ =	shalt  }
0x49: {  	_ =	shalt  }
0x4a: {  	_ =	shalt  }
0x4b: {  	_ =	shalt  }
0x4c: {  	_ =	shalt  }
0x4d: {  	_ =	shalt  }
0x4e: {  	_ =	shalt  }
0x4f: {  	_ =	shalt  }
0x50: {  	_ =	shalt  }
0x51: {  	_ =	shalt  }
0x52: {  	_ =	shalt  }
0x53: {  	_ =	shalt  }
0x54: {  	_ =	shalt  }
0x55: {  	_ =	shalt  }
0x56: {  	_ =	shalt  }
0x57: {  	_ =	shalt  }
0x58: {  	_ =	shalt  }
0x59: {  	_ =	shalt  }
0x5a: {  	_ =	shalt  }
0x5b: {  	_ =	shalt  }
0x5c: {  	_ =	shalt  }
0x5d: {  	_ =	shalt  }
0x5e: {  	_ =	shalt  }
0x5f: {  	_ =	shalt  }
0x60: {  	_ =	shalt  }
0x61: {  	_ =	shalt  }
0x62: {  	_ =	shalt  }
0x63: {  	_ =	shalt  }
0x64: {  	_ =	shalt  }
0x65: {  	_ =	shalt  }
0x66: {  	_ =	shalt  }
0x67: {  	_ =	shalt  }
0x68: {  	_ =	shalt  }
0x69: {  	_ =	shalt  }
0x6a: {  	_ =	shalt  }
0x6b: {  	_ =	shalt  }
0x6c: {  	_ =	shalt  }
0x6d: {  	_ =	shalt  }
0x6e: {  	_ =	shalt  }
0x6f: {  	_ =	shalt  }
0x70: {  	_ =	shalt  }
0x71: {  	_ =	shalt  }
0x72: {  	_ =	shalt  }
0x73: {  	_ =	shalt  }
0x74: {  	_ =	shalt  }
0x75: {  	_ =	shalt  }
0x76: {  	_ =	shalt  }
0x77: {  	_ =	shalt  }
0x78: {  	_ =	shalt  }
0x79: {  	_ =	shalt  }
0x7a: {  	_ =	shalt  }
0x7b: {  	_ =	shalt  }
0x7c: {  	_ =	shalt  }
0x7d: {  	_ =	shalt  }
0x7e: {  	_ =	shalt  }
0x7f: {  	_ =	shalt  }
0x80: {  	_ =	shalt  }
0x81: {  	_ =	shalt  }
0x82: {  	_ =	shalt  }
0x83: {  	_ =	shalt  }
0x84: {  	_ =	shalt  }
0x85: {  	_ =	shalt  }
0x86: {  	_ =	shalt  }
0x87: {  	_ =	shalt  }
.Lfunc_end0:
.L_simem_size_0:
called_computation_lowered:
.L_overlay_start_0:
0x88: {  	s2 =	sld [smem:$0x3FD9]  }
0x89: {  	s3 =	sld [smem:$0x3FFE];
	_ =	sdelay $0x1  }
0x8a: {  	s1 =	srdreg.scid  }
0x8b: {  	s0 =	sand.u32 $0x1, s1  }
0x8c: {  	s14 =	sshll.u32 s0, $0xA;
	s2 =	sadd.s32 s3, s2  }
0x8d: {  	s2 =	sadd.s32 s2, s14  }
0x8e: {  	[smem:$0x3FBF] =	sst s2  }
0x8f: {  	_ = 	snop  }
0x90: {  	s2 =	sld [smem:$0x3FD0];
	_ =	sdelay $0x2  }
0x91: {  	s4 =	simm.s32 $0xA;
	s5 =	simm.s32 $0x10;
	s15 =	sld [smem:$0x3FC5]  }
0x92: {  	[smem:s5], [sflag:s4] =	dma.local [hbm:s2], $0x1  }
0x93: {  	_ =	swait.eq [sflag:s4], $0x1  }
0x94: {  	[sflag:s4] =	ssyncset.done $0x0  }
0x95: {  	[sflag:s4] =	ssyncadd.s32 $0xFFFFFFFF  }
0x96: {  	s16 =	sld [smem:$0x10];
	(tm) =	ssettm $0x1  }
0x97: {  	s17 =	sld [smem:$0x3FFB];
	_ =	sdelay $0x3  }
0x98: {  	_ =	strace s17  }
0x99: {  	s4 =	sld [smem:$0x3FFC];
	_ =	sdelay $0x3  }
0x9a: {  	_ =	strace s4  }
0x9b: {  	s4 =	sld [smem:$0x3FFD];
	_ =	sdelay $0x3  }
0x9c: {  	_ =	strace s4  }
0x9d: {  	_ =	strace $0x8FFFFFFF  }
0x9e: {  	s18 =	sld [smem:$0x3FDB];
	_ =	sdelay $0x1  }
0x9f: {  	s19 =	simm.s32 $_scs_section_size  }
0xa0: {  	s6 =	simm.s32 $_size__tile_overlayer_lowered;
	s7 =	simm.s32 $_tile_overlayer_lowered  }
0xa1: {  	s22 =	simm.s32 $0x1BFF;
	s21 =	sshll.u32 s7, $0x1;
	s4 =	sadd.s32 s19, s18  }
0xa2: {  	s8 =	simm.s32 $0x0;
	s20 =	sshll.u32 s6, $0x1;
	s6 =	sadd.s32 s21, s4  }
0xa3: {  	[timem:s8], [sflag:s22] =	dma.local [hbm:s6], s20  }
0xa4: {  	_ =	swait.ge [sflag:s22], s20  }
0xa5: {  	s5 =	ssub.s32 $0x0, s20;
	[sflag:s22] =	ssyncset.done $0x0  }
0xa6: {  	[sflag:s22] =	ssyncadd.s32 s5;
	_ =	sdelay $0x1  }
0xa7: {  	s23 =	simm.s32 $0x1B8B  }
0xa8: {  	_ =	swait.ge [sflag:s23], $0x1  }
0xa9: {  	[sflag:s23] =	ssyncset.done $0x0  }
0xaa: {  	s25 =	simm.s32 $0x1B8E;
	s24 =	sld [smem:$0x3FFE];
	[sflag:s23] =	ssyncadd.s32 $0xFFFFFFFF  }
0xab: {  	s26 =	simm.s32 $execute0_lowered;
	[smem:$0x3FD2] =	sst s25  }
0xac: {  	s6 =	sshll.u32 s26, $0x1;
	_ =	strace $0x80000046;
	[dreg:$0x1] =	wrdreg $0xFFFFFFFF  }
0xad: {  	s28 =	simm.s32 $_size_execute0_lowered;
	s4 =	sadd.s32 s4, s6;
	[dreg:$0x0] =	wrdreg $0x0  }
0xae: {  	s6 =	sshll.u32 s28, $0x1;
	[dreg:$0x2] =	wrdreg s4  }
0xaf: {  	[dreg:$0x3] =	wrdreg s6  }
0xb0: {  	[dreg:$0x4] =	wrdreg $0xC0  }
0xb1: {  	_ =	task [dreg:s8], $0x5FFFF  }
0xb2: {  	[dreg:$0x1] =	wrdreg $0xFFFFFFFF  }
0xb3: {  	[dreg:$0x0] =	wrdreg $0x60  }
0xb4: {  	[dreg:$0x2] =	wrdreg s15  }
0xb5: {  	[dreg:$0x3] =	wrdreg s24  }
0xb6: {  	[dreg:$0x4] =	wrdreg s16  }
0xb7: {  	[dreg:$0x5] =	wrdreg $0x9  }
0xb8: {  	_ =	task.clear_ibuf [dreg:s8], $0x6FFFF;
	_ =	strace $0x90000046  }
0xb9: {  	s29 =	simm.s32 $0x9;
	_ =	strace $0x80000048  }
0xba: {  	_ =	swait.ge [sflag:s29], $0x1  }
0xbb: {  	[sflag:s29] =	ssyncadd.s32 $0xFFFFFFFF  }
0xbc: {  	_ =	strace $0x90000048  }
0xbd: {  	_ =	sfence  }
0xbe: {  	s30 =	sld [smem:$0x0];
	_ =	sdelay $0x2  }
0xbf: {  	s31 =	sshll.u32 s1, $0xD;
	s1 =	sshrl.u32 s1, $0x2  }
0xc0: {  	s3 =	sand.u32 $0x4000, s31;
	s1 =	sadd.s32 s1, s30  }
0xc1: {  	s0 =	sor.u32 s3, s0;
	s1 =	sshll.u32 s1, $0x11  }
0xc2: {  	s0 =	sor.u32 s1, s0  }
0xc3: {  	s0 =	sadd.s32 $0x8F2B, s0  }
0xc4: {  	[sflag:s0] =	ssyncadd.remote.s32 $0x1  }
0xc5: {  	_ =	sfence.sel $0xFFFF  }
0xc6: {  	[dreg:$0x0] =	wrdreg $0xFFFFFFFF;
	(pc) =	sbr.abs _section_cstart, $3  }
0xc7: {  	[dreg:$0x1] =	wrdreg $0xFFFFFFFF  }
0xc8: {  	_ =	task.clear_ibuf [dreg:s8], $0x2FFFF;
	_ =	strace $0x9FFFFFFF  }
0xc9: {  	(tm) =	ssettm $0x7FFFFFFF  }
tec
execute0_lowered:
.L_overlay_start_1:
0x0: {  	(tag) =	ssettag $0x1  }
0x1: {  	s1 =	rddreg [dreg:$0x0]  }
0x2: {  	s6 =	rddreg [dreg:$0x1]  }
0x3: {  	s9 =	rddreg [dreg:$0x2];
	s3 =	srdreg.scid  }
0x4: {  	s0 =	rddreg [dreg:$0x3];
	s2 =	stileid.u32  }
0x5: {  	s15 =	simm.s32 $0x100;
	s16 =	simm.s32 $0x180;
	s17 =	simm.s32 $0x980  }
0x6: {  	s18 =	simm.s32 $0x1180;
	s19 =	simm.s32 $0x1980;
	s20 =	simm.s32 $0x2180  }
0x7: {  	s21 =	simm.s32 $0x2980;
	s22 =	simm.s32 $0x3180;
	s23 =	simm.s32 $0x3980  }
0x8: {  	s24 =	simm.s32 $0x40;
	s25 =	simm.s32 $0x4180;
	s26 =	simm.s32 $0x6180  }
0x9: {  	s28 =	simm.s32 $0x1;
	s29 =	simm.s32 $0x2;
	s30 =	simm.s32 $0x3  }
0xa: {  	s7 =	sand.u32 $0x1, s3;
	s3 =	simm.s32 $0x0;
	s4 =	sshll.u32 s2, $0x7  }
0xb: {  	s5 =	sshll.u32 s7, $0x6;
	[smem:$0x7FF] =	sst s3;
	s7 =	ssub.s32 $0x2, s7  }
0xc: {  	s8 =	sor.u32 s5, s4;
	_ =	strace $0x80000047;
	s4 =	sadd.s32 $0xB7A00, s6  }
0xd: {  	s5 =	sadd.s32 $0x1C9200, s6;
	s13 =	sshrl.u32 s7, $0x1;
	s10 =	sshrl.u32 s8, $0x3  }
0xe: {  	s12 =	sshll.u32 s8, $0x5;
	s8 =	sshll.u32 s8, $0x4;
	s13 =	ssub.s32 s7, s13  }
0xf: {  	s11 =	sadd.s32 s10, s6;
	s12 =	sadd.s32 s12, s6;
	s14 =	sadd.s32 s8, s6  }
0x10: {  	v2 =	vlaneseq.u32;
	s6 =	sadd.s32 $0x1B200, s11;
	s7 =	sadd.s32 $0x1B400, s11;
	s8 =	sadd.s32 $0x1E1A00, s12  }
0x11: {  	vm0 =	vmmov $0xffff;
	v1 =	vshrl.u32 v2, $0x3;
	s9 =	sadd.s32 s9, s10;
	s10 =	sadd.s32 $0x1F1A00, s14;
	s11 =	sadd.s32 $0x1F9A00, s14  }
0x12: {  	v0 =	vand.u32 $0x7, v2;
	v2 =	vor.u32 $0x8, v2;
	v1 =	vmul.u32 $0x8, v1;
	s12 =	smax.u32 s13, $0x1;
	s13 =	simm.s32 $0x4;
	s14 =	simm.s32 $0x80  }
.LBB2_1:
0x13: {  	[tilespmem:s3], [sflag:$0x4] =	stream.linear.gather [hbm4b:s9+s3], $0x40, $0x38;
	[tilespmem:$0x8180] =	vst v63  }
0x14: {  	_ =	swait.ge [sflag:s13], $0x40  }
0x15: {  	[sflag:s13] =	ssyncset.done $0x0  }
0x16: {  	[sflag:s13] =	ssyncadd.s32 $0xFFFFFFC0  }
0x17: {  	[tilespmem:s14], [sflag:$0x4] =	stream.linear.gather [hbm4b:s6+s3], $0x40, $0x38;
	[tilespmem:$0x8180] =	vst v63  }
0x18: {  	_ =	swait.ge [sflag:s13], $0x40  }
0x19: {  	[sflag:s13] =	ssyncset.done $0x0  }
0x1a: {  	[sflag:s13] =	ssyncadd.s32 $0xFFFFFFC0  }
0x1b: {  	[tilespmem:s15], [sflag:$0x4] =	stream.linear.gather [hbm4b:s7+s3], $0x40, $0x38;
	[tilespmem:$0x8180] =	vst v63  }
0x1c: {  	_ =	swait.ge [sflag:s13], $0x40  }
0x1d: {  	[sflag:s13] =	ssyncset.done $0x0  }
0x1e: {  	[sflag:s13] =	ssyncadd.s32 $0xFFFFFFC0  }
0x1f: {  	v3 =	vld [tilespmem:$0x0];
	_ =	sdelay $0x4  }
0x20: {  	v4 =	vshll.u32 v3, $0x1  }
0x21: {  	v3 =	vand.u32 $0x7, v3;
	v4 =	vand.u32 $0xFFFFFFF0, v4  }
0x22: {  	v3 =	vor.u32 v3, v4  }
0x23: {  	v4 =	vperm.xlane v3, v0;
	_ =	sdelay $0x1  }
0x24: {  	v3 =	vperm.xlane v3, v2;
	v4 =	vadd.s32 v1, v4;
	_ =	sdelay $0x1  }
0x25: {  	v3 =	vadd.s32 v1, v3;
	_ =	sdelay $0x2  }
0x26: {  	[tilespmem:s16], [sflag:$0x1] =	stream.indirect_vreg.gather [hbm4b:s1+s3], $0x80, v4, vm0, $0xb8;
	[tilespmem:$0x8180] =	vst v63  }
0x27: {  	_ = 	snop  }
0x28: {  	[tilespmem:s17], [sflag:$0x1] =	stream.indirect_vreg.gather [hbm4b:s1+s3], $0x80, v3, vm0, $0xb8;
	[tilespmem:$0x8180] =	vst v63  }
0x29: {  	v3 =	vld [tilespmem:$0x10];
	_ =	sdelay $0x4  }
0x2a: {  	v61 =	vshll.u32 v3, $0x1  }
0x2b: {  	v3 =	vand.u32 $0x7, v3;
	v4 =	vand.u32 $0xFFFFFFF0, v61  }
0x2c: {  	v3 =	vor.u32 v3, v4  }
0x2d: {  	v4 =	vperm.xlane v3, v0;
	_ =	sdelay $0x1  }
0x2e: {  	v3 =	vperm.xlane v3, v2;
	v4 =	vadd.s32 v1, v4;
	_ =	sdelay $0x1  }
0x2f: {  	v3 =	vadd.s32 v1, v3;
	_ =	sdelay $0x2  }
0x30: {  	[tilespmem:s18], [sflag:$0x1] =	stream.indirect_vreg.gather [hbm4b:s1+s3], $0x80, v4, vm0, $0xb8;
	[tilespmem:$0x8180] =	vst v63  }
0x31: {  	_ = 	snop  }
0x32: {  	[tilespmem:s19], [sflag:$0x1] =	stream.indirect_vreg.gather [hbm4b:s1+s3], $0x80, v3, vm0, $0xb8;
	[tilespmem:$0x8180] =	vst v63  }
0x33: {  	v3 =	vld [tilespmem:$0x20];
	_ =	sdelay $0x4  }
0x34: {  	v62 =	vshll.u32 v3, $0x1  }
0x35: {  	v3 =	vand.u32 $0x7, v3;
	v4 =	vand.u32 $0xFFFFFFF0, v62  }
0x36: {  	v3 =	vor.u32 v3, v4  }
0x37: {  	v4 =	vperm.xlane v3, v0;
	_ =	sdelay $0x1  }
0x38: {  	v3 =	vperm.xlane v3, v2;
	v4 =	vadd.s32 v1, v4;
	_ =	sdelay $0x1  }
0x39: {  	v3 =	vadd.s32 v1, v3;
	_ =	sdelay $0x2  }
0x3a: {  	[tilespmem:s20], [sflag:$0x1] =	stream.indirect_vreg.gather [hbm4b:s1+s3], $0x80, v4, vm0, $0xb8;
	[tilespmem:$0x8180] =	vst v63  }
0x3b: {  	_ = 	snop  }
0x3c: {  	[tilespmem:s21], [sflag:$0x1] =	stream.indirect_vreg.gather [hbm4b:s1+s3], $0x80, v3, vm0, $0xb8;
	[tilespmem:$0x8180] =	vst v63  }
0x3d: {  	v3 =	vld [tilespmem:$0x30];
	_ =	sdelay $0x4  }
0x3e: {  	v63 =	vshll.u32 v3, $0x1  }
0x3f: {  	v3 =	vand.u32 $0x7, v3;
	v4 =	vand.u32 $0xFFFFFFF0, v63  }
0x40: {  	v3 =	vor.u32 v3, v4  }
0x41: {  	v4 =	vperm.xlane v3, v0;
	_ =	sdelay $0x1  }
0x42: {  	v3 =	vperm.xlane v3, v2;
	v4 =	vadd.s32 v1, v4;
	_ =	sdelay $0x1  }
0x43: {  	v3 =	vadd.s32 v1, v3;
	_ =	sdelay $0x2  }
0x44: {  	[tilespmem:s22], [sflag:$0x1] =	stream.indirect_vreg.gather [hbm4b:s1+s3], $0x80, v4, vm0, $0xb8;
	[tilespmem:$0x8180] =	vst v63  }
0x45: {  	_ = 	snop  }
0x46: {  	[tilespmem:s23], [sflag:$0x1] =	stream.indirect_vreg.gather [hbm4b:s1+s3], $0x80, v3, vm0, $0xb8;
	[tilespmem:$0x8180] =	vst v63  }
0x47: {  	_ = 	snop  }
0x48: {  	[tilespmem:s25], [sflag:$0x2] =	stream.indirect.gather [hbm4b:s4+s24], $0x80, s14, s24, $0xb8;
	[tilespmem:$0x8180] =	vst v63  }
0x49: {  	_ = 	snop  }
0x4a: {  	[tilespmem:s26], [sflag:$0x3] =	stream.indirect.gather [hbm4b:s5+s24], $0x80, s15, s24, $0xb8;
	[tilespmem:$0x8180] =	vst v63  }
0x4b: {  	_ =	swait.ge [sflag:s28], $0x4000  }
0x4c: {  	[sflag:s28] =	ssyncset.done $0x0  }
0x4d: {  	[sflag:s28] =	ssyncadd.s32 $0xFFFFC000  }
0x4e: {  	[hbm4b:s8+s3] =	stream.linear.scatter [tilespmem:s16], [sflag:$0x4], $0x4000, $0x38;
	[tilespmem:$0x8180] =	vst v63  }
0x4f: {  	_ =	swait.ge [sflag:s13], $0x4000  }
0x50: {  	[sflag:s13] =	ssyncset.done $0x0  }
0x51: {  	[sflag:s13] =	ssyncadd.s32 $0xFFFFC000  }
0x52: {  	_ =	swait.ge [sflag:s29], $0x2000  }
0x53: {  	[sflag:s29] =	ssyncset.done $0x0  }
0x54: {  	[sflag:s29] =	ssyncadd.s32 $0xFFFFE000  }
0x55: {  	[hbm4b:s10+s3] =	stream.linear.scatter [tilespmem:s25], [sflag:$0x4], $0x2000, $0x38;
	[tilespmem:$0x8180] =	vst v63  }
0x56: {  	_ =	swait.ge [sflag:s13], $0x2000  }
0x57: {  	[sflag:s13] =	ssyncset.done $0x0  }
0x58: {  	[sflag:s13] =	ssyncadd.s32 $0xFFFFE000  }
0x59: {  	_ =	swait.ge [sflag:s30], $0x2000  }
0x5a: {  	p0 =	sne.s32 s12, $0x1;
	[sflag:s30] =	ssyncset.done $0x0  }
.Ltmp0:
0x5b: {  	[sflag:s30] =	ssyncadd.s32 $0xFFFFE000;
	(pc) =	sbr.rel @p0 .LBB2_1-.Ltmp0, $4  }
0x5c: {  	[hbm4b:s11+s3] =	stream.linear.scatter [tilespmem:s26], [sflag:$0x4], $0x2000, $0x38;
	[tilespmem:$0x8180] =	vst v63  }
0x5d: {  	_ =	swait.ge [sflag:s13], $0x2000  }
0x5e: {  	[sflag:s13] =	ssyncset.done $0x0  }
0x5f: {  	s12 =	sadd.s32 $0xFFFFFFFF, s12;
	[sflag:s13] =	ssyncadd.s32 $0xFFFFE000  }
0x60: {  	_ =	sfence.sel $0x180000  }
0x61: {  	[bflag:$0x0] =	sbarrier.arrive $0xFFFF  }
0x62: {  	p0 =	sne.s32 s2, $0x0;
	_ =	strace $0x90000047  }
0x63: {  	s0 =	sadd.s32 @!p0 $0x100000, s0;
	[bflag:$0x2] =	sbarrier.arrive $0xFFFF  }
0x64: {  	[sflag:s0] =	ssyncadd.tile.s32 @!p0 $0x1;
	_ =	shalt  }
.Lfunc_end2:
_tile_overlayer_lowered:
.L_overlay_start_2:
0x65: {  	(tag) =	ssettag $0x2  }
0x66: {  	s0 =	rddreg [dreg:$0x0];
	s2 =	stileid.u32  }
0x67: {  	s1 =	rddreg [dreg:$0x1];
	p0 =	sne.s32 s2, $0x0  }
0x68: {  	s3 =	rddreg [dreg:$0x2];
	[bflag:$0x3] =	sbarrier.arrive $0xFFFF;
	s2 =	simm.s32 @!p0 $0x1C04  }
0x69: {  	[timem:s3], [sflag:s2] =	dma.local @!p0 [hbm:s0], s1  }
0x6a: {  	s0 =	simm.s32 @!p0 $0x4  }
0x6b: {  	_ =	swait.ge @!p0 [sflag:s0], s1  }
0x6c: {  	s1 =	ssub.s32 @!p0 $0x0, s1;
	[sflag:s0] =	ssyncset.done @!p0 $0x0  }
0x6d: {  	[sflag:s0] =	ssyncadd.s32 @!p0 s1  }
0x6e: {  	[bflag:$0x3] =	sbarrier.arrive $0xFFFF  }
0x6f: {  	_ =	shalt  }

</sc_bundles>
